<compile_context>
chip_gen: v7x
topology: tpu7x:2x2x1
jax: 0.10.2.dev20260603
libtpu: 0.0.44.dev20260713+nightly
codegen_flags: <defaults>
</compile_context>

<pallas_src>
import functools

import jax
import jax.numpy as jnp
from jax import lax
from jax.experimental import pallas as pl
from jax.experimental.pallas import tpu as pltpu
from jax.experimental.pallas import tpu_sc as plsc

B, L, D, V = 4096, 200, 64, 1024
N = B * L
PW = 128
NC, NS = 2, 16
NW = NC * NS
BPW = B // NW
PER_W = BPW * L
C1, C2 = 128, L - 128
NBUF = 8
NGRP = BPW // NBUF
GIDX = NBUF * L

_mesh = plsc.VectorSubcoreMesh(core_axis_name="c", subcore_axis_name="s")


@functools.partial(
    pl.kernel,
    mesh=_mesh,
    compiler_params=pltpu.CompilerParams(use_tc_tiling_on_sc=False),
    out_type=jax.ShapeDtypeStruct((B, L, PW), jnp.float32),
    scratch_types=[
        pltpu.VMEM((2, NBUF, L), jnp.int32),
        pltpu.VMEM((2, NBUF, L), jnp.int32),
        pltpu.VMEM((NBUF, L, D), jnp.float32),
        pltpu.VMEM_SHARED((V, D), jnp.float32),
        pltpu.VMEM_SHARED((V, D), jnp.float32),
        pltpu.SemaphoreType.DMA((2,)),
        pltpu.SemaphoreType.DMA((NBUF,)),
        pltpu.SemaphoreType.DMA((NBUF,)),
        pltpu.SemaphoreType.DMA((NBUF,)),
    ],
)
def _emb_sum_kernel(i1_hbm, i2_hbm, t1_hbm, t2_hbm, out_hbm,
                    idx1, idx2, rbuf, sh1, sh2, semi, sem1, sem2, sem3):
    wid = lax.axis_index("s") * NC + lax.axis_index("c")
    base = wid * PER_W

    @pl.when(lax.axis_index("s") == 0)
    def _stage_tables():
        pltpu.sync_copy(t1_hbm, sh1)
        pltpu.sync_copy(t2_hbm, sh2)

    def idx_pairs(g, slot):
        row0 = wid * BPW + g * NBUF
        return [
            (i1_hbm.at[pl.ds(row0, NBUF)], idx1.at[slot]),
            (i2_hbm.at[pl.ds(row0, NBUF)], idx2.at[slot]),
        ]

    def fire_idx(g, slot):
        for src, dst in idx_pairs(g, slot):
            pltpu.async_copy(src, dst, semi.at[slot])

    def wait_idx(g, slot):
        for src, dst in idx_pairs(g, slot):
            pltpu.make_async_copy(src, dst, semi.at[slot]).wait()

    fire_idx(0, 0)
    plsc.subcore_barrier()

    def gather_parts(table, idx, slot, b):
        return [
            (table.at[idx.at[slot, b, pl.ds(0, C1)]],
             rbuf.at[b, pl.ds(0, C1)]),
            (table.at[idx.at[slot, b, pl.ds(C1, C2)]],
             rbuf.at[b, pl.ds(C1, C2)]),
        ]

    def fire_gathers(table, idx, slot, b, sem, add):
        for src, dst in gather_parts(table, idx, slot, b):
            pltpu.async_copy(src, dst, sem.at[b], add=add)

    def wait_gathers(table, idx, slot, b, sem):
        for src, dst in gather_parts(table, idx, slot, b):
            pltpu.make_async_copy(src, dst, sem.at[b]).wait()

    def store_pair(g, b):
        return (rbuf.at[b],
                out_hbm.at[wid * BPW + g * NBUF + b, :, pl.ds(0, D)])

    def group(g, carry):
        slot = g % 2
        wait_idx(g, slot)
        @pl.when(g + 1 < NGRP)
        def _prefetch():
            fire_idx(g + 1, (g + 1) % 2)
        for b in range(NBUF):
            @pl.when(g > 0)
            def _drain(b=b):
                src, dst = store_pair(g, b)
                pltpu.make_async_copy(src, dst, sem3.at[b]).wait()
            fire_gathers(sh1, idx1, slot, b, sem1, False)
        for b in range(NBUF):
            wait_gathers(sh1, idx1, slot, b, sem1)
            fire_gathers(sh2, idx2, slot, b, sem2, True)
        for b in range(NBUF):
            wait_gathers(sh2, idx2, slot, b, sem2)
            src, dst = store_pair(g, b)
            pltpu.async_copy(src, dst, sem3.at[b])
        return carry

    lax.fori_loop(0, NGRP, group, 0)

    for b in range(NBUF):
        src, dst = store_pair(NGRP - 1, b)
        pltpu.make_async_copy(src, dst, sem3.at[b]).wait()


def kernel(pos_1, pos_2, table1, table2):
    zrow = jnp.zeros((1, D), jnp.float32)
    t1a = jnp.concatenate([zrow, table1[: V - 1]], axis=0)
    t2a = jnp.concatenate([zrow, table2[: V - 1]], axis=0)
    i1 = pos_1.astype(jnp.int32)
    i2 = pos_2.astype(jnp.int32)
    out = _emb_sum_kernel(i1, i2, t1a, t2a)
    return out[..., :D]

# --- scband reference (transcript-rebuilt; emitter-appended) ---
"""Pipeline reference for scband-positional-embedding-37117107372678 (READ-ONLY COPY).

The authoritative reference and input builder live on the scoring server;
editing this copy changes nothing except your own understanding.
"""

import jax, jax.numpy as jnp
import numpy as np

B, L, D, V = 4096, 200, 64, 1024

FEAT_VOCAB = 1000
FEAT_DIM = int(FEAT_VOCAB ** 0.7)  # 125

def setup_inputs(seed: int = 0) -> dict:
    key = jax.random.key(seed)
    k1, k2, k3, k4 = jax.random.split(key, 4)
    pos_1 = jax.random.randint(k1, (B, L), 0, V)
    pos_2 = jax.random.randint(k2, (B, L), 0, V)
    table1 = jax.random.normal(k3, (V, D), dtype=jnp.float32)
    table2 = jax.random.normal(k4, (V, D), dtype=jnp.float32)
    return {"pos_1": pos_1, "pos_2": pos_2, "table1": table1, "table2": table2}

def reference(pos_1, pos_2, table1, table2):
    # faithful translation of the dual-position (GLM-style) branch
    p1 = pos_1 - 1
    p2 = pos_2 - 1
    mask1 = p1 != -1
    mask2 = p2 != -1
    v1 = jnp.where(mask1, p1, 0)
    v2 = jnp.where(mask2, p2, 0)
    e1 = jnp.take(table1, v1, axis=0)
    e1 = jnp.where(mask1[..., None], e1, 0.0)
    e2 = jnp.take(table2, v2, axis=0)
    e2 = jnp.where(mask2[..., None], e2, 0.0)
    return e1 + e2

if __name__ == "__main__":
    import jax
    _d = setup_inputs()
    print(jax.jit(kernel)(*tuple(_d.values())))

</pallas_src>

<mosaic_0001>
#map = affine_map<(d0, d1) -> (0, 0)>
#map1 = affine_map<(d0, d1) -> (0, 0, 0)>
module attributes {stable_mosaic.version = 14 : i64} {
  func.func @_emb_sum_kernel(%arg0: i32, %arg1: i32, %arg2: memref<4096x200xi32, #tpu.memory_space<hbm>>, %arg3: memref<4096x200xi32, #tpu.memory_space<hbm>>, %arg4: memref<1024x64xf32, #tpu.memory_space<hbm>>, %arg5: memref<1024x64xf32, #tpu.memory_space<hbm>>, %arg6: memref<4096x200x128xf32, #tpu.memory_space<hbm>>, %arg7: memref<2x8x200xi32, #tpu.memory_space<vmem>>, %arg8: memref<2x8x200xi32, #tpu.memory_space<vmem>>, %arg9: memref<8x200x64xf32, #tpu.memory_space<vmem>>, %arg10: memref<1024x64xf32, #tpu.memory_space<vmem_shared>>, %arg11: memref<1024x64xf32, #tpu.memory_space<vmem_shared>>, %arg12: memref<2x!tpu.dma_semaphore, #tpu.memory_space<semaphore_mem>>, %arg13: memref<8x!tpu.dma_semaphore, #tpu.memory_space<semaphore_mem>>, %arg14: memref<8x!tpu.dma_semaphore, #tpu.memory_space<semaphore_mem>>, %arg15: memref<8x!tpu.dma_semaphore, #tpu.memory_space<semaphore_mem>>) attributes {dimension_semantics = [#tpu.dimension_semantics<core_parallel>, #tpu.dimension_semantics<subcore_parallel>], iteration_bounds = array<i64: 2, 16>, scalar_prefetch = 0 : i64, scratch_operands = 9 : i64, tpu.core_type = #tpu.core_type<sc_vector_subcore>, window_params = [{transform_indices = #map}, {transform_indices = #map}, {transform_indices = #map}, {transform_indices = #map}, {transform_indices = #map1}]} {
    %mul3A = arith.constant 2 : i32
    %mul3A_0 = arith.muli %arg1, %mul3A : i32
    %add3A = arith.addi %mul3A_0, %arg0 : i32
    %mul3A_1 = arith.constant 25600 : i32
    %mul3A_2 = arith.muli %add3A, %mul3A_1 : i32
    %eq3A = arith.constant 0 : i32
    %eq3A_3 = arith.cmpi eq, %arg1, %eq3A : i32
    %convert_element_type3A = arith.extui %eq3A_3 : i1 to i32
    %cond3A = arith.constant 0 : i32
    %cond3A_4 = arith.cmpi ne, %convert_element_type3A, %cond3A : i32
    scf.if %cond3A_4 {
      "tpu.region"() ({
        %run_scoped3A = tpu.sem_alloc : memref<!tpu.dma_semaphore, #tpu.memory_space<semaphore_mem>>
        tpu.enqueue_dma source(%arg4 : memref<1024x64xf32, #tpu.memory_space<hbm>>) target(%arg10 : memref<1024x64xf32, #tpu.memory_space<vmem_shared>>) target_semaphore(%run_scoped3A : memref<!tpu.dma_semaphore, #tpu.memory_space<semaphore_mem>>)
        tpu.wait_dma2 semaphore(%run_scoped3A : memref<!tpu.dma_semaphore, #tpu.memory_space<semaphore_mem>>) src(%arg4 : memref<1024x64xf32, #tpu.memory_space<hbm>>) dst(%arg10 : memref<1024x64xf32, #tpu.memory_space<vmem_shared>>)
        tpu.yield
      }) : () -> ()
      "tpu.region"() ({
        %run_scoped3A = tpu.sem_alloc : memref<!tpu.dma_semaphore, #tpu.memory_space<semaphore_mem>>
        tpu.enqueue_dma source(%arg5 : memref<1024x64xf32, #tpu.memory_space<hbm>>) target(%arg11 : memref<1024x64xf32, #tpu.memory_space<vmem_shared>>) target_semaphore(%run_scoped3A : memref<!tpu.dma_semaphore, #tpu.memory_space<semaphore_mem>>)
        tpu.wait_dma2 semaphore(%run_scoped3A : memref<!tpu.dma_semaphore, #tpu.memory_space<semaphore_mem>>) src(%arg5 : memref<1024x64xf32, #tpu.memory_space<hbm>>) dst(%arg11 : memref<1024x64xf32, #tpu.memory_space<vmem_shared>>)
        tpu.yield
      }) : () -> ()
    } else {
    }
    %mul3A_5 = arith.constant 128 : i32
    %mul3A_6 = arith.muli %add3A, %mul3A_5 : i32
    %add3A_7 = arith.constant 0 : i32
    %add3A_8 = arith.addi %mul3A_6, %add3A_7 : i32
    %dma_start3A = arith.constant 0 : i32
    %dma_start3A_9 = arith.constant 0 : i32
    %dma_start3A_10 = arith.constant 0 : i32
    %dma_start3A_11 = arith.constant 0 : i32
    %dma_start3A_12 = tpu.memref_slice %arg7[%dma_start3A, %dma_start3A_10, %dma_start3A_11] : memref<2x8x200xi32, #tpu.memory_space<vmem>> -> memref<1x8x200xi32, #tpu.memory_space<vmem>>
    %dma_start3A_13 = tpu.memref_squeeze %dma_start3A_12 : memref<1x8x200xi32, #tpu.memory_space<vmem>> -> memref<8x200xi32, #tpu.memory_space<vmem>>
    %dma_start3A_14 = arith.constant 0 : i32
    %dma_start3A_15 = tpu.memref_slice %arg2[%add3A_8, %dma_start3A_14] : memref<4096x200xi32, #tpu.memory_space<hbm>> -> memref<8x200xi32, #tpu.memory_space<hbm>>
    %dma_start3A_16 = tpu.memref_slice %arg12[%dma_start3A_9] : memref<2x!tpu.dma_semaphore, #tpu.memory_space<semaphore_mem>> -> memref<1x!tpu.dma_semaphore, #tpu.memory_space<semaphore_mem>>
    %dma_start3A_17 = tpu.memref_squeeze %dma_start3A_16 : memref<1x!tpu.dma_semaphore, #tpu.memory_space<semaphore_mem>> -> memref<!tpu.dma_semaphore, #tpu.memory_space<semaphore_mem>>
    %dma_start3A_18 = arith.constant 0 : i32
    %dma_start3A_19 = arith.constant 0 : i32
    %dma_start3A_20 = tpu.memref_slice %arg7[%dma_start3A, %dma_start3A_18, %dma_start3A_19] : memref<2x8x200xi32, #tpu.memory_space<vmem>> -> memref<1x8x200xi32, #tpu.memory_space<vmem>>
    %dma_start3A_21 = tpu.memref_squeeze %dma_start3A_20 : memref<1x8x200xi32, #tpu.memory_space<vmem>> -> memref<8x200xi32, #tpu.memory_space<vmem>>
    %dma_start3A_22 = arith.constant 0 : i32
    %dma_start3A_23 = tpu.memref_slice %arg2[%add3A_8, %dma_start3A_22] : memref<4096x200xi32, #tpu.memory_space<hbm>> -> memref<8x200xi32, #tpu.memory_space<hbm>>
    tpu.enqueue_dma source(%dma_start3A_23 : memref<8x200xi32, #tpu.memory_space<hbm>>) target(%dma_start3A_21 : memref<8x200xi32, #tpu.memory_space<vmem>>) target_semaphore(%dma_start3A_17 : memref<!tpu.dma_semaphore, #tpu.memory_space<semaphore_mem>>)
    %dma_start3A_24 = arith.constant 0 : i32
    %dma_start3A_25 = arith.constant 0 : i32
    %dma_start3A_26 = arith.constant 0 : i32
    %dma_start3A_27 = arith.constant 0 : i32
    %dma_start3A_28 = tpu.memref_slice %arg8[%dma_start3A_24, %dma_start3A_26, %dma_start3A_27] : memref<2x8x200xi32, #tpu.memory_space<vmem>> -> memref<1x8x200xi32, #tpu.memory_space<vmem>>
    %dma_start3A_29 = tpu.memref_squeeze %dma_start3A_28 : memref<1x8x200xi32, #tpu.memory_space<vmem>> -> memref<8x200xi32, #tpu.memory_space<vmem>>
    %dma_start3A_30 = arith.constant 0 : i32
    %dma_start3A_31 = tpu.memref_slice %arg3[%add3A_8, %dma_start3A_30] : memref<4096x200xi32, #tpu.memory_space<hbm>> -> memref<8x200xi32, #tpu.memory_space<hbm>>
    %dma_start3A_32 = tpu.memref_slice %arg12[%dma_start3A_25] : memref<2x!tpu.dma_semaphore, #tpu.memory_space<semaphore_mem>> -> memref<1x!tpu.dma_semaphore, #tpu.memory_space<semaphore_mem>>
    %dma_start3A_33 = tpu.memref_squeeze %dma_start3A_32 : memref<1x!tpu.dma_semaphore, #tpu.memory_space<semaphore_mem>> -> memref<!tpu.dma_semaphore, #tpu.memory_space<semaphore_mem>>
    %dma_start3A_34 = arith.constant 0 : i32
    %dma_start3A_35 = arith.constant 0 : i32
    %dma_start3A_36 = tpu.memref_slice %arg8[%dma_start3A_24, %dma_start3A_34, %dma_start3A_35] : memref<2x8x200xi32, #tpu.memory_space<vmem>> -> memref<1x8x200xi32, #tpu.memory_space<vmem>>
    %dma_start3A_37 = tpu.memref_squeeze %dma_start3A_36 : memref<1x8x200xi32, #tpu.memory_space<vmem>> -> memref<8x200xi32, #tpu.memory_space<vmem>>
    %dma_start3A_38 = arith.constant 0 : i32
    %dma_start3A_39 = tpu.memref_slice %arg3[%add3A_8, %dma_start3A_38] : memref<4096x200xi32, #tpu.memory_space<hbm>> -> memref<8x200xi32, #tpu.memory_space<hbm>>
    tpu.enqueue_dma source(%dma_start3A_39 : memref<8x200xi32, #tpu.memory_space<hbm>>) target(%dma_start3A_37 : memref<8x200xi32, #tpu.memory_space<vmem>>) target_semaphore(%dma_start3A_33 : memref<!tpu.dma_semaphore, #tpu.memory_space<semaphore_mem>>)
    %barrier3A = arith.constant 0 : index
    tpu.barrier barrier_id(%barrier3A)
    %scan3A = arith.constant 0 : i32
    %scan3A_40 = arith.constant 0 : i32
    %scan3A_41 = arith.constant 16 : i32
    %scan3A_42 = arith.addi %scan3A_40, %scan3A_41 : i32
    %scan3A_43 = arith.constant 1 : i32
    scf.for %scan3A_252 = %scan3A_40 to %scan3A_42 step %scan3A_43  : i32 {
      %jit3A = arith.constant 2 : i32
      %eq3A_253 = arith.constant 0 : i32
      %eq3A_254 = arith.cmpi eq, %jit3A, %eq3A_253 : i32
      %jit3A_255 = arith.constant 1 : i32
      %select_n3A = arith.select %eq3A_254, %jit3A_255, %jit3A : i32
      %rem3A = arith.remsi %scan3A_252, %select_n3A : i32
      %ne3A = arith.constant 0 : i32
      %ne3A_256 = arith.cmpi ne, %rem3A, %ne3A : i32
      %lt3A = arith.constant 0 : i32
      %lt3A_257 = arith.cmpi slt, %rem3A, %lt3A : i32
      %lt3A_258 = arith.constant 0 : i32
      %lt3A_259 = arith.cmpi slt, %select_n3A, %lt3A_258 : i32
      %ne3A_260 = arith.xori %lt3A_257, %lt3A_259 : i1
      %and3A = arith.andi %ne3A_260, %ne3A_256 : i1
      %add3A_261 = arith.addi %rem3A, %select_n3A : i32
      %select_n3A_262 = arith.select %and3A, %add3A_261, %rem3A : i32
      %mul3A_263 = arith.constant 128 : i32
      %mul3A_264 = arith.muli %add3A, %mul3A_263 : i32
      %mul3A_265 = arith.constant 8 : i32
      %mul3A_266 = arith.muli %scan3A_252, %mul3A_265 : i32
      %add3A_267 = arith.addi %mul3A_264, %mul3A_266 : i32
      %dma_wait3A_268 = arith.constant 0 : i32
      %dma_wait3A_269 = arith.constant 0 : i32
      %dma_wait3A_270 = tpu.memref_slice %arg7[%select_n3A_262, %dma_wait3A_268, %dma_wait3A_269] : memref<2x8x200xi32, #tpu.memory_space<vmem>> -> memref<1x8x200xi32, #tpu.memory_space<vmem>>
      %dma_wait3A_271 = tpu.memref_squeeze %dma_wait3A_270 : memref<1x8x200xi32, #tpu.memory_space<vmem>> -> memref<8x200xi32, #tpu.memory_space<vmem>>
      %dma_wait3A_272 = arith.constant 0 : i32
      %dma_wait3A_273 = tpu.memref_slice %arg2[%add3A_267, %dma_wait3A_272] : memref<4096x200xi32, #tpu.memory_space<hbm>> -> memref<8x200xi32, #tpu.memory_space<hbm>>
      %dma_wait3A_274 = tpu.memref_slice %arg12[%select_n3A_262] : memref<2x!tpu.dma_semaphore, #tpu.memory_space<semaphore_mem>> -> memref<1x!tpu.dma_semaphore, #tpu.memory_space<semaphore_mem>>
      %dma_wait3A_275 = tpu.memref_squeeze %dma_wait3A_274 : memref<1x!tpu.dma_semaphore, #tpu.memory_space<semaphore_mem>> -> memref<!tpu.dma_semaphore, #tpu.memory_space<semaphore_mem>>
      %dma_wait3A_276 = arith.constant 0 : i32
      %dma_wait3A_277 = arith.constant 0 : i32
      %dma_wait3A_278 = tpu.memref_slice %arg7[%select_n3A_262, %dma_wait3A_276, %dma_wait3A_277] : memref<2x8x200xi32, #tpu.memory_space<vmem>> -> memref<1x8x200xi32, #tpu.memory_space<vmem>>
      %dma_wait3A_279 = tpu.memref_squeeze %dma_wait3A_278 : memref<1x8x200xi32, #tpu.memory_space<vmem>> -> memref<8x200xi32, #tpu.memory_space<vmem>>
      %dma_wait3A_280 = arith.constant 0 : i32
      %dma_wait3A_281 = tpu.memref_slice %arg2[%add3A_267, %dma_wait3A_280] : memref<4096x200xi32, #tpu.memory_space<hbm>> -> memref<8x200xi32, #tpu.memory_space<hbm>>
      tpu.wait_dma2 semaphore(%dma_wait3A_275 : memref<!tpu.dma_semaphore, #tpu.memory_space<semaphore_mem>>) src(%dma_wait3A_281 : memref<8x200xi32, #tpu.memory_space<hbm>>) dst(%dma_wait3A_279 : memref<8x200xi32, #tpu.memory_space<vmem>>)
      %dma_wait3A_282 = arith.constant 0 : i32
      %dma_wait3A_283 = arith.constant 0 : i32
      %dma_wait3A_284 = tpu.memref_slice %arg8[%select_n3A_262, %dma_wait3A_282, %dma_wait3A_283] : memref<2x8x200xi32, #tpu.memory_space<vmem>> -> memref<1x8x200xi32, #tpu.memory_space<vmem>>
      %dma_wait3A_285 = tpu.memref_squeeze %dma_wait3A_284 : memref<1x8x200xi32, #tpu.memory_space<vmem>> -> memref<8x200xi32, #tpu.memory_space<vmem>>
      %dma_wait3A_286 = arith.constant 0 : i32
      %dma_wait3A_287 = tpu.memref_slice %arg3[%add3A_267, %dma_wait3A_286] : memref<4096x200xi32, #tpu.memory_space<hbm>> -> memref<8x200xi32, #tpu.memory_space<hbm>>
      %dma_wait3A_288 = tpu.memref_slice %arg12[%select_n3A_262] : memref<2x!tpu.dma_semaphore, #tpu.memory_space<semaphore_mem>> -> memref<1x!tpu.dma_semaphore, #tpu.memory_space<semaphore_mem>>
      %dma_wait3A_289 = tpu.memref_squeeze %dma_wait3A_288 : memref<1x!tpu.dma_semaphore, #tpu.memory_space<semaphore_mem>> -> memref<!tpu.dma_semaphore, #tpu.memory_space<semaphore_mem>>
      %dma_wait3A_290 = arith.constant 0 : i32
      %dma_wait3A_291 = arith.constant 0 : i32
      %dma_wait3A_292 = tpu.memref_slice %arg8[%select_n3A_262, %dma_wait3A_290, %dma_wait3A_291] : memref<2x8x200xi32, #tpu.memory_space<vmem>> -> memref<1x8x200xi32, #tpu.memory_space<vmem>>
      %dma_wait3A_293 = tpu.memref_squeeze %dma_wait3A_292 : memref<1x8x200xi32, #tpu.memory_space<vmem>> -> memref<8x200xi32, #tpu.memory_space<vmem>>
      %dma_wait3A_294 = arith.constant 0 : i32
      %dma_wait3A_295 = tpu.memref_slice %arg3[%add3A_267, %dma_wait3A_294] : memref<4096x200xi32, #tpu.memory_space<hbm>> -> memref<8x200xi32, #tpu.memory_space<hbm>>
      tpu.wait_dma2 semaphore(%dma_wait3A_289 : memref<!tpu.dma_semaphore, #tpu.memory_space<semaphore_mem>>) src(%dma_wait3A_295 : memref<8x200xi32, #tpu.memory_space<hbm>>) dst(%dma_wait3A_293 : memref<8x200xi32, #tpu.memory_space<vmem>>)
      %add3A_296 = arith.constant 1 : i32
      %add3A_297 = arith.addi %scan3A_252, %add3A_296 : i32
      %lt3A_298 = arith.constant 16 : i32
      %lt3A_299 = arith.cmpi slt, %add3A_297, %lt3A_298 : i32
      %convert_element_type3A_300 = arith.extui %lt3A_299 : i1 to i32
      %cond3A_301 = arith.constant 0 : i32
      %cond3A_302 = arith.cmpi ne, %convert_element_type3A_300, %cond3A_301 : i32
      scf.if %cond3A_302 {
        %add3A_1518 = arith.constant 1 : i32
        %add3A_1519 = arith.addi %scan3A_252, %add3A_1518 : i32
        %add3A_1520 = arith.constant 1 : i32
        %add3A_1521 = arith.addi %scan3A_252, %add3A_1520 : i32
        %jit3A_1522 = arith.constant 2 : i32
        %eq3A_1523 = arith.constant 0 : i32
        %eq3A_1524 = arith.cmpi eq, %jit3A_1522, %eq3A_1523 : i32
        %jit3A_1525 = arith.constant 1 : i32
        %select_n3A_1526 = arith.select %eq3A_1524, %jit3A_1525, %jit3A_1522 : i32
        %rem3A_1527 = arith.remsi %add3A_1521, %select_n3A_1526 : i32
        %ne3A_1528 = arith.constant 0 : i32
        %ne3A_1529 = arith.cmpi ne, %rem3A_1527, %ne3A_1528 : i32
        %lt3A_1530 = arith.constant 0 : i32
        %lt3A_1531 = arith.cmpi slt, %rem3A_1527, %lt3A_1530 : i32
        %lt3A_1532 = arith.constant 0 : i32
        %lt3A_1533 = arith.cmpi slt, %select_n3A_1526, %lt3A_1532 : i32
        %ne3A_1534 = arith.xori %lt3A_1531, %lt3A_1533 : i1
        %and3A_1535 = arith.andi %ne3A_1534, %ne3A_1529 : i1
        %add3A_1536 = arith.addi %rem3A_1527, %select_n3A_1526 : i32
        %select_n3A_1537 = arith.select %and3A_1535, %add3A_1536, %rem3A_1527 : i32
        %mul3A_1538 = arith.constant 128 : i32
        %mul3A_1539 = arith.muli %add3A, %mul3A_1538 : i32
        %mul3A_1540 = arith.constant 8 : i32
        %mul3A_1541 = arith.muli %add3A_1519, %mul3A_1540 : i32
        %add3A_1542 = arith.addi %mul3A_1539, %mul3A_1541 : i32
        %dma_start3A_1543 = arith.constant 0 : i32
        %dma_start3A_1544 = arith.constant 0 : i32
        %dma_start3A_1545 = tpu.memref_slice %arg7[%select_n3A_1537, %dma_start3A_1543, %dma_start3A_1544] : memref<2x8x200xi32, #tpu.memory_space<vmem>> -> memref<1x8x200xi32, #tpu.memory_space<vmem>>
        %dma_start3A_1546 = tpu.memref_squeeze %dma_start3A_1545 : memref<1x8x200xi32, #tpu.memory_space<vmem>> -> memref<8x200xi32, #tpu.memory_space<vmem>>
        %dma_start3A_1547 = arith.constant 0 : i32
        %dma_start3A_1548 = tpu.memref_slice %arg2[%add3A_1542, %dma_start3A_1547] : memref<4096x200xi32, #tpu.memory_space<hbm>> -> memref<8x200xi32, #tpu.memory_space<hbm>>
        %dma_start3A_1549 = tpu.memref_slice %arg12[%select_n3A_1537] : memref<2x!tpu.dma_semaphore, #tpu.memory_space<semaphore_mem>> -> memref<1x!tpu.dma_semaphore, #tpu.memory_space<semaphore_mem>>
        %dma_start3A_1550 = tpu.memref_squeeze %dma_start3A_1549 : memref<1x!tpu.dma_semaphore, #tpu.memory_space<semaphore_mem>> -> memref<!tpu.dma_semaphore, #tpu.memory_space<semaphore_mem>>
        %dma_start3A_1551 = arith.constant 0 : i32
        %dma_start3A_1552 = arith.constant 0 : i32
        %dma_start3A_1553 = tpu.memref_slice %arg7[%select_n3A_1537, %dma_start3A_1551, %dma_start3A_1552] : memref<2x8x200xi32, #tpu.memory_space<vmem>> -> memref<1x8x200xi32, #tpu.memory_space<vmem>>
        %dma_start3A_1554 = tpu.memref_squeeze %dma_start3A_1553 : memref<1x8x200xi32, #tpu.memory_space<vmem>> -> memref<8x200xi32, #tpu.memory_space<vmem>>
        %dma_start3A_1555 = arith.constant 0 : i32
        %dma_start3A_1556 = tpu.memref_slice %arg2[%add3A_1542, %dma_start3A_1555] : memref<4096x200xi32, #tpu.memory_space<hbm>> -> memref<8x200xi32, #tpu.memory_space<hbm>>
        tpu.enqueue_dma source(%dma_start3A_1556 : memref<8x200xi32, #tpu.memory_space<hbm>>) target(%dma_start3A_1554 : memref<8x200xi32, #tpu.memory_space<vmem>>) target_semaphore(%dma_start3A_1550 : memref<!tpu.dma_semaphore, #tpu.memory_space<semaphore_mem>>)
        %dma_start3A_1557 = arith.constant 0 : i32
        %dma_start3A_1558 = arith.constant 0 : i32
        %dma_start3A_1559 = tpu.memref_slice %arg8[%select_n3A_1537, %dma_start3A_1557, %dma_start3A_1558] : memref<2x8x200xi32, #tpu.memory_space<vmem>> -> memref<1x8x200xi32, #tpu.memory_space<vmem>>
        %dma_start3A_1560 = tpu.memref_squeeze %dma_start3A_1559 : memref<1x8x200xi32, #tpu.memory_space<vmem>> -> memref<8x200xi32, #tpu.memory_space<vmem>>
        %dma_start3A_1561 = arith.constant 0 : i32
        %dma_start3A_1562 = tpu.memref_slice %arg3[%add3A_1542, %dma_start3A_1561] : memref<4096x200xi32, #tpu.memory_space<hbm>> -> memref<8x200xi32, #tpu.memory_space<hbm>>
        %dma_start3A_1563 = tpu.memref_slice %arg12[%select_n3A_1537] : memref<2x!tpu.dma_semaphore, #tpu.memory_space<semaphore_mem>> -> memref<1x!tpu.dma_semaphore, #tpu.memory_space<semaphore_mem>>
        %dma_start3A_1564 = tpu.memref_squeeze %dma_start3A_1563 : memref<1x!tpu.dma_semaphore, #tpu.memory_space<semaphore_mem>> -> memref<!tpu.dma_semaphore, #tpu.memory_space<semaphore_mem>>
        %dma_start3A_1565 = arith.constant 0 : i32
        %dma_start3A_1566 = arith.constant 0 : i32
        %dma_start3A_1567 = tpu.memref_slice %arg8[%select_n3A_1537, %dma_start3A_1565, %dma_start3A_1566] : memref<2x8x200xi32, #tpu.memory_space<vmem>> -> memref<1x8x200xi32, #tpu.memory_space<vmem>>
        %dma_start3A_1568 = tpu.memref_squeeze %dma_start3A_1567 : memref<1x8x200xi32, #tpu.memory_space<vmem>> -> memref<8x200xi32, #tpu.memory_space<vmem>>
        %dma_start3A_1569 = arith.constant 0 : i32
        %dma_start3A_1570 = tpu.memref_slice %arg3[%add3A_1542, %dma_start3A_1569] : memref<4096x200xi32, #tpu.memory_space<hbm>> -> memref<8x200xi32, #tpu.memory_space<hbm>>
        tpu.enqueue_dma source(%dma_start3A_1570 : memref<8x200xi32, #tpu.memory_space<hbm>>) target(%dma_start3A_1568 : memref<8x200xi32, #tpu.memory_space<vmem>>) target_semaphore(%dma_start3A_1564 : memref<!tpu.dma_semaphore, #tpu.memory_space<semaphore_mem>>)
      } else {
      }
      %gt3A = arith.constant 0 : i32
      %gt3A_303 = arith.cmpi sgt, %scan3A_252, %gt3A : i32
      %convert_element_type3A_304 = arith.extui %gt3A_303 : i1 to i32
      %cond3A_305 = arith.constant 0 : i32
      %cond3A_306 = arith.cmpi ne, %convert_element_type3A_304, %cond3A_305 : i32
      scf.if %cond3A_306 {
        %mul3A_1518 = arith.constant 128 : i32
        %mul3A_1519 = arith.muli %add3A, %mul3A_1518 : i32
        %mul3A_1520 = arith.constant 8 : i32
        %mul3A_1521 = arith.muli %scan3A_252, %mul3A_1520 : i32
        %add3A_1522 = arith.addi %mul3A_1519, %mul3A_1521 : i32
        %add3A_1523 = arith.constant 0 : i32
        %add3A_1524 = arith.addi %add3A_1522, %add3A_1523 : i32
        %dma_wait3A_1525 = arith.constant 0 : i32
        %dma_wait3A_1526 = arith.constant 0 : i32
        %dma_wait3A_1527 = arith.constant 0 : i32
        %dma_wait3A_1528 = arith.constant 0 : i32
        %dma_wait3A_1529 = tpu.memref_slice %arg9[%dma_wait3A_1525, %dma_wait3A_1527, %dma_wait3A_1528] : memref<8x200x64xf32, #tpu.memory_space<vmem>> -> memref<1x200x64xf32, #tpu.memory_space<vmem>>
        %dma_wait3A_1530 = tpu.memref_squeeze %dma_wait3A_1529 : memref<1x200x64xf32, #tpu.memory_space<vmem>> -> memref<200x64xf32, #tpu.memory_space<vmem>>
        %dma_wait3A_1531 = arith.constant 0 : i32
        %dma_wait3A_1532 = arith.constant 0 : i32
        %dma_wait3A_1533 = tpu.memref_slice %arg6[%add3A_1524, %dma_wait3A_1531, %dma_wait3A_1532] : memref<4096x200x128xf32, #tpu.memory_space<hbm>> -> memref<1x200x64xf32, #tpu.memory_space<hbm>>
        %dma_wait3A_1534 = tpu.memref_squeeze %dma_wait3A_1533 : memref<1x200x64xf32, #tpu.memory_space<hbm>> -> memref<200x64xf32, #tpu.memory_space<hbm>>
        %dma_wait3A_1535 = tpu.memref_slice %arg15[%dma_wait3A_1526] : memref<8x!tpu.dma_semaphore, #tpu.memory_space<semaphore_mem>> -> memref<1x!tpu.dma_semaphore, #tpu.memory_space<semaphore_mem>>
        %dma_wait3A_1536 = tpu.memref_squeeze %dma_wait3A_1535 : memref<1x!tpu.dma_semaphore, #tpu.memory_space<semaphore_mem>> -> memref<!tpu.dma_semaphore, #tpu.memory_space<semaphore_mem>>
        %dma_wait3A_1537 = arith.constant 0 : i32
        %dma_wait3A_1538 = arith.constant 0 : i32
        %dma_wait3A_1539 = tpu.memref_slice %arg6[%add3A_1524, %dma_wait3A_1537, %dma_wait3A_1538] : memref<4096x200x128xf32, #tpu.memory_space<hbm>> -> memref<1x200x64xf32, #tpu.memory_space<hbm>>
        %dma_wait3A_1540 = tpu.memref_squeeze %dma_wait3A_1539 : memref<1x200x64xf32, #tpu.memory_space<hbm>> -> memref<200x64xf32, #tpu.memory_space<hbm>>
        %dma_wait3A_1541 = arith.constant 0 : i32
        %dma_wait3A_1542 = arith.constant 0 : i32
        %dma_wait3A_1543 = tpu.memref_slice %arg9[%dma_wait3A_1525, %dma_wait3A_1541, %dma_wait3A_1542] : memref<8x200x64xf32, #tpu.memory_space<vmem>> -> memref<1x200x64xf32, #tpu.memory_space<vmem>>
        %dma_wait3A_1544 = tpu.memref_squeeze %dma_wait3A_1543 : memref<1x200x64xf32, #tpu.memory_space<vmem>> -> memref<200x64xf32, #tpu.memory_space<vmem>>
        tpu.wait_dma2 semaphore(%dma_wait3A_1536 : memref<!tpu.dma_semaphore, #tpu.memory_space<semaphore_mem>>) src(%dma_wait3A_1544 : memref<200x64xf32, #tpu.memory_space<vmem>>) dst(%dma_wait3A_1540 : memref<200x64xf32, #tpu.memory_space<hbm>>)
      } else {
      }
      %dma_start3A_307 = arith.constant 0 : i32
      %dma_start3A_308 = arith.constant 0 : i32
      %dma_start3A_309 = arith.constant 0 : i32
      %dma_start3A_310 = arith.constant 0 : i32
      %dma_start3A_311 = arith.constant 0 : i32
      %dma_start3A_312 = tpu.memref_slice %arg9[%dma_start3A_308, %dma_start3A_310, %dma_start3A_311] : memref<8x200x64xf32, #tpu.memory_space<vmem>> -> memref<1x128x64xf32, #tpu.memory_space<vmem>>
      %dma_start3A_313 = tpu.memref_squeeze %dma_start3A_312 : memref<1x128x64xf32, #tpu.memory_space<vmem>> -> memref<128x64xf32, #tpu.memory_space<vmem>>
      %dma_start3A_314 = arith.constant 0 : i32
      %dma_start3A_315 = tpu.memref_slice %arg7[%select_n3A_262, %dma_start3A_307, %dma_start3A_314] : memref<2x8x200xi32, #tpu.memory_space<vmem>> -> memref<1x1x128xi32, #tpu.memory_space<vmem>>
      %dma_start3A_316 = tpu.memref_squeeze %dma_start3A_315 : memref<1x1x128xi32, #tpu.memory_space<vmem>> -> memref<128xi32, #tpu.memory_space<vmem>>
      %dma_start3A_317 = arith.constant 0 : i32
      %dma_start3A_318 = arith.constant 0 : i32
      %dma_start3A_319 = tpu.memref_slice %arg10[%dma_start3A_317, %dma_start3A_318] : memref<1024x64xf32, #tpu.memory_space<vmem_shared>> -> memref<1024x64xf32, #tpu.memory_space<vmem_shared>>
      %dma_start3A_320 = tpu.memref_slice %arg13[%dma_start3A_309] : memref<8x!tpu.dma_semaphore, #tpu.memory_space<semaphore_mem>> -> memref<1x!tpu.dma_semaphore, #tpu.memory_space<semaphore_mem>>
      %dma_start3A_321 = tpu.memref_squeeze %dma_start3A_320 : memref<1x!tpu.dma_semaphore, #tpu.memory_space<semaphore_mem>> -> memref<!tpu.dma_semaphore, #tpu.memory_space<semaphore_mem>>
      tpu.enqueue_indirect_dma source(%dma_start3A_319 : memref<1024x64xf32, #tpu.memory_space<vmem_shared>>) target(%dma_start3A_313 : memref<128x64xf32, #tpu.memory_space<vmem>>) offsets(%dma_start3A_316 : memref<128xi32, #tpu.memory_space<vmem>>) semaphore(%dma_start3A_321 : memref<!tpu.dma_semaphore, #tpu.memory_space<semaphore_mem>>)
      %dma_start3A_322 = arith.constant 0 : i32
      %dma_start3A_323 = arith.constant 0 : i32
      %dma_start3A_324 = arith.constant 0 : i32
      %dma_start3A_325 = arith.constant 128 : i32
      %dma_start3A_326 = arith.constant 0 : i32
      %dma_start3A_327 = tpu.memref_slice %arg9[%dma_start3A_323, %dma_start3A_325, %dma_start3A_326] : memref<8x200x64xf32, #tpu.memory_space<vmem>> -> memref<1x72x64xf32, #tpu.memory_space<vmem>>
      %dma_start3A_328 = tpu.memref_squeeze %dma_start3A_327 : memref<1x72x64xf32, #tpu.memory_space<vmem>> -> memref<72x64xf32, #tpu.memory_space<vmem>>
      %dma_start3A_329 = arith.constant 128 : i32
      %dma_start3A_330 = tpu.memref_slice %arg7[%select_n3A_262, %dma_start3A_322, %dma_start3A_329] : memref<2x8x200xi32, #tpu.memory_space<vmem>> -> memref<1x1x72xi32, #tpu.memory_space<vmem>>
      %dma_start3A_331 = tpu.memref_squeeze %dma_start3A_330 : memref<1x1x72xi32, #tpu.memory_space<vmem>> -> memref<72xi32, #tpu.memory_space<vmem>>
      %dma_start3A_332 = arith.constant 0 : i32
      %dma_start3A_333 = arith.constant 0 : i32
      %dma_start3A_334 = tpu.memref_slice %arg10[%dma_start3A_332, %dma_start3A_333] : memref<1024x64xf32, #tpu.memory_space<vmem_shared>> -> memref<1024x64xf32, #tpu.memory_space<vmem_shared>>
      %dma_start3A_335 = tpu.memref_slice %arg13[%dma_start3A_324] : memref<8x!tpu.dma_semaphore, #tpu.memory_space<semaphore_mem>> -> memref<1x!tpu.dma_semaphore, #tpu.memory_space<semaphore_mem>>
      %dma_start3A_336 = tpu.memref_squeeze %dma_start3A_335 : memref<1x!tpu.dma_semaphore, #tpu.memory_space<semaphore_mem>> -> memref<!tpu.dma_semaphore, #tpu.memory_space<semaphore_mem>>
      tpu.enqueue_indirect_dma source(%dma_start3A_334 : memref<1024x64xf32, #tpu.memory_space<vmem_shared>>) target(%dma_start3A_328 : memref<72x64xf32, #tpu.memory_space<vmem>>) offsets(%dma_start3A_331 : memref<72xi32, #tpu.memory_space<vmem>>) semaphore(%dma_start3A_336 : memref<!tpu.dma_semaphore, #tpu.memory_space<semaphore_mem>>)
      %gt3A_337 = arith.constant 0 : i32
      %gt3A_338 = arith.cmpi sgt, %scan3A_252, %gt3A_337 : i32
      %convert_element_type3A_339 = arith.extui %gt3A_338 : i1 to i32
      %cond3A_340 = arith.constant 0 : i32
      %cond3A_341 = arith.cmpi ne, %convert_element_type3A_339, %cond3A_340 : i32
      scf.if %cond3A_341 {
        %mul3A_1518 = arith.constant 128 : i32
        %mul3A_1519 = arith.muli %add3A, %mul3A_1518 : i32
        %mul3A_1520 = arith.constant 8 : i32
        %mul3A_1521 = arith.muli %scan3A_252, %mul3A_1520 : i32
        %add3A_1522 = arith.addi %mul3A_1519, %mul3A_1521 : i32
        %add3A_1523 = arith.constant 1 : i32
        %add3A_1524 = arith.addi %add3A_1522, %add3A_1523 : i32
        %dma_wait3A_1525 = arith.constant 1 : i32
        %dma_wait3A_1526 = arith.constant 1 : i32
        %dma_wait3A_1527 = arith.constant 0 : i32
        %dma_wait3A_1528 = arith.constant 0 : i32
        %dma_wait3A_1529 = tpu.memref_slice %arg9[%dma_wait3A_1525, %dma_wait3A_1527, %dma_wait3A_1528] : memref<8x200x64xf32, #tpu.memory_space<vmem>> -> memref<1x200x64xf32, #tpu.memory_space<vmem>>
        %dma_wait3A_1530 = tpu.memref_squeeze %dma_wait3A_1529 : memref<1x200x64xf32, #tpu.memory_space<vmem>> -> memref<200x64xf32, #tpu.memory_space<vmem>>
        %dma_wait3A_1531 = arith.constant 0 : i32
        %dma_wait3A_1532 = arith.constant 0 : i32
        %dma_wait3A_1533 = tpu.memref_slice %arg6[%add3A_1524, %dma_wait3A_1531, %dma_wait3A_1532] : memref<4096x200x128xf32, #tpu.memory_space<hbm>> -> memref<1x200x64xf32, #tpu.memory_space<hbm>>
        %dma_wait3A_1534 = tpu.memref_squeeze %dma_wait3A_1533 : memref<1x200x64xf32, #tpu.memory_space<hbm>> -> memref<200x64xf32, #tpu.memory_space<hbm>>
        %dma_wait3A_1535 = tpu.memref_slice %arg15[%dma_wait3A_1526] : memref<8x!tpu.dma_semaphore, #tpu.memory_space<semaphore_mem>> -> memref<1x!tpu.dma_semaphore, #tpu.memory_space<semaphore_mem>>
        %dma_wait3A_1536 = tpu.memref_squeeze %dma_wait3A_1535 : memref<1x!tpu.dma_semaphore, #tpu.memory_space<semaphore_mem>> -> memref<!tpu.dma_semaphore, #tpu.memory_space<semaphore_mem>>
        %dma_wait3A_1537 = arith.constant 0 : i32
        %dma_wait3A_1538 = arith.constant 0 : i32
        %dma_wait3A_1539 = tpu.memref_slice %arg6[%add3A_1524, %dma_wait3A_1537, %dma_wait3A_1538] : memref<4096x200x128xf32, #tpu.memory_space<hbm>> -> memref<1x200x64xf32, #tpu.memory_space<hbm>>
        %dma_wait3A_1540 = tpu.memref_squeeze %dma_wait3A_1539 : memref<1x200x64xf32, #tpu.memory_space<hbm>> -> memref<200x64xf32, #tpu.memory_space<hbm>>
        %dma_wait3A_1541 = arith.constant 0 : i32
        %dma_wait3A_1542 = arith.constant 0 : i32
        %dma_wait3A_1543 = tpu.memref_slice %arg9[%dma_wait3A_1525, %dma_wait3A_1541, %dma_wait3A_1542] : memref<8x200x64xf32, #tpu.memory_space<vmem>> -> memref<1x200x64xf32, #tpu.memory_space<vmem>>
        %dma_wait3A_1544 = tpu.memref_squeeze %dma_wait3A_1543 : memref<1x200x64xf32, #tpu.memory_space<vmem>> -> memref<200x64xf32, #tpu.memory_space<vmem>>
        tpu.wait_dma2 semaphore(%dma_wait3A_1536 : memref<!tpu.dma_semaphore, #tpu.memory_space<semaphore_mem>>) src(%dma_wait3A_1544 : memref<200x64xf32, #tpu.memory_space<vmem>>) dst(%dma_wait3A_1540 : memref<200x64xf32, #tpu.memory_space<hbm>>)
      } else {
      }
      %dma_start3A_342 = arith.constant 1 : i32
      %dma_start3A_343 = arith.constant 1 : i32
      %dma_start3A_344 = arith.constant 1 : i32
      %dma_start3A_345 = arith.constant 0 : i32
      %dma_start3A_346 = arith.constant 0 : i32
      %dma_start3A_347 = tpu.memref_slice %arg9[%dma_start3A_343, %dma_start3A_345, %dma_start3A_346] : memref<8x200x64xf32, #tpu.memory_space<vmem>> -> memref<1x128x64xf32, #tpu.memory_space<vmem>>
      %dma_start3A_348 = tpu.memref_squeeze %dma_start3A_347 : memref<1x128x64xf32, #tpu.memory_space<vmem>> -> memref<128x64xf32, #tpu.memory_space<vmem>>
      %dma_start3A_349 = arith.constant 0 : i32
      %dma_start3A_350 = tpu.memref_slice %arg7[%select_n3A_262, %dma_start3A_342, %dma_start3A_349] : memref<2x8x200xi32, #tpu.memory_space<vmem>> -> memref<1x1x128xi32, #tpu.memory_space<vmem>>
      %dma_start3A_351 = tpu.memref_squeeze %dma_start3A_350 : memref<1x1x128xi32, #tpu.memory_space<vmem>> -> memref<128xi32, #tpu.memory_space<vmem>>
      %dma_start3A_352 = arith.constant 0 : i32
      %dma_start3A_353 = arith.constant 0 : i32
      %dma_start3A_354 = tpu.memref_slice %arg10[%dma_start3A_352, %dma_start3A_353] : memref<1024x64xf32, #tpu.memory_space<vmem_shared>> -> memref<1024x64xf32, #tpu.memory_space<vmem_shared>>
      %dma_start3A_355 = tpu.memref_slice %arg13[%dma_start3A_344] : memref<8x!tpu.dma_semaphore, #tpu.memory_space<semaphore_mem>> -> memref<1x!tpu.dma_semaphore, #tpu.memory_space<semaphore_mem>>
      %dma_start3A_356 = tpu.memref_squeeze %dma_start3A_355 : memref<1x!tpu.dma_semaphore, #tpu.memory_space<semaphore_mem>> -> memref<!tpu.dma_semaphore, #tpu.memory_space<semaphore_mem>>
      tpu.enqueue_indirect_dma source(%dma_start3A_354 : memref<1024x64xf32, #tpu.memory_space<vmem_shared>>) target(%dma_start3A_348 : memref<128x64xf32, #tpu.memory_space<vmem>>) offsets(%dma_start3A_351 : memref<128xi32, #tpu.memory_space<vmem>>) semaphore(%dma_start3A_356 : memref<!tpu.dma_semaphore, #tpu.memory_space<semaphore_mem>>)
      %dma_start3A_357 = arith.constant 1 : i32
      %dma_start3A_358 = arith.constant 1 : i32
      %dma_start3A_359 = arith.constant 1 : i32
      %dma_start3A_360 = arith.constant 128 : i32
      %dma_start3A_361 = arith.constant 0 : i32
      %dma_start3A_362 = tpu.memref_slice %arg9[%dma_start3A_358, %dma_start3A_360, %dma_start3A_361] : memref<8x200x64xf32, #tpu.memory_space<vmem>> -> memref<1x72x64xf32, #tpu.memory_space<vmem>>
      %dma_start3A_363 = tpu.memref_squeeze %dma_start3A_362 : memref<1x72x64xf32, #tpu.memory_space<vmem>> -> memref<72x64xf32, #tpu.memory_space<vmem>>
      %dma_start3A_364 = arith.constant 128 : i32
      %dma_start3A_365 = tpu.memref_slice %arg7[%select_n3A_262, %dma_start3A_357, %dma_start3A_364] : memref<2x8x200xi32, #tpu.memory_space<vmem>> -> memref<1x1x72xi32, #tpu.memory_space<vmem>>
      %dma_start3A_366 = tpu.memref_squeeze %dma_start3A_365 : memref<1x1x72xi32, #tpu.memory_space<vmem>> -> memref<72xi32, #tpu.memory_space<vmem>>
      %dma_start3A_367 = arith.constant 0 : i32
      %dma_start3A_368 = arith.constant 0 : i32
      %dma_start3A_369 = tpu.memref_slice %arg10[%dma_start3A_367, %dma_start3A_368] : memref<1024x64xf32, #tpu.memory_space<vmem_shared>> -> memref<1024x64xf32, #tpu.memory_space<vmem_shared>>
      %dma_start3A_370 = tpu.memref_slice %arg13[%dma_start3A_359] : memref<8x!tpu.dma_semaphore, #tpu.memory_space<semaphore_mem>> -> memref<1x!tpu.dma_semaphore, #tpu.memory_space<semaphore_mem>>
      %dma_start3A_371 = tpu.memref_squeeze %dma_start3A_370 : memref<1x!tpu.dma_semaphore, #tpu.memory_space<semaphore_mem>> -> memref<!tpu.dma_semaphore, #tpu.memory_space<semaphore_mem>>
      tpu.enqueue_indirect_dma source(%dma_start3A_369 : memref<1024x64xf32, #tpu.memory_space<vmem_shared>>) target(%dma_start3A_363 : memref<72x64xf32, #tpu.memory_space<vmem>>) offsets(%dma_start3A_366 : memref<72xi32, #tpu.memory_space<vmem>>) semaphore(%dma_start3A_371 : memref<!tpu.dma_semaphore, #tpu.memory_space<semaphore_mem>>)
      %gt3A_372 = arith.constant 0 : i32
      %gt3A_373 = arith.cmpi sgt, %scan3A_252, %gt3A_372 : i32
      %convert_element_type3A_374 = arith.extui %gt3A_373 : i1 to i32
      %cond3A_375 = arith.constant 0 : i32
      %cond3A_376 = arith.cmpi ne, %convert_element_type3A_374, %cond3A_375 : i32
      scf.if %cond3A_376 {
        %mul3A_1518 = arith.constant 128 : i32
        %mul3A_1519 = arith.muli %add3A, %mul3A_1518 : i32
        %mul3A_1520 = arith.constant 8 : i32
        %mul3A_1521 = arith.muli %scan3A_252, %mul3A_1520 : i32
        %add3A_1522 = arith.addi %mul3A_1519, %mul3A_1521 : i32
        %add3A_1523 = arith.constant 2 : i32
        %add3A_1524 = arith.addi %add3A_1522, %add3A_1523 : i32
        %dma_wait3A_1525 = arith.constant 2 : i32
        %dma_wait3A_1526 = arith.constant 2 : i32
        %dma_wait3A_1527 = arith.constant 0 : i32
        %dma_wait3A_1528 = arith.constant 0 : i32
        %dma_wait3A_1529 = tpu.memref_slice %arg9[%dma_wait3A_1525, %dma_wait3A_1527, %dma_wait3A_1528] : memref<8x200x64xf32, #tpu.memory_space<vmem>> -> memref<1x200x64xf32, #tpu.memory_space<vmem>>
        %dma_wait3A_1530 = tpu.memref_squeeze %dma_wait3A_1529 : memref<1x200x64xf32, #tpu.memory_space<vmem>> -> memref<200x64xf32, #tpu.memory_space<vmem>>
        %dma_wait3A_1531 = arith.constant 0 : i32
        %dma_wait3A_1532 = arith.constant 0 : i32
        %dma_wait3A_1533 = tpu.memref_slice %arg6[%add3A_1524, %dma_wait3A_1531, %dma_wait3A_1532] : memref<4096x200x128xf32, #tpu.memory_space<hbm>> -> memref<1x200x64xf32, #tpu.memory_space<hbm>>
        %dma_wait3A_1534 = tpu.memref_squeeze %dma_wait3A_1533 : memref<1x200x64xf32, #tpu.memory_space<hbm>> -> memref<200x64xf32, #tpu.memory_space<hbm>>
        %dma_wait3A_1535 = tpu.memref_slice %arg15[%dma_wait3A_1526] : memref<8x!tpu.dma_semaphore, #tpu.memory_space<semaphore_mem>> -> memref<1x!tpu.dma_semaphore, #tpu.memory_space<semaphore_mem>>
        %dma_wait3A_1536 = tpu.memref_squeeze %dma_wait3A_1535 : memref<1x!tpu.dma_semaphore, #tpu.memory_space<semaphore_mem>> -> memref<!tpu.dma_semaphore, #tpu.memory_space<semaphore_mem>>
        %dma_wait3A_1537 = arith.constant 0 : i32
        %dma_wait3A_1538 = arith.constant 0 : i32
        %dma_wait3A_1539 = tpu.memref_slice %arg6[%add3A_1524, %dma_wait3A_1537, %dma_wait3A_1538] : memref<4096x200x128xf32, #tpu.memory_space<hbm>> -> memref<1x200x64xf32, #tpu.memory_space<hbm>>
        %dma_wait3A_1540 = tpu.memref_squeeze %dma_wait3A_1539 : memref<1x200x64xf32, #tpu.memory_space<hbm>> -> memref<200x64xf32, #tpu.memory_space<hbm>>
        %dma_wait3A_1541 = arith.constant 0 : i32
        %dma_wait3A_1542 = arith.constant 0 : i32
        %dma_wait3A_1543 = tpu.memref_slice %arg9[%dma_wait3A_1525, %dma_wait3A_1541, %dma_wait3A_1542] : memref<8x200x64xf32, #tpu.memory_space<vmem>> -> memref<1x200x64xf32, #tpu.memory_space<vmem>>
        %dma_wait3A_1544 = tpu.memref_squeeze %dma_wait3A_1543 : memref<1x200x64xf32, #tpu.memory_space<vmem>> -> memref<200x64xf32, #tpu.memory_space<vmem>>
        tpu.wait_dma2 semaphore(%dma_wait3A_1536 : memref<!tpu.dma_semaphore, #tpu.memory_space<semaphore_mem>>) src(%dma_wait3A_1544 : memref<200x64xf32, #tpu.memory_space<vmem>>) dst(%dma_wait3A_1540 : memref<200x64xf32, #tpu.memory_space<hbm>>)
      } else {
      }
      %dma_start3A_377 = arith.constant 2 : i32
      %dma_start3A_378 = arith.constant 2 : i32
      %dma_start3A_379 = arith.constant 2 : i32
      %dma_start3A_380 = arith.constant 0 : i32
      %dma_start3A_381 = arith.constant 0 : i32
      %dma_start3A_382 = tpu.memref_slice %arg9[%dma_start3A_378, %dma_start3A_380, %dma_start3A_381] : memref<8x200x64xf32, #tpu.memory_space<vmem>> -> memref<1x128x64xf32, #tpu.memory_space<vmem>>
      %dma_start3A_383 = tpu.memref_squeeze %dma_start3A_382 : memref<1x128x64xf32, #tpu.memory_space<vmem>> -> memref<128x64xf32, #tpu.memory_space<vmem>>
      %dma_start3A_384 = arith.constant 0 : i32
      %dma_start3A_385 = tpu.memref_slice %arg7[%select_n3A_262, %dma_start3A_377, %dma_start3A_384] : memref<2x8x200xi32, #tpu.memory_space<vmem>> -> memref<1x1x128xi32, #tpu.memory_space<vmem>>
      %dma_start3A_386 = tpu.memref_squeeze %dma_start3A_385 : memref<1x1x128xi32, #tpu.memory_space<vmem>> -> memref<128xi32, #tpu.memory_space<vmem>>
      %dma_start3A_387 = arith.constant 0 : i32
      %dma_start3A_388 = arith.constant 0 : i32
      %dma_start3A_389 = tpu.memref_slice %arg10[%dma_start3A_387, %dma_start3A_388] : memref<1024x64xf32, #tpu.memory_space<vmem_shared>> -> memref<1024x64xf32, #tpu.memory_space<vmem_shared>>
      %dma_start3A_390 = tpu.memref_slice %arg13[%dma_start3A_379] : memref<8x!tpu.dma_semaphore, #tpu.memory_space<semaphore_mem>> -> memref<1x!tpu.dma_semaphore, #tpu.memory_space<semaphore_mem>>
      %dma_start3A_391 = tpu.memref_squeeze %dma_start3A_390 : memref<1x!tpu.dma_semaphore, #tpu.memory_space<semaphore_mem>> -> memref<!tpu.dma_semaphore, #tpu.memory_space<semaphore_mem>>
      tpu.enqueue_indirect_dma source(%dma_start3A_389 : memref<1024x64xf32, #tpu.memory_space<vmem_shared>>) target(%dma_start3A_383 : memref<128x64xf32, #tpu.memory_space<vmem>>) offsets(%dma_start3A_386 : memref<128xi32, #tpu.memory_space<vmem>>) semaphore(%dma_start3A_391 : memref<!tpu.dma_semaphore, #tpu.memory_space<semaphore_mem>>)
      %dma_start3A_392 = arith.constant 2 : i32
      %dma_start3A_393 = arith.constant 2 : i32
      %dma_start3A_394 = arith.constant 2 : i32
      %dma_start3A_395 = arith.constant 128 : i32
      %dma_start3A_396 = arith.constant 0 : i32
      %dma_start3A_397 = tpu.memref_slice %arg9[%dma_start3A_393, %dma_start3A_395, %dma_start3A_396] : memref<8x200x64xf32, #tpu.memory_space<vmem>> -> memref<1x72x64xf32, #tpu.memory_space<vmem>>
      %dma_start3A_398 = tpu.memref_squeeze %dma_start3A_397 : memref<1x72x64xf32, #tpu.memory_space<vmem>> -> memref<72x64xf32, #tpu.memory_space<vmem>>
      %dma_start3A_399 = arith.constant 128 : i32
      %dma_start3A_400 = tpu.memref_slice %arg7[%select_n3A_262, %dma_start3A_392, %dma_start3A_399] : memref<2x8x200xi32, #tpu.memory_space<vmem>> -> memref<1x1x72xi32, #tpu.memory_space<vmem>>
      %dma_start3A_401 = tpu.memref_squeeze %dma_start3A_400 : memref<1x1x72xi32, #tpu.memory_space<vmem>> -> memref<72xi32, #tpu.memory_space<vmem>>
      %dma_start3A_402 = arith.constant 0 : i32
      %dma_start3A_403 = arith.constant 0 : i32
      %dma_start3A_404 = tpu.memref_slice %arg10[%dma_start3A_402, %dma_start3A_403] : memref<1024x64xf32, #tpu.memory_space<vmem_shared>> -> memref<1024x64xf32, #tpu.memory_space<vmem_shared>>
      %dma_start3A_405 = tpu.memref_slice %arg13[%dma_start3A_394] : memref<8x!tpu.dma_semaphore, #tpu.memory_space<semaphore_mem>> -> memref<1x!tpu.dma_semaphore, #tpu.memory_space<semaphore_mem>>
      %dma_start3A_406 = tpu.memref_squeeze %dma_start3A_405 : memref<1x!tpu.dma_semaphore, #tpu.memory_space<semaphore_mem>> -> memref<!tpu.dma_semaphore, #tpu.memory_space<semaphore_mem>>
      tpu.enqueue_indirect_dma source(%dma_start3A_404 : memref<1024x64xf32, #tpu.memory_space<vmem_shared>>) target(%dma_start3A_398 : memref<72x64xf32, #tpu.memory_space<vmem>>) offsets(%dma_start3A_401 : memref<72xi32, #tpu.memory_space<vmem>>) semaphore(%dma_start3A_406 : memref<!tpu.dma_semaphore, #tpu.memory_space<semaphore_mem>>)
      %gt3A_407 = arith.constant 0 : i32
      %gt3A_408 = arith.cmpi sgt, %scan3A_252, %gt3A_407 : i32
      %convert_element_type3A_409 = arith.extui %gt3A_408 : i1 to i32
      %cond3A_410 = arith.constant 0 : i32
      %cond3A_411 = arith.cmpi ne, %convert_element_type3A_409, %cond3A_410 : i32
      scf.if %cond3A_411 {
        %mul3A_1518 = arith.constant 128 : i32
        %mul3A_1519 = arith.muli %add3A, %mul3A_1518 : i32
        %mul3A_1520 = arith.constant 8 : i32
        %mul3A_1521 = arith.muli %scan3A_252, %mul3A_1520 : i32
        %add3A_1522 = arith.addi %mul3A_1519, %mul3A_1521 : i32
        %add3A_1523 = arith.constant 3 : i32
        %add3A_1524 = arith.addi %add3A_1522, %add3A_1523 : i32
        %dma_wait3A_1525 = arith.constant 3 : i32
        %dma_wait3A_1526 = arith.constant 3 : i32
        %dma_wait3A_1527 = arith.constant 0 : i32
        %dma_wait3A_1528 = arith.constant 0 : i32
        %dma_wait3A_1529 = tpu.memref_slice %arg9[%dma_wait3A_1525, %dma_wait3A_1527, %dma_wait3A_1528] : memref<8x200x64xf32, #tpu.memory_space<vmem>> -> memref<1x200x64xf32, #tpu.memory_space<vmem>>
        %dma_wait3A_1530 = tpu.memref_squeeze %dma_wait3A_1529 : memref<1x200x64xf32, #tpu.memory_space<vmem>> -> memref<200x64xf32, #tpu.memory_space<vmem>>
        %dma_wait3A_1531 = arith.constant 0 : i32
        %dma_wait3A_1532 = arith.constant 0 : i32
        %dma_wait3A_1533 = tpu.memref_slice %arg6[%add3A_1524, %dma_wait3A_1531, %dma_wait3A_1532] : memref<4096x200x128xf32, #tpu.memory_space<hbm>> -> memref<1x200x64xf32, #tpu.memory_space<hbm>>
        %dma_wait3A_1534 = tpu.memref_squeeze %dma_wait3A_1533 : memref<1x200x64xf32, #tpu.memory_space<hbm>> -> memref<200x64xf32, #tpu.memory_space<hbm>>
        %dma_wait3A_1535 = tpu.memref_slice %arg15[%dma_wait3A_1526] : memref<8x!tpu.dma_semaphore, #tpu.memory_space<semaphore_mem>> -> memref<1x!tpu.dma_semaphore, #tpu.memory_space<semaphore_mem>>
        %dma_wait3A_1536 = tpu.memref_squeeze %dma_wait3A_1535 : memref<1x!tpu.dma_semaphore, #tpu.memory_space<semaphore_mem>> -> memref<!tpu.dma_semaphore, #tpu.memory_space<semaphore_mem>>
        %dma_wait3A_1537 = arith.constant 0 : i32
        %dma_wait3A_1538 = arith.constant 0 : i32
        %dma_wait3A_1539 = tpu.memref_slice %arg6[%add3A_1524, %dma_wait3A_1537, %dma_wait3A_1538] : memref<4096x200x128xf32, #tpu.memory_space<hbm>> -> memref<1x200x64xf32, #tpu.memory_space<hbm>>
        %dma_wait3A_1540 = tpu.memref_squeeze %dma_wait3A_1539 : memref<1x200x64xf32, #tpu.memory_space<hbm>> -> memref<200x64xf32, #tpu.memory_space<hbm>>
        %dma_wait3A_1541 = arith.constant 0 : i32
        %dma_wait3A_1542 = arith.constant 0 : i32
        %dma_wait3A_1543 = tpu.memref_slice %arg9[%dma_wait3A_1525, %dma_wait3A_1541, %dma_wait3A_1542] : memref<8x200x64xf32, #tpu.memory_space<vmem>> -> memref<1x200x64xf32, #tpu.memory_space<vmem>>
        %dma_wait3A_1544 = tpu.memref_squeeze %dma_wait3A_1543 : memref<1x200x64xf32, #tpu.memory_space<vmem>> -> memref<200x64xf32, #tpu.memory_space<vmem>>
        tpu.wait_dma2 semaphore(%dma_wait3A_1536 : memref<!tpu.dma_semaphore, #tpu.memory_space<semaphore_mem>>) src(%dma_wait3A_1544 : memref<200x64xf32, #tpu.memory_space<vmem>>) dst(%dma_wait3A_1540 : memref<200x64xf32, #tpu.memory_space<hbm>>)
      } else {
      }
      %dma_start3A_412 = arith.constant 3 : i32
      %dma_start3A_413 = arith.constant 3 : i32
      %dma_start3A_414 = arith.constant 3 : i32
      %dma_start3A_415 = arith.constant 0 : i32
      %dma_start3A_416 = arith.constant 0 : i32
      %dma_start3A_417 = tpu.memref_slice %arg9[%dma_start3A_413, %dma_start3A_415, %dma_start3A_416] : memref<8x200x64xf32, #tpu.memory_space<vmem>> -> memref<1x128x64xf32, #tpu.memory_space<vmem>>
      %dma_start3A_418 = tpu.memref_squeeze %dma_start3A_417 : memref<1x128x64xf32, #tpu.memory_space<vmem>> -> memref<128x64xf32, #tpu.memory_space<vmem>>
      %dma_start3A_419 = arith.constant 0 : i32
      %dma_start3A_420 = tpu.memref_slice %arg7[%select_n3A_262, %dma_start3A_412, %dma_start3A_419] : memref<2x8x200xi32, #tpu.memory_space<vmem>> -> memref<1x1x128xi32, #tpu.memory_space<vmem>>
      %dma_start3A_421 = tpu.memref_squeeze %dma_start3A_420 : memref<1x1x128xi32, #tpu.memory_space<vmem>> -> memref<128xi32, #tpu.memory_space<vmem>>
      %dma_start3A_422 = arith.constant 0 : i32
      %dma_start3A_423 = arith.constant 0 : i32
      %dma_start3A_424 = tpu.memref_slice %arg10[%dma_start3A_422, %dma_start3A_423] : memref<1024x64xf32, #tpu.memory_space<vmem_shared>> -> memref<1024x64xf32, #tpu.memory_space<vmem_shared>>
      %dma_start3A_425 = tpu.memref_slice %arg13[%dma_start3A_414] : memref<8x!tpu.dma_semaphore, #tpu.memory_space<semaphore_mem>> -> memref<1x!tpu.dma_semaphore, #tpu.memory_space<semaphore_mem>>
      %dma_start3A_426 = tpu.memref_squeeze %dma_start3A_425 : memref<1x!tpu.dma_semaphore, #tpu.memory_space<semaphore_mem>> -> memref<!tpu.dma_semaphore, #tpu.memory_space<semaphore_mem>>
      tpu.enqueue_indirect_dma source(%dma_start3A_424 : memref<1024x64xf32, #tpu.memory_space<vmem_shared>>) target(%dma_start3A_418 : memref<128x64xf32, #tpu.memory_space<vmem>>) offsets(%dma_start3A_421 : memref<128xi32, #tpu.memory_space<vmem>>) semaphore(%dma_start3A_426 : memref<!tpu.dma_semaphore, #tpu.memory_space<semaphore_mem>>)
      %dma_start3A_427 = arith.constant 3 : i32
      %dma_start3A_428 = arith.constant 3 : i32
      %dma_start3A_429 = arith.constant 3 : i32
      %dma_start3A_430 = arith.constant 128 : i32
      %dma_start3A_431 = arith.constant 0 : i32
      %dma_start3A_432 = tpu.memref_slice %arg9[%dma_start3A_428, %dma_start3A_430, %dma_start3A_431] : memref<8x200x64xf32, #tpu.memory_space<vmem>> -> memref<1x72x64xf32, #tpu.memory_space<vmem>>
      %dma_start3A_433 = tpu.memref_squeeze %dma_start3A_432 : memref<1x72x64xf32, #tpu.memory_space<vmem>> -> memref<72x64xf32, #tpu.memory_space<vmem>>
      %dma_start3A_434 = arith.constant 128 : i32
      %dma_start3A_435 = tpu.memref_slice %arg7[%select_n3A_262, %dma_start3A_427, %dma_start3A_434] : memref<2x8x200xi32, #tpu.memory_space<vmem>> -> memref<1x1x72xi32, #tpu.memory_space<vmem>>
      %dma_start3A_436 = tpu.memref_squeeze %dma_start3A_435 : memref<1x1x72xi32, #tpu.memory_space<vmem>> -> memref<72xi32, #tpu.memory_space<vmem>>
      %dma_start3A_437 = arith.constant 0 : i32
      %dma_start3A_438 = arith.constant 0 : i32
      %dma_start3A_439 = tpu.memref_slice %arg10[%dma_start3A_437, %dma_start3A_438] : memref<1024x64xf32, #tpu.memory_space<vmem_shared>> -> memref<1024x64xf32, #tpu.memory_space<vmem_shared>>
      %dma_start3A_440 = tpu.memref_slice %arg13[%dma_start3A_429] : memref<8x!tpu.dma_semaphore, #tpu.memory_space<semaphore_mem>> -> memref<1x!tpu.dma_semaphore, #tpu.memory_space<semaphore_mem>>
      %dma_start3A_441 = tpu.memref_squeeze %dma_start3A_440 : memref<1x!tpu.dma_semaphore, #tpu.memory_space<semaphore_mem>> -> memref<!tpu.dma_semaphore, #tpu.memory_space<semaphore_mem>>
      tpu.enqueue_indirect_dma source(%dma_start3A_439 : memref<1024x64xf32, #tpu.memory_space<vmem_shared>>) target(%dma_start3A_433 : memref<72x64xf32, #tpu.memory_space<vmem>>) offsets(%dma_start3A_436 : memref<72xi32, #tpu.memory_space<vmem>>) semaphore(%dma_start3A_441 : memref<!tpu.dma_semaphore, #tpu.memory_space<semaphore_mem>>)
      %gt3A_442 = arith.constant 0 : i32
      %gt3A_443 = arith.cmpi sgt, %scan3A_252, %gt3A_442 : i32
      %convert_element_type3A_444 = arith.extui %gt3A_443 : i1 to i32
      %cond3A_445 = arith.constant 0 : i32
      %cond3A_446 = arith.cmpi ne, %convert_element_type3A_444, %cond3A_445 : i32
      scf.if %cond3A_446 {
        %mul3A_1518 = arith.constant 128 : i32
        %mul3A_1519 = arith.muli %add3A, %mul3A_1518 : i32
        %mul3A_1520 = arith.constant 8 : i32
        %mul3A_1521 = arith.muli %scan3A_252, %mul3A_1520 : i32
        %add3A_1522 = arith.addi %mul3A_1519, %mul3A_1521 : i32
        %add3A_1523 = arith.constant 4 : i32
        %add3A_1524 = arith.addi %add3A_1522, %add3A_1523 : i32
        %dma_wait3A_1525 = arith.constant 4 : i32
        %dma_wait3A_1526 = arith.constant 4 : i32
        %dma_wait3A_1527 = arith.constant 0 : i32
        %dma_wait3A_1528 = arith.constant 0 : i32
        %dma_wait3A_1529 = tpu.memref_slice %arg9[%dma_wait3A_1525, %dma_wait3A_1527, %dma_wait3A_1528] : memref<8x200x64xf32, #tpu.memory_space<vmem>> -> memref<1x200x64xf32, #tpu.memory_space<vmem>>
        %dma_wait3A_1530 = tpu.memref_squeeze %dma_wait3A_1529 : memref<1x200x64xf32, #tpu.memory_space<vmem>> -> memref<200x64xf32, #tpu.memory_space<vmem>>
        %dma_wait3A_1531 = arith.constant 0 : i32
        %dma_wait3A_1532 = arith.constant 0 : i32
        %dma_wait3A_1533 = tpu.memref_slice %arg6[%add3A_1524, %dma_wait3A_1531, %dma_wait3A_1532] : memref<4096x200x128xf32, #tpu.memory_space<hbm>> -> memref<1x200x64xf32, #tpu.memory_space<hbm>>
        %dma_wait3A_1534 = tpu.memref_squeeze %dma_wait3A_1533 : memref<1x200x64xf32, #tpu.memory_space<hbm>> -> memref<200x64xf32, #tpu.memory_space<hbm>>
        %dma_wait3A_1535 = tpu.memref_slice %arg15[%dma_wait3A_1526] : memref<8x!tpu.dma_semaphore, #tpu.memory_space<semaphore_mem>> -> memref<1x!tpu.dma_semaphore, #tpu.memory_space<semaphore_mem>>
        %dma_wait3A_1536 = tpu.memref_squeeze %dma_wait3A_1535 : memref<1x!tpu.dma_semaphore, #tpu.memory_space<semaphore_mem>> -> memref<!tpu.dma_semaphore, #tpu.memory_space<semaphore_mem>>
        %dma_wait3A_1537 = arith.constant 0 : i32
        %dma_wait3A_1538 = arith.constant 0 : i32
        %dma_wait3A_1539 = tpu.memref_slice %arg6[%add3A_1524, %dma_wait3A_1537, %dma_wait3A_1538] : memref<4096x200x128xf32, #tpu.memory_space<hbm>> -> memref<1x200x64xf32, #tpu.memory_space<hbm>>
        %dma_wait3A_1540 = tpu.memref_squeeze %dma_wait3A_1539 : memref<1x200x64xf32, #tpu.memory_space<hbm>> -> memref<200x64xf32, #tpu.memory_space<hbm>>
        %dma_wait3A_1541 = arith.constant 0 : i32
        %dma_wait3A_1542 = arith.constant 0 : i32
        %dma_wait3A_1543 = tpu.memref_slice %arg9[%dma_wait3A_1525, %dma_wait3A_1541, %dma_wait3A_1542] : memref<8x200x64xf32, #tpu.memory_space<vmem>> -> memref<1x200x64xf32, #tpu.memory_space<vmem>>
        %dma_wait3A_1544 = tpu.memref_squeeze %dma_wait3A_1543 : memref<1x200x64xf32, #tpu.memory_space<vmem>> -> memref<200x64xf32, #tpu.memory_space<vmem>>
        tpu.wait_dma2 semaphore(%dma_wait3A_1536 : memref<!tpu.dma_semaphore, #tpu.memory_space<semaphore_mem>>) src(%dma_wait3A_1544 : memref<200x64xf32, #tpu.memory_space<vmem>>) dst(%dma_wait3A_1540 : memref<200x64xf32, #tpu.memory_space<hbm>>)
      } else {
      }
      %dma_start3A_447 = arith.constant 4 : i32
      %dma_start3A_448 = arith.constant 4 : i32
      %dma_start3A_449 = arith.constant 4 : i32
      %dma_start3A_450 = arith.constant 0 : i32
      %dma_start3A_451 = arith.constant 0 : i32
      %dma_start3A_452 = tpu.memref_slice %arg9[%dma_start3A_448, %dma_start3A_450, %dma_start3A_451] : memref<8x200x64xf32, #tpu.memory_space<vmem>> -> memref<1x128x64xf32, #tpu.memory_space<vmem>>
      %dma_start3A_453 = tpu.memref_squeeze %dma_start3A_452 : memref<1x128x64xf32, #tpu.memory_space<vmem>> -> memref<128x64xf32, #tpu.memory_space<vmem>>
      %dma_start3A_454 = arith.constant 0 : i32
      %dma_start3A_455 = tpu.memref_slice %arg7[%select_n3A_262, %dma_start3A_447, %dma_start3A_454] : memref<2x8x200xi32, #tpu.memory_space<vmem>> -> memref<1x1x128xi32, #tpu.memory_space<vmem>>
      %dma_start3A_456 = tpu.memref_squeeze %dma_start3A_455 : memref<1x1x128xi32, #tpu.memory_space<vmem>> -> memref<128xi32, #tpu.memory_space<vmem>>
      %dma_start3A_457 = arith.constant 0 : i32
      %dma_start3A_458 = arith.constant 0 : i32
      %dma_start3A_459 = tpu.memref_slice %arg10[%dma_start3A_457, %dma_start3A_458] : memref<1024x64xf32, #tpu.memory_space<vmem_shared>> -> memref<1024x64xf32, #tpu.memory_space<vmem_shared>>
      %dma_start3A_460 = tpu.memref_slice %arg13[%dma_start3A_449] : memref<8x!tpu.dma_semaphore, #tpu.memory_space<semaphore_mem>> -> memref<1x!tpu.dma_semaphore, #tpu.memory_space<semaphore_mem>>
      %dma_start3A_461 = tpu.memref_squeeze %dma_start3A_460 : memref<1x!tpu.dma_semaphore, #tpu.memory_space<semaphore_mem>> -> memref<!tpu.dma_semaphore, #tpu.memory_space<semaphore_mem>>
      tpu.enqueue_indirect_dma source(%dma_start3A_459 : memref<1024x64xf32, #tpu.memory_space<vmem_shared>>) target(%dma_start3A_453 : memref<128x64xf32, #tpu.memory_space<vmem>>) offsets(%dma_start3A_456 : memref<128xi32, #tpu.memory_space<vmem>>) semaphore(%dma_start3A_461 : memref<!tpu.dma_semaphore, #tpu.memory_space<semaphore_mem>>)
      %dma_start3A_462 = arith.constant 4 : i32
      %dma_start3A_463 = arith.constant 4 : i32
      %dma_start3A_464 = arith.constant 4 : i32
      %dma_start3A_465 = arith.constant 128 : i32
      %dma_start3A_466 = arith.constant 0 : i32
      %dma_start3A_467 = tpu.memref_slice %arg9[%dma_start3A_463, %dma_start3A_465, %dma_start3A_466] : memref<8x200x64xf32, #tpu.memory_space<vmem>> -> memref<1x72x64xf32, #tpu.memory_space<vmem>>
      %dma_start3A_468 = tpu.memref_squeeze %dma_start3A_467 : memref<1x72x64xf32, #tpu.memory_space<vmem>> -> memref<72x64xf32, #tpu.memory_space<vmem>>
      %dma_start3A_469 = arith.constant 128 : i32
      %dma_start3A_470 = tpu.memref_slice %arg7[%select_n3A_262, %dma_start3A_462, %dma_start3A_469] : memref<2x8x200xi32, #tpu.memory_space<vmem>> -> memref<1x1x72xi32, #tpu.memory_space<vmem>>
      %dma_start3A_471 = tpu.memref_squeeze %dma_start3A_470 : memref<1x1x72xi32, #tpu.memory_space<vmem>> -> memref<72xi32, #tpu.memory_space<vmem>>
      %dma_start3A_472 = arith.constant 0 : i32
      %dma_start3A_473 = arith.constant 0 : i32
      %dma_start3A_474 = tpu.memref_slice %arg10[%dma_start3A_472, %dma_start3A_473] : memref<1024x64xf32, #tpu.memory_space<vmem_shared>> -> memref<1024x64xf32, #tpu.memory_space<vmem_shared>>
      %dma_start3A_475 = tpu.memref_slice %arg13[%dma_start3A_464] : memref<8x!tpu.dma_semaphore, #tpu.memory_space<semaphore_mem>> -> memref<1x!tpu.dma_semaphore, #tpu.memory_space<semaphore_mem>>
      %dma_start3A_476 = tpu.memref_squeeze %dma_start3A_475 : memref<1x!tpu.dma_semaphore, #tpu.memory_space<semaphore_mem>> -> memref<!tpu.dma_semaphore, #tpu.memory_space<semaphore_mem>>
      tpu.enqueue_indirect_dma source(%dma_start3A_474 : memref<1024x64xf32, #tpu.memory_space<vmem_shared>>) target(%dma_start3A_468 : memref<72x64xf32, #tpu.memory_space<vmem>>) offsets(%dma_start3A_471 : memref<72xi32, #tpu.memory_space<vmem>>) semaphore(%dma_start3A_476 : memref<!tpu.dma_semaphore, #tpu.memory_space<semaphore_mem>>)
      %gt3A_477 = arith.constant 0 : i32
      %gt3A_478 = arith.cmpi sgt, %scan3A_252, %gt3A_477 : i32
      %convert_element_type3A_479 = arith.extui %gt3A_478 : i1 to i32
      %cond3A_480 = arith.constant 0 : i32
      %cond3A_481 = arith.cmpi ne, %convert_element_type3A_479, %cond3A_480 : i32
      scf.if %cond3A_481 {
        %mul3A_1518 = arith.constant 128 : i32
        %mul3A_1519 = arith.muli %add3A, %mul3A_1518 : i32
        %mul3A_1520 = arith.constant 8 : i32
        %mul3A_1521 = arith.muli %scan3A_252, %mul3A_1520 : i32
        %add3A_1522 = arith.addi %mul3A_1519, %mul3A_1521 : i32
        %add3A_1523 = arith.constant 5 : i32
        %add3A_1524 = arith.addi %add3A_1522, %add3A_1523 : i32
        %dma_wait3A_1525 = arith.constant 5 : i32
        %dma_wait3A_1526 = arith.constant 5 : i32
        %dma_wait3A_1527 = arith.constant 0 : i32
        %dma_wait3A_1528 = arith.constant 0 : i32
        %dma_wait3A_1529 = tpu.memref_slice %arg9[%dma_wait3A_1525, %dma_wait3A_1527, %dma_wait3A_1528] : memref<8x200x64xf32, #tpu.memory_space<vmem>> -> memref<1x200x64xf32, #tpu.memory_space<vmem>>
        %dma_wait3A_1530 = tpu.memref_squeeze %dma_wait3A_1529 : memref<1x200x64xf32, #tpu.memory_space<vmem>> -> memref<200x64xf32, #tpu.memory_space<vmem>>
        %dma_wait3A_1531 = arith.constant 0 : i32
        %dma_wait3A_1532 = arith.constant 0 : i32
        %dma_wait3A_1533 = tpu.memref_slice %arg6[%add3A_1524, %dma_wait3A_1531, %dma_wait3A_1532] : memref<4096x200x128xf32, #tpu.memory_space<hbm>> -> memref<1x200x64xf32, #tpu.memory_space<hbm>>
        %dma_wait3A_1534 = tpu.memref_squeeze %dma_wait3A_1533 : memref<1x200x64xf32, #tpu.memory_space<hbm>> -> memref<200x64xf32, #tpu.memory_space<hbm>>
        %dma_wait3A_1535 = tpu.memref_slice %arg15[%dma_wait3A_1526] : memref<8x!tpu.dma_semaphore, #tpu.memory_space<semaphore_mem>> -> memref<1x!tpu.dma_semaphore, #tpu.memory_space<semaphore_mem>>
        %dma_wait3A_1536 = tpu.memref_squeeze %dma_wait3A_1535 : memref<1x!tpu.dma_semaphore, #tpu.memory_space<semaphore_mem>> -> memref<!tpu.dma_semaphore, #tpu.memory_space<semaphore_mem>>
        %dma_wait3A_1537 = arith.constant 0 : i32
        %dma_wait3A_1538 = arith.constant 0 : i32
        %dma_wait3A_1539 = tpu.memref_slice %arg6[%add3A_1524, %dma_wait3A_1537, %dma_wait3A_1538] : memref<4096x200x128xf32, #tpu.memory_space<hbm>> -> memref<1x200x64xf32, #tpu.memory_space<hbm>>
        %dma_wait3A_1540 = tpu.memref_squeeze %dma_wait3A_1539 : memref<1x200x64xf32, #tpu.memory_space<hbm>> -> memref<200x64xf32, #tpu.memory_space<hbm>>
        %dma_wait3A_1541 = arith.constant 0 : i32
        %dma_wait3A_1542 = arith.constant 0 : i32
        %dma_wait3A_1543 = tpu.memref_slice %arg9[%dma_wait3A_1525, %dma_wait3A_1541, %dma_wait3A_1542] : memref<8x200x64xf32, #tpu.memory_space<vmem>> -> memref<1x200x64xf32, #tpu.memory_space<vmem>>
        %dma_wait3A_1544 = tpu.memref_squeeze %dma_wait3A_1543 : memref<1x200x64xf32, #tpu.memory_space<vmem>> -> memref<200x64xf32, #tpu.memory_space<vmem>>
        tpu.wait_dma2 semaphore(%dma_wait3A_1536 : memref<!tpu.dma_semaphore, #tpu.memory_space<semaphore_mem>>) src(%dma_wait3A_1544 : memref<200x64xf32, #tpu.memory_space<vmem>>) dst(%dma_wait3A_1540 : memref<200x64xf32, #tpu.memory_space<hbm>>)
      } else {
      }
      %dma_start3A_482 = arith.constant 5 : i32
      %dma_start3A_483 = arith.constant 5 : i32
      %dma_start3A_484 = arith.constant 5 : i32
      %dma_start3A_485 = arith.constant 0 : i32
      %dma_start3A_486 = arith.constant 0 : i32
      %dma_start3A_487 = tpu.memref_slice %arg9[%dma_start3A_483, %dma_start3A_485, %dma_start3A_486] : memref<8x200x64xf32, #tpu.memory_space<vmem>> -> memref<1x128x64xf32, #tpu.memory_space<vmem>>
      %dma_start3A_488 = tpu.memref_squeeze %dma_start3A_487 : memref<1x128x64xf32, #tpu.memory_space<vmem>> -> memref<128x64xf32, #tpu.memory_space<vmem>>
      %dma_start3A_489 = arith.constant 0 : i32
      %dma_start3A_490 = tpu.memref_slice %arg7[%select_n3A_262, %dma_start3A_482, %dma_start3A_489] : memref<2x8x200xi32, #tpu.memory_space<vmem>> -> memref<1x1x128xi32, #tpu.memory_space<vmem>>
      %dma_start3A_491 = tpu.memref_squeeze %dma_start3A_490 : memref<1x1x128xi32, #tpu.memory_space<vmem>> -> memref<128xi32, #tpu.memory_space<vmem>>
      %dma_start3A_492 = arith.constant 0 : i32
      %dma_start3A_493 = arith.constant 0 : i32
      %dma_start3A_494 = tpu.memref_slice %arg10[%dma_start3A_492, %dma_start3A_493] : memref<1024x64xf32, #tpu.memory_space<vmem_shared>> -> memref<1024x64xf32, #tpu.memory_space<vmem_shared>>
      %dma_start3A_495 = tpu.memref_slice %arg13[%dma_start3A_484] : memref<8x!tpu.dma_semaphore, #tpu.memory_space<semaphore_mem>> -> memref<1x!tpu.dma_semaphore, #tpu.memory_space<semaphore_mem>>
      %dma_start3A_496 = tpu.memref_squeeze %dma_start3A_495 : memref<1x!tpu.dma_semaphore, #tpu.memory_space<semaphore_mem>> -> memref<!tpu.dma_semaphore, #tpu.memory_space<semaphore_mem>>
      tpu.enqueue_indirect_dma source(%dma_start3A_494 : memref<1024x64xf32, #tpu.memory_space<vmem_shared>>) target(%dma_start3A_488 : memref<128x64xf32, #tpu.memory_space<vmem>>) offsets(%dma_start3A_491 : memref<128xi32, #tpu.memory_space<vmem>>) semaphore(%dma_start3A_496 : memref<!tpu.dma_semaphore, #tpu.memory_space<semaphore_mem>>)
      %dma_start3A_497 = arith.constant 5 : i32
      %dma_start3A_498 = arith.constant 5 : i32
      %dma_start3A_499 = arith.constant 5 : i32
      %dma_start3A_500 = arith.constant 128 : i32
      %dma_start3A_501 = arith.constant 0 : i32
      %dma_start3A_502 = tpu.memref_slice %arg9[%dma_start3A_498, %dma_start3A_500, %dma_start3A_501] : memref<8x200x64xf32, #tpu.memory_space<vmem>> -> memref<1x72x64xf32, #tpu.memory_space<vmem>>
      %dma_start3A_503 = tpu.memref_squeeze %dma_start3A_502 : memref<1x72x64xf32, #tpu.memory_space<vmem>> -> memref<72x64xf32, #tpu.memory_space<vmem>>
      %dma_start3A_504 = arith.constant 128 : i32
      %dma_start3A_505 = tpu.memref_slice %arg7[%select_n3A_262, %dma_start3A_497, %dma_start3A_504] : memref<2x8x200xi32, #tpu.memory_space<vmem>> -> memref<1x1x72xi32, #tpu.memory_space<vmem>>
      %dma_start3A_506 = tpu.memref_squeeze %dma_start3A_505 : memref<1x1x72xi32, #tpu.memory_space<vmem>> -> memref<72xi32, #tpu.memory_space<vmem>>
      %dma_start3A_507 = arith.constant 0 : i32
      %dma_start3A_508 = arith.constant 0 : i32
      %dma_start3A_509 = tpu.memref_slice %arg10[%dma_start3A_507, %dma_start3A_508] : memref<1024x64xf32, #tpu.memory_space<vmem_shared>> -> memref<1024x64xf32, #tpu.memory_space<vmem_shared>>
      %dma_start3A_510 = tpu.memref_slice %arg13[%dma_start3A_499] : memref<8x!tpu.dma_semaphore, #tpu.memory_space<semaphore_mem>> -> memref<1x!tpu.dma_semaphore, #tpu.memory_space<semaphore_mem>>
      %dma_start3A_511 = tpu.memref_squeeze %dma_start3A_510 : memref<1x!tpu.dma_semaphore, #tpu.memory_space<semaphore_mem>> -> memref<!tpu.dma_semaphore, #tpu.memory_space<semaphore_mem>>
      tpu.enqueue_indirect_dma source(%dma_start3A_509 : memref<1024x64xf32, #tpu.memory_space<vmem_shared>>) target(%dma_start3A_503 : memref<72x64xf32, #tpu.memory_space<vmem>>) offsets(%dma_start3A_506 : memref<72xi32, #tpu.memory_space<vmem>>) semaphore(%dma_start3A_511 : memref<!tpu.dma_semaphore, #tpu.memory_space<semaphore_mem>>)
      %gt3A_512 = arith.constant 0 : i32
      %gt3A_513 = arith.cmpi sgt, %scan3A_252, %gt3A_512 : i32
      %convert_element_type3A_514 = arith.extui %gt3A_513 : i1 to i32
      %cond3A_515 = arith.constant 0 : i32
      %cond3A_516 = arith.cmpi ne, %convert_element_type3A_514, %cond3A_515 : i32
      scf.if %cond3A_516 {
        %mul3A_1518 = arith.constant 128 : i32
        %mul3A_1519 = arith.muli %add3A, %mul3A_1518 : i32
        %mul3A_1520 = arith.constant 8 : i32
        %mul3A_1521 = arith.muli %scan3A_252, %mul3A_1520 : i32
        %add3A_1522 = arith.addi %mul3A_1519, %mul3A_1521 : i32
        %add3A_1523 = arith.constant 6 : i32
        %add3A_1524 = arith.addi %add3A_1522, %add3A_1523 : i32
        %dma_wait3A_1525 = arith.constant 6 : i32
        %dma_wait3A_1526 = arith.constant 6 : i32
        %dma_wait3A_1527 = arith.constant 0 : i32
        %dma_wait3A_1528 = arith.constant 0 : i32
        %dma_wait3A_1529 = tpu.memref_slice %arg9[%dma_wait3A_1525, %dma_wait3A_1527, %dma_wait3A_1528] : memref<8x200x64xf32, #tpu.memory_space<vmem>> -> memref<1x200x64xf32, #tpu.memory_space<vmem>>
        %dma_wait3A_1530 = tpu.memref_squeeze %dma_wait3A_1529 : memref<1x200x64xf32, #tpu.memory_space<vmem>> -> memref<200x64xf32, #tpu.memory_space<vmem>>
        %dma_wait3A_1531 = arith.constant 0 : i32
        %dma_wait3A_1532 = arith.constant 0 : i32
        %dma_wait3A_1533 = tpu.memref_slice %arg6[%add3A_1524, %dma_wait3A_1531, %dma_wait3A_1532] : memref<4096x200x128xf32, #tpu.memory_space<hbm>> -> memref<1x200x64xf32, #tpu.memory_space<hbm>>
        %dma_wait3A_1534 = tpu.memref_squeeze %dma_wait3A_1533 : memref<1x200x64xf32, #tpu.memory_space<hbm>> -> memref<200x64xf32, #tpu.memory_space<hbm>>
        %dma_wait3A_1535 = tpu.memref_slice %arg15[%dma_wait3A_1526] : memref<8x!tpu.dma_semaphore, #tpu.memory_space<semaphore_mem>> -> memref<1x!tpu.dma_semaphore, #tpu.memory_space<semaphore_mem>>
        %dma_wait3A_1536 = tpu.memref_squeeze %dma_wait3A_1535 : memref<1x!tpu.dma_semaphore, #tpu.memory_space<semaphore_mem>> -> memref<!tpu.dma_semaphore, #tpu.memory_space<semaphore_mem>>
        %dma_wait3A_1537 = arith.constant 0 : i32
        %dma_wait3A_1538 = arith.constant 0 : i32
        %dma_wait3A_1539 = tpu.memref_slice %arg6[%add3A_1524, %dma_wait3A_1537, %dma_wait3A_1538] : memref<4096x200x128xf32, #tpu.memory_space<hbm>> -> memref<1x200x64xf32, #tpu.memory_space<hbm>>
        %dma_wait3A_1540 = tpu.memref_squeeze %dma_wait3A_1539 : memref<1x200x64xf32, #tpu.memory_space<hbm>> -> memref<200x64xf32, #tpu.memory_space<hbm>>
        %dma_wait3A_1541 = arith.constant 0 : i32
        %dma_wait3A_1542 = arith.constant 0 : i32
        %dma_wait3A_1543 = tpu.memref_slice %arg9[%dma_wait3A_1525, %dma_wait3A_1541, %dma_wait3A_1542] : memref<8x200x64xf32, #tpu.memory_space<vmem>> -> memref<1x200x64xf32, #tpu.memory_space<vmem>>
        %dma_wait3A_1544 = tpu.memref_squeeze %dma_wait3A_1543 : memref<1x200x64xf32, #tpu.memory_space<vmem>> -> memref<200x64xf32, #tpu.memory_space<vmem>>
        tpu.wait_dma2 semaphore(%dma_wait3A_1536 : memref<!tpu.dma_semaphore, #tpu.memory_space<semaphore_mem>>) src(%dma_wait3A_1544 : memref<200x64xf32, #tpu.memory_space<vmem>>) dst(%dma_wait3A_1540 : memref<200x64xf32, #tpu.memory_space<hbm>>)
      } else {
      }
      %dma_start3A_517 = arith.constant 6 : i32
      %dma_start3A_518 = arith.constant 6 : i32
      %dma_start3A_519 = arith.constant 6 : i32
      %dma_start3A_520 = arith.constant 0 : i32
      %dma_start3A_521 = arith.constant 0 : i32
      %dma_start3A_522 = tpu.memref_slice %arg9[%dma_start3A_518, %dma_start3A_520, %dma_start3A_521] : memref<8x200x64xf32, #tpu.memory_space<vmem>> -> memref<1x128x64xf32, #tpu.memory_space<vmem>>
      %dma_start3A_523 = tpu.memref_squeeze %dma_start3A_522 : memref<1x128x64xf32, #tpu.memory_space<vmem>> -> memref<128x64xf32, #tpu.memory_space<vmem>>
      %dma_start3A_524 = arith.constant 0 : i32
      %dma_start3A_525 = tpu.memref_slice %arg7[%select_n3A_262, %dma_start3A_517, %dma_start3A_524] : memref<2x8x200xi32, #tpu.memory_space<vmem>> -> memref<1x1x128xi32, #tpu.memory_space<vmem>>
      %dma_start3A_526 = tpu.memref_squeeze %dma_start3A_525 : memref<1x1x128xi32, #tpu.memory_space<vmem>> -> memref<128xi32, #tpu.memory_space<vmem>>
      %dma_start3A_527 = arith.constant 0 : i32
      %dma_start3A_528 = arith.constant 0 : i32
      %dma_start3A_529 = tpu.memref_slice %arg10[%dma_start3A_527, %dma_start3A_528] : memref<1024x64xf32, #tpu.memory_space<vmem_shared>> -> memref<1024x64xf32, #tpu.memory_space<vmem_shared>>
      %dma_start3A_530 = tpu.memref_slice %arg13[%dma_start3A_519] : memref<8x!tpu.dma_semaphore, #tpu.memory_space<semaphore_mem>> -> memref<1x!tpu.dma_semaphore, #tpu.memory_space<semaphore_mem>>
      %dma_start3A_531 = tpu.memref_squeeze %dma_start3A_530 : memref<1x!tpu.dma_semaphore, #tpu.memory_space<semaphore_mem>> -> memref<!tpu.dma_semaphore, #tpu.memory_space<semaphore_mem>>
      tpu.enqueue_indirect_dma source(%dma_start3A_529 : memref<1024x64xf32, #tpu.memory_space<vmem_shared>>) target(%dma_start3A_523 : memref<128x64xf32, #tpu.memory_space<vmem>>) offsets(%dma_start3A_526 : memref<128xi32, #tpu.memory_space<vmem>>) semaphore(%dma_start3A_531 : memref<!tpu.dma_semaphore, #tpu.memory_space<semaphore_mem>>)
      %dma_start3A_532 = arith.constant 6 : i32
      %dma_start3A_533 = arith.constant 6 : i32
      %dma_start3A_534 = arith.constant 6 : i32
      %dma_start3A_535 = arith.constant 128 : i32
      %dma_start3A_536 = arith.constant 0 : i32
      %dma_start3A_537 = tpu.memref_slice %arg9[%dma_start3A_533, %dma_start3A_535, %dma_start3A_536] : memref<8x200x64xf32, #tpu.memory_space<vmem>> -> memref<1x72x64xf32, #tpu.memory_space<vmem>>
      %dma_start3A_538 = tpu.memref_squeeze %dma_start3A_537 : memref<1x72x64xf32, #tpu.memory_space<vmem>> -> memref<72x64xf32, #tpu.memory_space<vmem>>
      %dma_start3A_539 = arith.constant 128 : i32
      %dma_start3A_540 = tpu.memref_slice %arg7[%select_n3A_262, %dma_start3A_532, %dma_start3A_539] : memref<2x8x200xi32, #tpu.memory_space<vmem>> -> memref<1x1x72xi32, #tpu.memory_space<vmem>>
      %dma_start3A_541 = tpu.memref_squeeze %dma_start3A_540 : memref<1x1x72xi32, #tpu.memory_space<vmem>> -> memref<72xi32, #tpu.memory_space<vmem>>
      %dma_start3A_542 = arith.constant 0 : i32
      %dma_start3A_543 = arith.constant 0 : i32
      %dma_start3A_544 = tpu.memref_slice %arg10[%dma_start3A_542, %dma_start3A_543] : memref<1024x64xf32, #tpu.memory_space<vmem_shared>> -> memref<1024x64xf32, #tpu.memory_space<vmem_shared>>
      %dma_start3A_545 = tpu.memref_slice %arg13[%dma_start3A_534] : memref<8x!tpu.dma_semaphore, #tpu.memory_space<semaphore_mem>> -> memref<1x!tpu.dma_semaphore, #tpu.memory_space<semaphore_mem>>
      %dma_start3A_546 = tpu.memref_squeeze %dma_start3A_545 : memref<1x!tpu.dma_semaphore, #tpu.memory_space<semaphore_mem>> -> memref<!tpu.dma_semaphore, #tpu.memory_space<semaphore_mem>>
      tpu.enqueue_indirect_dma source(%dma_start3A_544 : memref<1024x64xf32, #tpu.memory_space<vmem_shared>>) target(%dma_start3A_538 : memref<72x64xf32, #tpu.memory_space<vmem>>) offsets(%dma_start3A_541 : memref<72xi32, #tpu.memory_space<vmem>>) semaphore(%dma_start3A_546 : memref<!tpu.dma_semaphore, #tpu.memory_space<semaphore_mem>>)
      %gt3A_547 = arith.constant 0 : i32
      %gt3A_548 = arith.cmpi sgt, %scan3A_252, %gt3A_547 : i32
      %convert_element_type3A_549 = arith.extui %gt3A_548 : i1 to i32
      %cond3A_550 = arith.constant 0 : i32
      %cond3A_551 = arith.cmpi ne, %convert_element_type3A_549, %cond3A_550 : i32
      scf.if %cond3A_551 {
        %mul3A_1518 = arith.constant 128 : i32
        %mul3A_1519 = arith.muli %add3A, %mul3A_1518 : i32
        %mul3A_1520 = arith.constant 8 : i32
        %mul3A_1521 = arith.muli %scan3A_252, %mul3A_1520 : i32
        %add3A_1522 = arith.addi %mul3A_1519, %mul3A_1521 : i32
        %add3A_1523 = arith.constant 7 : i32
        %add3A_1524 = arith.addi %add3A_1522, %add3A_1523 : i32
        %dma_wait3A_1525 = arith.constant 7 : i32
        %dma_wait3A_1526 = arith.constant 7 : i32
        %dma_wait3A_1527 = arith.constant 0 : i32
        %dma_wait3A_1528 = arith.constant 0 : i32
        %dma_wait3A_1529 = tpu.memref_slice %arg9[%dma_wait3A_1525, %dma_wait3A_1527, %dma_wait3A_1528] : memref<8x200x64xf32, #tpu.memory_space<vmem>> -> memref<1x200x64xf32, #tpu.memory_space<vmem>>
        %dma_wait3A_1530 = tpu.memref_squeeze %dma_wait3A_1529 : memref<1x200x64xf32, #tpu.memory_space<vmem>> -> memref<200x64xf32, #tpu.memory_space<vmem>>
        %dma_wait3A_1531 = arith.constant 0 : i32
        %dma_wait3A_1532 = arith.constant 0 : i32
        %dma_wait3A_1533 = tpu.memref_slice %arg6[%add3A_1524, %dma_wait3A_1531, %dma_wait3A_1532] : memref<4096x200x128xf32, #tpu.memory_space<hbm>> -> memref<1x200x64xf32, #tpu.memory_space<hbm>>
        %dma_wait3A_1534 = tpu.memref_squeeze %dma_wait3A_1533 : memref<1x200x64xf32, #tpu.memory_space<hbm>> -> memref<200x64xf32, #tpu.memory_space<hbm>>
        %dma_wait3A_1535 = tpu.memref_slice %arg15[%dma_wait3A_1526] : memref<8x!tpu.dma_semaphore, #tpu.memory_space<semaphore_mem>> -> memref<1x!tpu.dma_semaphore, #tpu.memory_space<semaphore_mem>>
        %dma_wait3A_1536 = tpu.memref_squeeze %dma_wait3A_1535 : memref<1x!tpu.dma_semaphore, #tpu.memory_space<semaphore_mem>> -> memref<!tpu.dma_semaphore, #tpu.memory_space<semaphore_mem>>
        %dma_wait3A_1537 = arith.constant 0 : i32
        %dma_wait3A_1538 = arith.constant 0 : i32
        %dma_wait3A_1539 = tpu.memref_slice %arg6[%add3A_1524, %dma_wait3A_1537, %dma_wait3A_1538] : memref<4096x200x128xf32, #tpu.memory_space<hbm>> -> memref<1x200x64xf32, #tpu.memory_space<hbm>>
        %dma_wait3A_1540 = tpu.memref_squeeze %dma_wait3A_1539 : memref<1x200x64xf32, #tpu.memory_space<hbm>> -> memref<200x64xf32, #tpu.memory_space<hbm>>
        %dma_wait3A_1541 = arith.constant 0 : i32
        %dma_wait3A_1542 = arith.constant 0 : i32
        %dma_wait3A_1543 = tpu.memref_slice %arg9[%dma_wait3A_1525, %dma_wait3A_1541, %dma_wait3A_1542] : memref<8x200x64xf32, #tpu.memory_space<vmem>> -> memref<1x200x64xf32, #tpu.memory_space<vmem>>
        %dma_wait3A_1544 = tpu.memref_squeeze %dma_wait3A_1543 : memref<1x200x64xf32, #tpu.memory_space<vmem>> -> memref<200x64xf32, #tpu.memory_space<vmem>>
        tpu.wait_dma2 semaphore(%dma_wait3A_1536 : memref<!tpu.dma_semaphore, #tpu.memory_space<semaphore_mem>>) src(%dma_wait3A_1544 : memref<200x64xf32, #tpu.memory_space<vmem>>) dst(%dma_wait3A_1540 : memref<200x64xf32, #tpu.memory_space<hbm>>)
      } else {
      }
      %dma_start3A_552 = arith.constant 7 : i32
      %dma_start3A_553 = arith.constant 7 : i32
      %dma_start3A_554 = arith.constant 7 : i32
      %dma_start3A_555 = arith.constant 0 : i32
      %dma_start3A_556 = arith.constant 0 : i32
      %dma_start3A_557 = tpu.memref_slice %arg9[%dma_start3A_553, %dma_start3A_555, %dma_start3A_556] : memref<8x200x64xf32, #tpu.memory_space<vmem>> -> memref<1x128x64xf32, #tpu.memory_space<vmem>>
      %dma_start3A_558 = tpu.memref_squeeze %dma_start3A_557 : memref<1x128x64xf32, #tpu.memory_space<vmem>> -> memref<128x64xf32, #tpu.memory_space<vmem>>
      %dma_start3A_559 = arith.constant 0 : i32
      %dma_start3A_560 = tpu.memref_slice %arg7[%select_n3A_262, %dma_start3A_552, %dma_start3A_559] : memref<2x8x200xi32, #tpu.memory_space<vmem>> -> memref<1x1x128xi32, #tpu.memory_space<vmem>>
      %dma_start3A_561 = tpu.memref_squeeze %dma_start3A_560 : memref<1x1x128xi32, #tpu.memory_space<vmem>> -> memref<128xi32, #tpu.memory_space<vmem>>
      %dma_start3A_562 = arith.constant 0 : i32
      %dma_start3A_563 = arith.constant 0 : i32
      %dma_start3A_564 = tpu.memref_slice %arg10[%dma_start3A_562, %dma_start3A_563] : memref<1024x64xf32, #tpu.memory_space<vmem_shared>> -> memref<1024x64xf32, #tpu.memory_space<vmem_shared>>
      %dma_start3A_565 = tpu.memref_slice %arg13[%dma_start3A_554] : memref<8x!tpu.dma_semaphore, #tpu.memory_space<semaphore_mem>> -> memref<1x!tpu.dma_semaphore, #tpu.memory_space<semaphore_mem>>
      %dma_start3A_566 = tpu.memref_squeeze %dma_start3A_565 : memref<1x!tpu.dma_semaphore, #tpu.memory_space<semaphore_mem>> -> memref<!tpu.dma_semaphore, #tpu.memory_space<semaphore_mem>>
      tpu.enqueue_indirect_dma source(%dma_start3A_564 : memref<1024x64xf32, #tpu.memory_space<vmem_shared>>) target(%dma_start3A_558 : memref<128x64xf32, #tpu.memory_space<vmem>>) offsets(%dma_start3A_561 : memref<128xi32, #tpu.memory_space<vmem>>) semaphore(%dma_start3A_566 : memref<!tpu.dma_semaphore, #tpu.memory_space<semaphore_mem>>)
      %dma_start3A_567 = arith.constant 7 : i32
      %dma_start3A_568 = arith.constant 7 : i32
      %dma_start3A_569 = arith.constant 7 : i32
      %dma_start3A_570 = arith.constant 128 : i32
      %dma_start3A_571 = arith.constant 0 : i32
      %dma_start3A_572 = tpu.memref_slice %arg9[%dma_start3A_568, %dma_start3A_570, %dma_start3A_571] : memref<8x200x64xf32, #tpu.memory_space<vmem>> -> memref<1x72x64xf32, #tpu.memory_space<vmem>>
      %dma_start3A_573 = tpu.memref_squeeze %dma_start3A_572 : memref<1x72x64xf32, #tpu.memory_space<vmem>> -> memref<72x64xf32, #tpu.memory_space<vmem>>
      %dma_start3A_574 = arith.constant 128 : i32
      %dma_start3A_575 = tpu.memref_slice %arg7[%select_n3A_262, %dma_start3A_567, %dma_start3A_574] : memref<2x8x200xi32, #tpu.memory_space<vmem>> -> memref<1x1x72xi32, #tpu.memory_space<vmem>>
      %dma_start3A_576 = tpu.memref_squeeze %dma_start3A_575 : memref<1x1x72xi32, #tpu.memory_space<vmem>> -> memref<72xi32, #tpu.memory_space<vmem>>
      %dma_start3A_577 = arith.constant 0 : i32
      %dma_start3A_578 = arith.constant 0 : i32
      %dma_start3A_579 = tpu.memref_slice %arg10[%dma_start3A_577, %dma_start3A_578] : memref<1024x64xf32, #tpu.memory_space<vmem_shared>> -> memref<1024x64xf32, #tpu.memory_space<vmem_shared>>
      %dma_start3A_580 = tpu.memref_slice %arg13[%dma_start3A_569] : memref<8x!tpu.dma_semaphore, #tpu.memory_space<semaphore_mem>> -> memref<1x!tpu.dma_semaphore, #tpu.memory_space<semaphore_mem>>
      %dma_start3A_581 = tpu.memref_squeeze %dma_start3A_580 : memref<1x!tpu.dma_semaphore, #tpu.memory_space<semaphore_mem>> -> memref<!tpu.dma_semaphore, #tpu.memory_space<semaphore_mem>>
      tpu.enqueue_indirect_dma source(%dma_start3A_579 : memref<1024x64xf32, #tpu.memory_space<vmem_shared>>) target(%dma_start3A_573 : memref<72x64xf32, #tpu.memory_space<vmem>>) offsets(%dma_start3A_576 : memref<72xi32, #tpu.memory_space<vmem>>) semaphore(%dma_start3A_581 : memref<!tpu.dma_semaphore, #tpu.memory_space<semaphore_mem>>)
      %dma_wait3A_582 = arith.constant 0 : i32
      %dma_wait3A_583 = arith.constant 0 : i32
      %dma_wait3A_584 = arith.constant 0 : i32
      %dma_wait3A_585 = arith.constant 0 : i32
      %dma_wait3A_586 = arith.constant 0 : i32
      %dma_wait3A_587 = tpu.memref_slice %arg9[%dma_wait3A_583, %dma_wait3A_585, %dma_wait3A_586] : memref<8x200x64xf32, #tpu.memory_space<vmem>> -> memref<1x128x64xf32, #tpu.memory_space<vmem>>
      %dma_wait3A_588 = tpu.memref_squeeze %dma_wait3A_587 : memref<1x128x64xf32, #tpu.memory_space<vmem>> -> memref<128x64xf32, #tpu.memory_space<vmem>>
      %dma_wait3A_589 = arith.constant 0 : i32
      %dma_wait3A_590 = tpu.memref_slice %arg7[%select_n3A_262, %dma_wait3A_582, %dma_wait3A_589] : memref<2x8x200xi32, #tpu.memory_space<vmem>> -> memref<1x1x128xi32, #tpu.memory_space<vmem>>
      %dma_wait3A_591 = tpu.memref_squeeze %dma_wait3A_590 : memref<1x1x128xi32, #tpu.memory_space<vmem>> -> memref<128xi32, #tpu.memory_space<vmem>>
      %dma_wait3A_592 = arith.constant 0 : i32
      %dma_wait3A_593 = arith.constant 0 : i32
      %dma_wait3A_594 = tpu.memref_slice %arg10[%dma_wait3A_592, %dma_wait3A_593] : memref<1024x64xf32, #tpu.memory_space<vmem_shared>> -> memref<1024x64xf32, #tpu.memory_space<vmem_shared>>
      %dma_wait3A_595 = tpu.memref_slice %arg13[%dma_wait3A_584] : memref<8x!tpu.dma_semaphore, #tpu.memory_space<semaphore_mem>> -> memref<1x!tpu.dma_semaphore, #tpu.memory_space<semaphore_mem>>
      %dma_wait3A_596 = tpu.memref_squeeze %dma_wait3A_595 : memref<1x!tpu.dma_semaphore, #tpu.memory_space<semaphore_mem>> -> memref<!tpu.dma_semaphore, #tpu.memory_space<semaphore_mem>>
      tpu.wait_indirect_dma semaphore(%dma_wait3A_596 : memref<!tpu.dma_semaphore, #tpu.memory_space<semaphore_mem>>) src(%dma_wait3A_594 : memref<1024x64xf32, #tpu.memory_space<vmem_shared>>) dst(%dma_wait3A_588 : memref<128x64xf32, #tpu.memory_space<vmem>>)
      %dma_wait3A_597 = arith.constant 0 : i32
      %dma_wait3A_598 = arith.constant 0 : i32
      %dma_wait3A_599 = arith.constant 0 : i32
      %dma_wait3A_600 = arith.constant 128 : i32
      %dma_wait3A_601 = arith.constant 0 : i32
      %dma_wait3A_602 = tpu.memref_slice %arg9[%dma_wait3A_598, %dma_wait3A_600, %dma_wait3A_601] : memref<8x200x64xf32, #tpu.memory_space<vmem>> -> memref<1x72x64xf32, #tpu.memory_space<vmem>>
      %dma_wait3A_603 = tpu.memref_squeeze %dma_wait3A_602 : memref<1x72x64xf32, #tpu.memory_space<vmem>> -> memref<72x64xf32, #tpu.memory_space<vmem>>
      %dma_wait3A_604 = arith.constant 128 : i32
      %dma_wait3A_605 = tpu.memref_slice %arg7[%select_n3A_262, %dma_wait3A_597, %dma_wait3A_604] : memref<2x8x200xi32, #tpu.memory_space<vmem>> -> memref<1x1x72xi32, #tpu.memory_space<vmem>>
      %dma_wait3A_606 = tpu.memref_squeeze %dma_wait3A_605 : memref<1x1x72xi32, #tpu.memory_space<vmem>> -> memref<72xi32, #tpu.memory_space<vmem>>
      %dma_wait3A_607 = arith.constant 0 : i32
      %dma_wait3A_608 = arith.constant 0 : i32
      %dma_wait3A_609 = tpu.memref_slice %arg10[%dma_wait3A_607, %dma_wait3A_608] : memref<1024x64xf32, #tpu.memory_space<vmem_shared>> -> memref<1024x64xf32, #tpu.memory_space<vmem_shared>>
      %dma_wait3A_610 = tpu.memref_slice %arg13[%dma_wait3A_599] : memref<8x!tpu.dma_semaphore, #tpu.memory_space<semaphore_mem>> -> memref<1x!tpu.dma_semaphore, #tpu.memory_space<semaphore_mem>>
      %dma_wait3A_611 = tpu.memref_squeeze %dma_wait3A_610 : memref<1x!tpu.dma_semaphore, #tpu.memory_space<semaphore_mem>> -> memref<!tpu.dma_semaphore, #tpu.memory_space<semaphore_mem>>
      tpu.wait_indirect_dma semaphore(%dma_wait3A_611 : memref<!tpu.dma_semaphore, #tpu.memory_space<semaphore_mem>>) src(%dma_wait3A_609 : memref<1024x64xf32, #tpu.memory_space<vmem_shared>>) dst(%dma_wait3A_603 : memref<72x64xf32, #tpu.memory_space<vmem>>)
      %dma_start3A_612 = arith.constant 0 : i32
      %dma_start3A_613 = arith.constant 0 : i32
      %dma_start3A_614 = arith.constant 0 : i32
      %dma_start3A_615 = arith.constant 0 : i32
      %dma_start3A_616 = arith.constant 0 : i32
      %dma_start3A_617 = tpu.memref_slice %arg9[%dma_start3A_613, %dma_start3A_615, %dma_start3A_616] : memref<8x200x64xf32, #tpu.memory_space<vmem>> -> memref<1x128x64xf32, #tpu.memory_space<vmem>>
      %dma_start3A_618 = tpu.memref_squeeze %dma_start3A_617 : memref<1x128x64xf32, #tpu.memory_space<vmem>> -> memref<128x64xf32, #tpu.memory_space<vmem>>
      %dma_start3A_619 = arith.constant 0 : i32
      %dma_start3A_620 = tpu.memref_slice %arg8[%select_n3A_262, %dma_start3A_612, %dma_start3A_619] : memref<2x8x200xi32, #tpu.memory_space<vmem>> -> memref<1x1x128xi32, #tpu.memory_space<vmem>>
      %dma_start3A_621 = tpu.memref_squeeze %dma_start3A_620 : memref<1x1x128xi32, #tpu.memory_space<vmem>> -> memref<128xi32, #tpu.memory_space<vmem>>
      %dma_start3A_622 = arith.constant 0 : i32
      %dma_start3A_623 = arith.constant 0 : i32
      %dma_start3A_624 = tpu.memref_slice %arg11[%dma_start3A_622, %dma_start3A_623] : memref<1024x64xf32, #tpu.memory_space<vmem_shared>> -> memref<1024x64xf32, #tpu.memory_space<vmem_shared>>
      %dma_start3A_625 = tpu.memref_slice %arg14[%dma_start3A_614] : memref<8x!tpu.dma_semaphore, #tpu.memory_space<semaphore_mem>> -> memref<1x!tpu.dma_semaphore, #tpu.memory_space<semaphore_mem>>
      %dma_start3A_626 = tpu.memref_squeeze %dma_start3A_625 : memref<1x!tpu.dma_semaphore, #tpu.memory_space<semaphore_mem>> -> memref<!tpu.dma_semaphore, #tpu.memory_space<semaphore_mem>>
      tpu.enqueue_indirect_dma source(%dma_start3A_624 : memref<1024x64xf32, #tpu.memory_space<vmem_shared>>) target(%dma_start3A_618 : memref<128x64xf32, #tpu.memory_space<vmem>>) offsets(%dma_start3A_621 : memref<128xi32, #tpu.memory_space<vmem>>) semaphore(%dma_start3A_626 : memref<!tpu.dma_semaphore, #tpu.memory_space<semaphore_mem>>) {add = true}
      %dma_start3A_627 = arith.constant 0 : i32
      %dma_start3A_628 = arith.constant 0 : i32
      %dma_start3A_629 = arith.constant 0 : i32
      %dma_start3A_630 = arith.constant 128 : i32
      %dma_start3A_631 = arith.constant 0 : i32
      %dma_start3A_632 = tpu.memref_slice %arg9[%dma_start3A_628, %dma_start3A_630, %dma_start3A_631] : memref<8x200x64xf32, #tpu.memory_space<vmem>> -> memref<1x72x64xf32, #tpu.memory_space<vmem>>
      %dma_start3A_633 = tpu.memref_squeeze %dma_start3A_632 : memref<1x72x64xf32, #tpu.memory_space<vmem>> -> memref<72x64xf32, #tpu.memory_space<vmem>>
      %dma_start3A_634 = arith.constant 128 : i32
      %dma_start3A_635 = tpu.memref_slice %arg8[%select_n3A_262, %dma_start3A_627, %dma_start3A_634] : memref<2x8x200xi32, #tpu.memory_space<vmem>> -> memref<1x1x72xi32, #tpu.memory_space<vmem>>
      %dma_start3A_636 = tpu.memref_squeeze %dma_start3A_635 : memref<1x1x72xi32, #tpu.memory_space<vmem>> -> memref<72xi32, #tpu.memory_space<vmem>>
      %dma_start3A_637 = arith.constant 0 : i32
      %dma_start3A_638 = arith.constant 0 : i32
      %dma_start3A_639 = tpu.memref_slice %arg11[%dma_start3A_637, %dma_start3A_638] : memref<1024x64xf32, #tpu.memory_space<vmem_shared>> -> memref<1024x64xf32, #tpu.memory_space<vmem_shared>>
      %dma_start3A_640 = tpu.memref_slice %arg14[%dma_start3A_629] : memref<8x!tpu.dma_semaphore, #tpu.memory_space<semaphore_mem>> -> memref<1x!tpu.dma_semaphore, #tpu.memory_space<semaphore_mem>>
      %dma_start3A_641 = tpu.memref_squeeze %dma_start3A_640 : memref<1x!tpu.dma_semaphore, #tpu.memory_space<semaphore_mem>> -> memref<!tpu.dma_semaphore, #tpu.memory_space<semaphore_mem>>
      tpu.enqueue_indirect_dma source(%dma_start3A_639 : memref<1024x64xf32, #tpu.memory_space<vmem_shared>>) target(%dma_start3A_633 : memref<72x64xf32, #tpu.memory_space<vmem>>) offsets(%dma_start3A_636 : memref<72xi32, #tpu.memory_space<vmem>>) semaphore(%dma_start3A_641 : memref<!tpu.dma_semaphore, #tpu.memory_space<semaphore_mem>>) {add = true}
      %dma_wait3A_642 = arith.constant 1 : i32
      %dma_wait3A_643 = arith.constant 1 : i32
      %dma_wait3A_644 = arith.constant 1 : i32
      %dma_wait3A_645 = arith.constant 0 : i32
      %dma_wait3A_646 = arith.constant 0 : i32
      %dma_wait3A_647 = tpu.memref_slice %arg9[%dma_wait3A_643, %dma_wait3A_645, %dma_wait3A_646] : memref<8x200x64xf32, #tpu.memory_space<vmem>> -> memref<1x128x64xf32, #tpu.memory_space<vmem>>
      %dma_wait3A_648 = tpu.memref_squeeze %dma_wait3A_647 : memref<1x128x64xf32, #tpu.memory_space<vmem>> -> memref<128x64xf32, #tpu.memory_space<vmem>>
      %dma_wait3A_649 = arith.constant 0 : i32
      %dma_wait3A_650 = tpu.memref_slice %arg7[%select_n3A_262, %dma_wait3A_642, %dma_wait3A_649] : memref<2x8x200xi32, #tpu.memory_space<vmem>> -> memref<1x1x128xi32, #tpu.memory_space<vmem>>
      %dma_wait3A_651 = tpu.memref_squeeze %dma_wait3A_650 : memref<1x1x128xi32, #tpu.memory_space<vmem>> -> memref<128xi32, #tpu.memory_space<vmem>>
      %dma_wait3A_652 = arith.constant 0 : i32
      %dma_wait3A_653 = arith.constant 0 : i32
      %dma_wait3A_654 = tpu.memref_slice %arg10[%dma_wait3A_652, %dma_wait3A_653] : memref<1024x64xf32, #tpu.memory_space<vmem_shared>> -> memref<1024x64xf32, #tpu.memory_space<vmem_shared>>
      %dma_wait3A_655 = tpu.memref_slice %arg13[%dma_wait3A_644] : memref<8x!tpu.dma_semaphore, #tpu.memory_space<semaphore_mem>> -> memref<1x!tpu.dma_semaphore, #tpu.memory_space<semaphore_mem>>
      %dma_wait3A_656 = tpu.memref_squeeze %dma_wait3A_655 : memref<1x!tpu.dma_semaphore, #tpu.memory_space<semaphore_mem>> -> memref<!tpu.dma_semaphore, #tpu.memory_space<semaphore_mem>>
      tpu.wait_indirect_dma semaphore(%dma_wait3A_656 : memref<!tpu.dma_semaphore, #tpu.memory_space<semaphore_mem>>) src(%dma_wait3A_654 : memref<1024x64xf32, #tpu.memory_space<vmem_shared>>) dst(%dma_wait3A_648 : memref<128x64xf32, #tpu.memory_space<vmem>>)
      %dma_wait3A_657 = arith.constant 1 : i32
      %dma_wait3A_658 = arith.constant 1 : i32
      %dma_wait3A_659 = arith.constant 1 : i32
      %dma_wait3A_660 = arith.constant 128 : i32
      %dma_wait3A_661 = arith.constant 0 : i32
      %dma_wait3A_662 = tpu.memref_slice %arg9[%dma_wait3A_658, %dma_wait3A_660, %dma_wait3A_661] : memref<8x200x64xf32, #tpu.memory_space<vmem>> -> memref<1x72x64xf32, #tpu.memory_space<vmem>>
      %dma_wait3A_663 = tpu.memref_squeeze %dma_wait3A_662 : memref<1x72x64xf32, #tpu.memory_space<vmem>> -> memref<72x64xf32, #tpu.memory_space<vmem>>
      %dma_wait3A_664 = arith.constant 128 : i32
      %dma_wait3A_665 = tpu.memref_slice %arg7[%select_n3A_262, %dma_wait3A_657, %dma_wait3A_664] : memref<2x8x200xi32, #tpu.memory_space<vmem>> -> memref<1x1x72xi32, #tpu.memory_space<vmem>>
      %dma_wait3A_666 = tpu.memref_squeeze %dma_wait3A_665 : memref<1x1x72xi32, #tpu.memory_space<vmem>> -> memref<72xi32, #tpu.memory_space<vmem>>
      %dma_wait3A_667 = arith.constant 0 : i32
      %dma_wait3A_668 = arith.constant 0 : i32
      %dma_wait3A_669 = tpu.memref_slice %arg10[%dma_wait3A_667, %dma_wait3A_668] : memref<1024x64xf32, #tpu.memory_space<vmem_shared>> -> memref<1024x64xf32, #tpu.memory_space<vmem_shared>>
      %dma_wait3A_670 = tpu.memref_slice %arg13[%dma_wait3A_659] : memref<8x!tpu.dma_semaphore, #tpu.memory_space<semaphore_mem>> -> memref<1x!tpu.dma_semaphore, #tpu.memory_space<semaphore_mem>>
      %dma_wait3A_671 = tpu.memref_squeeze %dma_wait3A_670 : memref<1x!tpu.dma_semaphore, #tpu.memory_space<semaphore_mem>> -> memref<!tpu.dma_semaphore, #tpu.memory_space<semaphore_mem>>
      tpu.wait_indirect_dma semaphore(%dma_wait3A_671 : memref<!tpu.dma_semaphore, #tpu.memory_space<semaphore_mem>>) src(%dma_wait3A_669 : memref<1024x64xf32, #tpu.memory_space<vmem_shared>>) dst(%dma_wait3A_663 : memref<72x64xf32, #tpu.memory_space<vmem>>)
      %dma_start3A_672 = arith.constant 1 : i32
      %dma_start3A_673 = arith.constant 1 : i32
      %dma_start3A_674 = arith.constant 1 : i32
      %dma_start3A_675 = arith.constant 0 : i32
      %dma_start3A_676 = arith.constant 0 : i32
      %dma_start3A_677 = tpu.memref_slice %arg9[%dma_start3A_673, %dma_start3A_675, %dma_start3A_676] : memref<8x200x64xf32, #tpu.memory_space<vmem>> -> memref<1x128x64xf32, #tpu.memory_space<vmem>>
      %dma_start3A_678 = tpu.memref_squeeze %dma_start3A_677 : memref<1x128x64xf32, #tpu.memory_space<vmem>> -> memref<128x64xf32, #tpu.memory_space<vmem>>
      %dma_start3A_679 = arith.constant 0 : i32
      %dma_start3A_680 = tpu.memref_slice %arg8[%select_n3A_262, %dma_start3A_672, %dma_start3A_679] : memref<2x8x200xi32, #tpu.memory_space<vmem>> -> memref<1x1x128xi32, #tpu.memory_space<vmem>>
      %dma_start3A_681 = tpu.memref_squeeze %dma_start3A_680 : memref<1x1x128xi32, #tpu.memory_space<vmem>> -> memref<128xi32, #tpu.memory_space<vmem>>
      %dma_start3A_682 = arith.constant 0 : i32
      %dma_start3A_683 = arith.constant 0 : i32
      %dma_start3A_684 = tpu.memref_slice %arg11[%dma_start3A_682, %dma_start3A_683] : memref<1024x64xf32, #tpu.memory_space<vmem_shared>> -> memref<1024x64xf32, #tpu.memory_space<vmem_shared>>
      %dma_start3A_685 = tpu.memref_slice %arg14[%dma_start3A_674] : memref<8x!tpu.dma_semaphore, #tpu.memory_space<semaphore_mem>> -> memref<1x!tpu.dma_semaphore, #tpu.memory_space<semaphore_mem>>
      %dma_start3A_686 = tpu.memref_squeeze %dma_start3A_685 : memref<1x!tpu.dma_semaphore, #tpu.memory_space<semaphore_mem>> -> memref<!tpu.dma_semaphore, #tpu.memory_space<semaphore_mem>>
      tpu.enqueue_indirect_dma source(%dma_start3A_684 : memref<1024x64xf32, #tpu.memory_space<vmem_shared>>) target(%dma_start3A_678 : memref<128x64xf32, #tpu.memory_space<vmem>>) offsets(%dma_start3A_681 : memref<128xi32, #tpu.memory_space<vmem>>) semaphore(%dma_start3A_686 : memref<!tpu.dma_semaphore, #tpu.memory_space<semaphore_mem>>) {add = true}
      %dma_start3A_687 = arith.constant 1 : i32
      %dma_start3A_688 = arith.constant 1 : i32
      %dma_start3A_689 = arith.constant 1 : i32
      %dma_start3A_690 = arith.constant 128 : i32
      %dma_start3A_691 = arith.constant 0 : i32
      %dma_start3A_692 = tpu.memref_slice %arg9[%dma_start3A_688, %dma_start3A_690, %dma_start3A_691] : memref<8x200x64xf32, #tpu.memory_space<vmem>> -> memref<1x72x64xf32, #tpu.memory_space<vmem>>
      %dma_start3A_693 = tpu.memref_squeeze %dma_start3A_692 : memref<1x72x64xf32, #tpu.memory_space<vmem>> -> memref<72x64xf32, #tpu.memory_space<vmem>>
      %dma_start3A_694 = arith.constant 128 : i32
      %dma_start3A_695 = tpu.memref_slice %arg8[%select_n3A_262, %dma_start3A_687, %dma_start3A_694] : memref<2x8x200xi32, #tpu.memory_space<vmem>> -> memref<1x1x72xi32, #tpu.memory_space<vmem>>
      %dma_start3A_696 = tpu.memref_squeeze %dma_start3A_695 : memref<1x1x72xi32, #tpu.memory_space<vmem>> -> memref<72xi32, #tpu.memory_space<vmem>>
      %dma_start3A_697 = arith.constant 0 : i32
      %dma_start3A_698 = arith.constant 0 : i32
      %dma_start3A_699 = tpu.memref_slice %arg11[%dma_start3A_697, %dma_start3A_698] : memref<1024x64xf32, #tpu.memory_space<vmem_shared>> -> memref<1024x64xf32, #tpu.memory_space<vmem_shared>>
      %dma_start3A_700 = tpu.memref_slice %arg14[%dma_start3A_689] : memref<8x!tpu.dma_semaphore, #tpu.memory_space<semaphore_mem>> -> memref<1x!tpu.dma_semaphore, #tpu.memory_space<semaphore_mem>>
      %dma_start3A_701 = tpu.memref_squeeze %dma_start3A_700 : memref<1x!tpu.dma_semaphore, #tpu.memory_space<semaphore_mem>> -> memref<!tpu.dma_semaphore, #tpu.memory_space<semaphore_mem>>
      tpu.enqueue_indirect_dma source(%dma_start3A_699 : memref<1024x64xf32, #tpu.memory_space<vmem_shared>>) target(%dma_start3A_693 : memref<72x64xf32, #tpu.memory_space<vmem>>) offsets(%dma_start3A_696 : memref<72xi32, #tpu.memory_space<vmem>>) semaphore(%dma_start3A_701 : memref<!tpu.dma_semaphore, #tpu.memory_space<semaphore_mem>>) {add = true}
      %dma_wait3A_702 = arith.constant 2 : i32
      %dma_wait3A_703 = arith.constant 2 : i32
      %dma_wait3A_704 = arith.constant 2 : i32
      %dma_wait3A_705 = arith.constant 0 : i32
      %dma_wait3A_706 = arith.constant 0 : i32
      %dma_wait3A_707 = tpu.memref_slice %arg9[%dma_wait3A_703, %dma_wait3A_705, %dma_wait3A_706] : memref<8x200x64xf32, #tpu.memory_space<vmem>> -> memref<1x128x64xf32, #tpu.memory_space<vmem>>
      %dma_wait3A_708 = tpu.memref_squeeze %dma_wait3A_707 : memref<1x128x64xf32, #tpu.memory_space<vmem>> -> memref<128x64xf32, #tpu.memory_space<vmem>>
      %dma_wait3A_709 = arith.constant 0 : i32
      %dma_wait3A_710 = tpu.memref_slice %arg7[%select_n3A_262, %dma_wait3A_702, %dma_wait3A_709] : memref<2x8x200xi32, #tpu.memory_space<vmem>> -> memref<1x1x128xi32, #tpu.memory_space<vmem>>
      %dma_wait3A_711 = tpu.memref_squeeze %dma_wait3A_710 : memref<1x1x128xi32, #tpu.memory_space<vmem>> -> memref<128xi32, #tpu.memory_space<vmem>>
      %dma_wait3A_712 = arith.constant 0 : i32
      %dma_wait3A_713 = arith.constant 0 : i32
      %dma_wait3A_714 = tpu.memref_slice %arg10[%dma_wait3A_712, %dma_wait3A_713] : memref<1024x64xf32, #tpu.memory_space<vmem_shared>> -> memref<1024x64xf32, #tpu.memory_space<vmem_shared>>
      %dma_wait3A_715 = tpu.memref_slice %arg13[%dma_wait3A_704] : memref<8x!tpu.dma_semaphore, #tpu.memory_space<semaphore_mem>> -> memref<1x!tpu.dma_semaphore, #tpu.memory_space<semaphore_mem>>
      %dma_wait3A_716 = tpu.memref_squeeze %dma_wait3A_715 : memref<1x!tpu.dma_semaphore, #tpu.memory_space<semaphore_mem>> -> memref<!tpu.dma_semaphore, #tpu.memory_space<semaphore_mem>>
      tpu.wait_indirect_dma semaphore(%dma_wait3A_716 : memref<!tpu.dma_semaphore, #tpu.memory_space<semaphore_mem>>) src(%dma_wait3A_714 : memref<1024x64xf32, #tpu.memory_space<vmem_shared>>) dst(%dma_wait3A_708 : memref<128x64xf32, #tpu.memory_space<vmem>>)
      %dma_wait3A_717 = arith.constant 2 : i32
      %dma_wait3A_718 = arith.constant 2 : i32
      %dma_wait3A_719 = arith.constant 2 : i32
      %dma_wait3A_720 = arith.constant 128 : i32
      %dma_wait3A_721 = arith.constant 0 : i32
      %dma_wait3A_722 = tpu.memref_slice %arg9[%dma_wait3A_718, %dma_wait3A_720, %dma_wait3A_721] : memref<8x200x64xf32, #tpu.memory_space<vmem>> -> memref<1x72x64xf32, #tpu.memory_space<vmem>>
      %dma_wait3A_723 = tpu.memref_squeeze %dma_wait3A_722 : memref<1x72x64xf32, #tpu.memory_space<vmem>> -> memref<72x64xf32, #tpu.memory_space<vmem>>
      %dma_wait3A_724 = arith.constant 128 : i32
      %dma_wait3A_725 = tpu.memref_slice %arg7[%select_n3A_262, %dma_wait3A_717, %dma_wait3A_724] : memref<2x8x200xi32, #tpu.memory_space<vmem>> -> memref<1x1x72xi32, #tpu.memory_space<vmem>>
      %dma_wait3A_726 = tpu.memref_squeeze %dma_wait3A_725 : memref<1x1x72xi32, #tpu.memory_space<vmem>> -> memref<72xi32, #tpu.memory_space<vmem>>
      %dma_wait3A_727 = arith.constant 0 : i32
      %dma_wait3A_728 = arith.constant 0 : i32
      %dma_wait3A_729 = tpu.memref_slice %arg10[%dma_wait3A_727, %dma_wait3A_728] : memref<1024x64xf32, #tpu.memory_space<vmem_shared>> -> memref<1024x64xf32, #tpu.memory_space<vmem_shared>>
      %dma_wait3A_730 = tpu.memref_slice %arg13[%dma_wait3A_719] : memref<8x!tpu.dma_semaphore, #tpu.memory_space<semaphore_mem>> -> memref<1x!tpu.dma_semaphore, #tpu.memory_space<semaphore_mem>>
      %dma_wait3A_731 = tpu.memref_squeeze %dma_wait3A_730 : memref<1x!tpu.dma_semaphore, #tpu.memory_space<semaphore_mem>> -> memref<!tpu.dma_semaphore, #tpu.memory_space<semaphore_mem>>
      tpu.wait_indirect_dma semaphore(%dma_wait3A_731 : memref<!tpu.dma_semaphore, #tpu.memory_space<semaphore_mem>>) src(%dma_wait3A_729 : memref<1024x64xf32, #tpu.memory_space<vmem_shared>>) dst(%dma_wait3A_723 : memref<72x64xf32, #tpu.memory_space<vmem>>)
      %dma_start3A_732 = arith.constant 2 : i32
      %dma_start3A_733 = arith.constant 2 : i32
      %dma_start3A_734 = arith.constant 2 : i32
      %dma_start3A_735 = arith.constant 0 : i32
      %dma_start3A_736 = arith.constant 0 : i32
      %dma_start3A_737 = tpu.memref_slice %arg9[%dma_start3A_733, %dma_start3A_735, %dma_start3A_736] : memref<8x200x64xf32, #tpu.memory_space<vmem>> -> memref<1x128x64xf32, #tpu.memory_space<vmem>>
      %dma_start3A_738 = tpu.memref_squeeze %dma_start3A_737 : memref<1x128x64xf32, #tpu.memory_space<vmem>> -> memref<128x64xf32, #tpu.memory_space<vmem>>
      %dma_start3A_739 = arith.constant 0 : i32
      %dma_start3A_740 = tpu.memref_slice %arg8[%select_n3A_262, %dma_start3A_732, %dma_start3A_739] : memref<2x8x200xi32, #tpu.memory_space<vmem>> -> memref<1x1x128xi32, #tpu.memory_space<vmem>>
      %dma_start3A_741 = tpu.memref_squeeze %dma_start3A_740 : memref<1x1x128xi32, #tpu.memory_space<vmem>> -> memref<128xi32, #tpu.memory_space<vmem>>
      %dma_start3A_742 = arith.constant 0 : i32
      %dma_start3A_743 = arith.constant 0 : i32
      %dma_start3A_744 = tpu.memref_slice %arg11[%dma_start3A_742, %dma_start3A_743] : memref<1024x64xf32, #tpu.memory_space<vmem_shared>> -> memref<1024x64xf32, #tpu.memory_space<vmem_shared>>
      %dma_start3A_745 = tpu.memref_slice %arg14[%dma_start3A_734] : memref<8x!tpu.dma_semaphore, #tpu.memory_space<semaphore_mem>> -> memref<1x!tpu.dma_semaphore, #tpu.memory_space<semaphore_mem>>
      %dma_start3A_746 = tpu.memref_squeeze %dma_start3A_745 : memref<1x!tpu.dma_semaphore, #tpu.memory_space<semaphore_mem>> -> memref<!tpu.dma_semaphore, #tpu.memory_space<semaphore_mem>>
      tpu.enqueue_indirect_dma source(%dma_start3A_744 : memref<1024x64xf32, #tpu.memory_space<vmem_shared>>) target(%dma_start3A_738 : memref<128x64xf32, #tpu.memory_space<vmem>>) offsets(%dma_start3A_741 : memref<128xi32, #tpu.memory_space<vmem>>) semaphore(%dma_start3A_746 : memref<!tpu.dma_semaphore, #tpu.memory_space<semaphore_mem>>) {add = true}
      %dma_start3A_747 = arith.constant 2 : i32
      %dma_start3A_748 = arith.constant 2 : i32
      %dma_start3A_749 = arith.constant 2 : i32
      %dma_start3A_750 = arith.constant 128 : i32
      %dma_start3A_751 = arith.constant 0 : i32
      %dma_start3A_752 = tpu.memref_slice %arg9[%dma_start3A_748, %dma_start3A_750, %dma_start3A_751] : memref<8x200x64xf32, #tpu.memory_space<vmem>> -> memref<1x72x64xf32, #tpu.memory_space<vmem>>
      %dma_start3A_753 = tpu.memref_squeeze %dma_start3A_752 : memref<1x72x64xf32, #tpu.memory_space<vmem>> -> memref<72x64xf32, #tpu.memory_space<vmem>>
      %dma_start3A_754 = arith.constant 128 : i32
      %dma_start3A_755 = tpu.memref_slice %arg8[%select_n3A_262, %dma_start3A_747, %dma_start3A_754] : memref<2x8x200xi32, #tpu.memory_space<vmem>> -> memref<1x1x72xi32, #tpu.memory_space<vmem>>
      %dma_start3A_756 = tpu.memref_squeeze %dma_start3A_755 : memref<1x1x72xi32, #tpu.memory_space<vmem>> -> memref<72xi32, #tpu.memory_space<vmem>>
      %dma_start3A_757 = arith.constant 0 : i32
      %dma_start3A_758 = arith.constant 0 : i32
      %dma_start3A_759 = tpu.memref_slice %arg11[%dma_start3A_757, %dma_start3A_758] : memref<1024x64xf32, #tpu.memory_space<vmem_shared>> -> memref<1024x64xf32, #tpu.memory_space<vmem_shared>>
      %dma_start3A_760 = tpu.memref_slice %arg14[%dma_start3A_749] : memref<8x!tpu.dma_semaphore, #tpu.memory_space<semaphore_mem>> -> memref<1x!tpu.dma_semaphore, #tpu.memory_space<semaphore_mem>>
      %dma_start3A_761 = tpu.memref_squeeze %dma_start3A_760 : memref<1x!tpu.dma_semaphore, #tpu.memory_space<semaphore_mem>> -> memref<!tpu.dma_semaphore, #tpu.memory_space<semaphore_mem>>
      tpu.enqueue_indirect_dma source(%dma_start3A_759 : memref<1024x64xf32, #tpu.memory_space<vmem_shared>>) target(%dma_start3A_753 : memref<72x64xf32, #tpu.memory_space<vmem>>) offsets(%dma_start3A_756 : memref<72xi32, #tpu.memory_space<vmem>>) semaphore(%dma_start3A_761 : memref<!tpu.dma_semaphore, #tpu.memory_space<semaphore_mem>>) {add = true}
      %dma_wait3A_762 = arith.constant 3 : i32
      %dma_wait3A_763 = arith.constant 3 : i32
      %dma_wait3A_764 = arith.constant 3 : i32
      %dma_wait3A_765 = arith.constant 0 : i32
      %dma_wait3A_766 = arith.constant 0 : i32
      %dma_wait3A_767 = tpu.memref_slice %arg9[%dma_wait3A_763, %dma_wait3A_765, %dma_wait3A_766] : memref<8x200x64xf32, #tpu.memory_space<vmem>> -> memref<1x128x64xf32, #tpu.memory_space<vmem>>
      %dma_wait3A_768 = tpu.memref_squeeze %dma_wait3A_767 : memref<1x128x64xf32, #tpu.memory_space<vmem>> -> memref<128x64xf32, #tpu.memory_space<vmem>>
      %dma_wait3A_769 = arith.constant 0 : i32
      %dma_wait3A_770 = tpu.memref_slice %arg7[%select_n3A_262, %dma_wait3A_762, %dma_wait3A_769] : memref<2x8x200xi32, #tpu.memory_space<vmem>> -> memref<1x1x128xi32, #tpu.memory_space<vmem>>
      %dma_wait3A_771 = tpu.memref_squeeze %dma_wait3A_770 : memref<1x1x128xi32, #tpu.memory_space<vmem>> -> memref<128xi32, #tpu.memory_space<vmem>>
      %dma_wait3A_772 = arith.constant 0 : i32
      %dma_wait3A_773 = arith.constant 0 : i32
      %dma_wait3A_774 = tpu.memref_slice %arg10[%dma_wait3A_772, %dma_wait3A_773] : memref<1024x64xf32, #tpu.memory_space<vmem_shared>> -> memref<1024x64xf32, #tpu.memory_space<vmem_shared>>
      %dma_wait3A_775 = tpu.memref_slice %arg13[%dma_wait3A_764] : memref<8x!tpu.dma_semaphore, #tpu.memory_space<semaphore_mem>> -> memref<1x!tpu.dma_semaphore, #tpu.memory_space<semaphore_mem>>
      %dma_wait3A_776 = tpu.memref_squeeze %dma_wait3A_775 : memref<1x!tpu.dma_semaphore, #tpu.memory_space<semaphore_mem>> -> memref<!tpu.dma_semaphore, #tpu.memory_space<semaphore_mem>>
      tpu.wait_indirect_dma semaphore(%dma_wait3A_776 : memref<!tpu.dma_semaphore, #tpu.memory_space<semaphore_mem>>) src(%dma_wait3A_774 : memref<1024x64xf32, #tpu.memory_space<vmem_shared>>) dst(%dma_wait3A_768 : memref<128x64xf32, #tpu.memory_space<vmem>>)
      %dma_wait3A_777 = arith.constant 3 : i32
      %dma_wait3A_778 = arith.constant 3 : i32
      %dma_wait3A_779 = arith.constant 3 : i32
      %dma_wait3A_780 = arith.constant 128 : i32
      %dma_wait3A_781 = arith.constant 0 : i32
      %dma_wait3A_782 = tpu.memref_slice %arg9[%dma_wait3A_778, %dma_wait3A_780, %dma_wait3A_781] : memref<8x200x64xf32, #tpu.memory_space<vmem>> -> memref<1x72x64xf32, #tpu.memory_space<vmem>>
      %dma_wait3A_783 = tpu.memref_squeeze %dma_wait3A_782 : memref<1x72x64xf32, #tpu.memory_space<vmem>> -> memref<72x64xf32, #tpu.memory_space<vmem>>
      %dma_wait3A_784 = arith.constant 128 : i32
      %dma_wait3A_785 = tpu.memref_slice %arg7[%select_n3A_262, %dma_wait3A_777, %dma_wait3A_784] : memref<2x8x200xi32, #tpu.memory_space<vmem>> -> memref<1x1x72xi32, #tpu.memory_space<vmem>>
      %dma_wait3A_786 = tpu.memref_squeeze %dma_wait3A_785 : memref<1x1x72xi32, #tpu.memory_space<vmem>> -> memref<72xi32, #tpu.memory_space<vmem>>
      %dma_wait3A_787 = arith.constant 0 : i32
      %dma_wait3A_788 = arith.constant 0 : i32
      %dma_wait3A_789 = tpu.memref_slice %arg10[%dma_wait3A_787, %dma_wait3A_788] : memref<1024x64xf32, #tpu.memory_space<vmem_shared>> -> memref<1024x64xf32, #tpu.memory_space<vmem_shared>>
      %dma_wait3A_790 = tpu.memref_slice %arg13[%dma_wait3A_779] : memref<8x!tpu.dma_semaphore, #tpu.memory_space<semaphore_mem>> -> memref<1x!tpu.dma_semaphore, #tpu.memory_space<semaphore_mem>>
      %dma_wait3A_791 = tpu.memref_squeeze %dma_wait3A_790 : memref<1x!tpu.dma_semaphore, #tpu.memory_space<semaphore_mem>> -> memref<!tpu.dma_semaphore, #tpu.memory_space<semaphore_mem>>
      tpu.wait_indirect_dma semaphore(%dma_wait3A_791 : memref<!tpu.dma_semaphore, #tpu.memory_space<semaphore_mem>>) src(%dma_wait3A_789 : memref<1024x64xf32, #tpu.memory_space<vmem_shared>>) dst(%dma_wait3A_783 : memref<72x64xf32, #tpu.memory_space<vmem>>)
      %dma_start3A_792 = arith.constant 3 : i32
      %dma_start3A_793 = arith.constant 3 : i32
      %dma_start3A_794 = arith.constant 3 : i32
      %dma_start3A_795 = arith.constant 0 : i32
      %dma_start3A_796 = arith.constant 0 : i32
      %dma_start3A_797 = tpu.memref_slice %arg9[%dma_start3A_793, %dma_start3A_795, %dma_start3A_796] : memref<8x200x64xf32, #tpu.memory_space<vmem>> -> memref<1x128x64xf32, #tpu.memory_space<vmem>>
      %dma_start3A_798 = tpu.memref_squeeze %dma_start3A_797 : memref<1x128x64xf32, #tpu.memory_space<vmem>> -> memref<128x64xf32, #tpu.memory_space<vmem>>
      %dma_start3A_799 = arith.constant 0 : i32
      %dma_start3A_800 = tpu.memref_slice %arg8[%select_n3A_262, %dma_start3A_792, %dma_start3A_799] : memref<2x8x200xi32, #tpu.memory_space<vmem>> -> memref<1x1x128xi32, #tpu.memory_space<vmem>>
      %dma_start3A_801 = tpu.memref_squeeze %dma_start3A_800 : memref<1x1x128xi32, #tpu.memory_space<vmem>> -> memref<128xi32, #tpu.memory_space<vmem>>
      %dma_start3A_802 = arith.constant 0 : i32
      %dma_start3A_803 = arith.constant 0 : i32
      %dma_start3A_804 = tpu.memref_slice %arg11[%dma_start3A_802, %dma_start3A_803] : memref<1024x64xf32, #tpu.memory_space<vmem_shared>> -> memref<1024x64xf32, #tpu.memory_space<vmem_shared>>
      %dma_start3A_805 = tpu.memref_slice %arg14[%dma_start3A_794] : memref<8x!tpu.dma_semaphore, #tpu.memory_space<semaphore_mem>> -> memref<1x!tpu.dma_semaphore, #tpu.memory_space<semaphore_mem>>
      %dma_start3A_806 = tpu.memref_squeeze %dma_start3A_805 : memref<1x!tpu.dma_semaphore, #tpu.memory_space<semaphore_mem>> -> memref<!tpu.dma_semaphore, #tpu.memory_space<semaphore_mem>>
      tpu.enqueue_indirect_dma source(%dma_start3A_804 : memref<1024x64xf32, #tpu.memory_space<vmem_shared>>) target(%dma_start3A_798 : memref<128x64xf32, #tpu.memory_space<vmem>>) offsets(%dma_start3A_801 : memref<128xi32, #tpu.memory_space<vmem>>) semaphore(%dma_start3A_806 : memref<!tpu.dma_semaphore, #tpu.memory_space<semaphore_mem>>) {add = true}
      %dma_start3A_807 = arith.constant 3 : i32
      %dma_start3A_808 = arith.constant 3 : i32
      %dma_start3A_809 = arith.constant 3 : i32
      %dma_start3A_810 = arith.constant 128 : i32
      %dma_start3A_811 = arith.constant 0 : i32
      %dma_start3A_812 = tpu.memref_slice %arg9[%dma_start3A_808, %dma_start3A_810, %dma_start3A_811] : memref<8x200x64xf32, #tpu.memory_space<vmem>> -> memref<1x72x64xf32, #tpu.memory_space<vmem>>
      %dma_start3A_813 = tpu.memref_squeeze %dma_start3A_812 : memref<1x72x64xf32, #tpu.memory_space<vmem>> -> memref<72x64xf32, #tpu.memory_space<vmem>>
      %dma_start3A_814 = arith.constant 128 : i32
      %dma_start3A_815 = tpu.memref_slice %arg8[%select_n3A_262, %dma_start3A_807, %dma_start3A_814] : memref<2x8x200xi32, #tpu.memory_space<vmem>> -> memref<1x1x72xi32, #tpu.memory_space<vmem>>
      %dma_start3A_816 = tpu.memref_squeeze %dma_start3A_815 : memref<1x1x72xi32, #tpu.memory_space<vmem>> -> memref<72xi32, #tpu.memory_space<vmem>>
      %dma_start3A_817 = arith.constant 0 : i32
      %dma_start3A_818 = arith.constant 0 : i32
      %dma_start3A_819 = tpu.memref_slice %arg11[%dma_start3A_817, %dma_start3A_818] : memref<1024x64xf32, #tpu.memory_space<vmem_shared>> -> memref<1024x64xf32, #tpu.memory_space<vmem_shared>>
      %dma_start3A_820 = tpu.memref_slice %arg14[%dma_start3A_809] : memref<8x!tpu.dma_semaphore, #tpu.memory_space<semaphore_mem>> -> memref<1x!tpu.dma_semaphore, #tpu.memory_space<semaphore_mem>>
      %dma_start3A_821 = tpu.memref_squeeze %dma_start3A_820 : memref<1x!tpu.dma_semaphore, #tpu.memory_space<semaphore_mem>> -> memref<!tpu.dma_semaphore, #tpu.memory_space<semaphore_mem>>
      tpu.enqueue_indirect_dma source(%dma_start3A_819 : memref<1024x64xf32, #tpu.memory_space<vmem_shared>>) target(%dma_start3A_813 : memref<72x64xf32, #tpu.memory_space<vmem>>) offsets(%dma_start3A_816 : memref<72xi32, #tpu.memory_space<vmem>>) semaphore(%dma_start3A_821 : memref<!tpu.dma_semaphore, #tpu.memory_space<semaphore_mem>>) {add = true}
      %dma_wait3A_822 = arith.constant 4 : i32
      %dma_wait3A_823 = arith.constant 4 : i32
      %dma_wait3A_824 = arith.constant 4 : i32
      %dma_wait3A_825 = arith.constant 0 : i32
      %dma_wait3A_826 = arith.constant 0 : i32
      %dma_wait3A_827 = tpu.memref_slice %arg9[%dma_wait3A_823, %dma_wait3A_825, %dma_wait3A_826] : memref<8x200x64xf32, #tpu.memory_space<vmem>> -> memref<1x128x64xf32, #tpu.memory_space<vmem>>
      %dma_wait3A_828 = tpu.memref_squeeze %dma_wait3A_827 : memref<1x128x64xf32, #tpu.memory_space<vmem>> -> memref<128x64xf32, #tpu.memory_space<vmem>>
      %dma_wait3A_829 = arith.constant 0 : i32
      %dma_wait3A_830 = tpu.memref_slice %arg7[%select_n3A_262, %dma_wait3A_822, %dma_wait3A_829] : memref<2x8x200xi32, #tpu.memory_space<vmem>> -> memref<1x1x128xi32, #tpu.memory_space<vmem>>
      %dma_wait3A_831 = tpu.memref_squeeze %dma_wait3A_830 : memref<1x1x128xi32, #tpu.memory_space<vmem>> -> memref<128xi32, #tpu.memory_space<vmem>>
      %dma_wait3A_832 = arith.constant 0 : i32
      %dma_wait3A_833 = arith.constant 0 : i32
      %dma_wait3A_834 = tpu.memref_slice %arg10[%dma_wait3A_832, %dma_wait3A_833] : memref<1024x64xf32, #tpu.memory_space<vmem_shared>> -> memref<1024x64xf32, #tpu.memory_space<vmem_shared>>
      %dma_wait3A_835 = tpu.memref_slice %arg13[%dma_wait3A_824] : memref<8x!tpu.dma_semaphore, #tpu.memory_space<semaphore_mem>> -> memref<1x!tpu.dma_semaphore, #tpu.memory_space<semaphore_mem>>
      %dma_wait3A_836 = tpu.memref_squeeze %dma_wait3A_835 : memref<1x!tpu.dma_semaphore, #tpu.memory_space<semaphore_mem>> -> memref<!tpu.dma_semaphore, #tpu.memory_space<semaphore_mem>>
      tpu.wait_indirect_dma semaphore(%dma_wait3A_836 : memref<!tpu.dma_semaphore, #tpu.memory_space<semaphore_mem>>) src(%dma_wait3A_834 : memref<1024x64xf32, #tpu.memory_space<vmem_shared>>) dst(%dma_wait3A_828 : memref<128x64xf32, #tpu.memory_space<vmem>>)
      %dma_wait3A_837 = arith.constant 4 : i32
      %dma_wait3A_838 = arith.constant 4 : i32
      %dma_wait3A_839 = arith.constant 4 : i32
      %dma_wait3A_840 = arith.constant 128 : i32
      %dma_wait3A_841 = arith.constant 0 : i32
      %dma_wait3A_842 = tpu.memref_slice %arg9[%dma_wait3A_838, %dma_wait3A_840, %dma_wait3A_841] : memref<8x200x64xf32, #tpu.memory_space<vmem>> -> memref<1x72x64xf32, #tpu.memory_space<vmem>>
      %dma_wait3A_843 = tpu.memref_squeeze %dma_wait3A_842 : memref<1x72x64xf32, #tpu.memory_space<vmem>> -> memref<72x64xf32, #tpu.memory_space<vmem>>
      %dma_wait3A_844 = arith.constant 128 : i32
      %dma_wait3A_845 = tpu.memref_slice %arg7[%select_n3A_262, %dma_wait3A_837, %dma_wait3A_844] : memref<2x8x200xi32, #tpu.memory_space<vmem>> -> memref<1x1x72xi32, #tpu.memory_space<vmem>>
      %dma_wait3A_846 = tpu.memref_squeeze %dma_wait3A_845 : memref<1x1x72xi32, #tpu.memory_space<vmem>> -> memref<72xi32, #tpu.memory_space<vmem>>
      %dma_wait3A_847 = arith.constant 0 : i32
      %dma_wait3A_848 = arith.constant 0 : i32
      %dma_wait3A_849 = tpu.memref_slice %arg10[%dma_wait3A_847, %dma_wait3A_848] : memref<1024x64xf32, #tpu.memory_space<vmem_shared>> -> memref<1024x64xf32, #tpu.memory_space<vmem_shared>>
      %dma_wait3A_850 = tpu.memref_slice %arg13[%dma_wait3A_839] : memref<8x!tpu.dma_semaphore, #tpu.memory_space<semaphore_mem>> -> memref<1x!tpu.dma_semaphore, #tpu.memory_space<semaphore_mem>>
      %dma_wait3A_851 = tpu.memref_squeeze %dma_wait3A_850 : memref<1x!tpu.dma_semaphore, #tpu.memory_space<semaphore_mem>> -> memref<!tpu.dma_semaphore, #tpu.memory_space<semaphore_mem>>
      tpu.wait_indirect_dma semaphore(%dma_wait3A_851 : memref<!tpu.dma_semaphore, #tpu.memory_space<semaphore_mem>>) src(%dma_wait3A_849 : memref<1024x64xf32, #tpu.memory_space<vmem_shared>>) dst(%dma_wait3A_843 : memref<72x64xf32, #tpu.memory_space<vmem>>)
      %dma_start3A_852 = arith.constant 4 : i32
      %dma_start3A_853 = arith.constant 4 : i32
      %dma_start3A_854 = arith.constant 4 : i32
      %dma_start3A_855 = arith.constant 0 : i32
      %dma_start3A_856 = arith.constant 0 : i32
      %dma_start3A_857 = tpu.memref_slice %arg9[%dma_start3A_853, %dma_start3A_855, %dma_start3A_856] : memref<8x200x64xf32, #tpu.memory_space<vmem>> -> memref<1x128x64xf32, #tpu.memory_space<vmem>>
      %dma_start3A_858 = tpu.memref_squeeze %dma_start3A_857 : memref<1x128x64xf32, #tpu.memory_space<vmem>> -> memref<128x64xf32, #tpu.memory_space<vmem>>
      %dma_start3A_859 = arith.constant 0 : i32
      %dma_start3A_860 = tpu.memref_slice %arg8[%select_n3A_262, %dma_start3A_852, %dma_start3A_859] : memref<2x8x200xi32, #tpu.memory_space<vmem>> -> memref<1x1x128xi32, #tpu.memory_space<vmem>>
      %dma_start3A_861 = tpu.memref_squeeze %dma_start3A_860 : memref<1x1x128xi32, #tpu.memory_space<vmem>> -> memref<128xi32, #tpu.memory_space<vmem>>
      %dma_start3A_862 = arith.constant 0 : i32
      %dma_start3A_863 = arith.constant 0 : i32
      %dma_start3A_864 = tpu.memref_slice %arg11[%dma_start3A_862, %dma_start3A_863] : memref<1024x64xf32, #tpu.memory_space<vmem_shared>> -> memref<1024x64xf32, #tpu.memory_space<vmem_shared>>
      %dma_start3A_865 = tpu.memref_slice %arg14[%dma_start3A_854] : memref<8x!tpu.dma_semaphore, #tpu.memory_space<semaphore_mem>> -> memref<1x!tpu.dma_semaphore, #tpu.memory_space<semaphore_mem>>
      %dma_start3A_866 = tpu.memref_squeeze %dma_start3A_865 : memref<1x!tpu.dma_semaphore, #tpu.memory_space<semaphore_mem>> -> memref<!tpu.dma_semaphore, #tpu.memory_space<semaphore_mem>>
      tpu.enqueue_indirect_dma source(%dma_start3A_864 : memref<1024x64xf32, #tpu.memory_space<vmem_shared>>) target(%dma_start3A_858 : memref<128x64xf32, #tpu.memory_space<vmem>>) offsets(%dma_start3A_861 : memref<128xi32, #tpu.memory_space<vmem>>) semaphore(%dma_start3A_866 : memref<!tpu.dma_semaphore, #tpu.memory_space<semaphore_mem>>) {add = true}
      %dma_start3A_867 = arith.constant 4 : i32
      %dma_start3A_868 = arith.constant 4 : i32
      %dma_start3A_869 = arith.constant 4 : i32
      %dma_start3A_870 = arith.constant 128 : i32
      %dma_start3A_871 = arith.constant 0 : i32
      %dma_start3A_872 = tpu.memref_slice %arg9[%dma_start3A_868, %dma_start3A_870, %dma_start3A_871] : memref<8x200x64xf32, #tpu.memory_space<vmem>> -> memref<1x72x64xf32, #tpu.memory_space<vmem>>
      %dma_start3A_873 = tpu.memref_squeeze %dma_start3A_872 : memref<1x72x64xf32, #tpu.memory_space<vmem>> -> memref<72x64xf32, #tpu.memory_space<vmem>>
      %dma_start3A_874 = arith.constant 128 : i32
      %dma_start3A_875 = tpu.memref_slice %arg8[%select_n3A_262, %dma_start3A_867, %dma_start3A_874] : memref<2x8x200xi32, #tpu.memory_space<vmem>> -> memref<1x1x72xi32, #tpu.memory_space<vmem>>
      %dma_start3A_876 = tpu.memref_squeeze %dma_start3A_875 : memref<1x1x72xi32, #tpu.memory_space<vmem>> -> memref<72xi32, #tpu.memory_space<vmem>>
      %dma_start3A_877 = arith.constant 0 : i32
      %dma_start3A_878 = arith.constant 0 : i32
      %dma_start3A_879 = tpu.memref_slice %arg11[%dma_start3A_877, %dma_start3A_878] : memref<1024x64xf32, #tpu.memory_space<vmem_shared>> -> memref<1024x64xf32, #tpu.memory_space<vmem_shared>>
      %dma_start3A_880 = tpu.memref_slice %arg14[%dma_start3A_869] : memref<8x!tpu.dma_semaphore, #tpu.memory_space<semaphore_mem>> -> memref<1x!tpu.dma_semaphore, #tpu.memory_space<semaphore_mem>>
      %dma_start3A_881 = tpu.memref_squeeze %dma_start3A_880 : memref<1x!tpu.dma_semaphore, #tpu.memory_space<semaphore_mem>> -> memref<!tpu.dma_semaphore, #tpu.memory_space<semaphore_mem>>
      tpu.enqueue_indirect_dma source(%dma_start3A_879 : memref<1024x64xf32, #tpu.memory_space<vmem_shared>>) target(%dma_start3A_873 : memref<72x64xf32, #tpu.memory_space<vmem>>) offsets(%dma_start3A_876 : memref<72xi32, #tpu.memory_space<vmem>>) semaphore(%dma_start3A_881 : memref<!tpu.dma_semaphore, #tpu.memory_space<semaphore_mem>>) {add = true}
      %dma_wait3A_882 = arith.constant 5 : i32
      %dma_wait3A_883 = arith.constant 5 : i32
      %dma_wait3A_884 = arith.constant 5 : i32
      %dma_wait3A_885 = arith.constant 0 : i32
      %dma_wait3A_886 = arith.constant 0 : i32
      %dma_wait3A_887 = tpu.memref_slice %arg9[%dma_wait3A_883, %dma_wait3A_885, %dma_wait3A_886] : memref<8x200x64xf32, #tpu.memory_space<vmem>> -> memref<1x128x64xf32, #tpu.memory_space<vmem>>
      %dma_wait3A_888 = tpu.memref_squeeze %dma_wait3A_887 : memref<1x128x64xf32, #tpu.memory_space<vmem>> -> memref<128x64xf32, #tpu.memory_space<vmem>>
      %dma_wait3A_889 = arith.constant 0 : i32
      %dma_wait3A_890 = tpu.memref_slice %arg7[%select_n3A_262, %dma_wait3A_882, %dma_wait3A_889] : memref<2x8x200xi32, #tpu.memory_space<vmem>> -> memref<1x1x128xi32, #tpu.memory_space<vmem>>
      %dma_wait3A_891 = tpu.memref_squeeze %dma_wait3A_890 : memref<1x1x128xi32, #tpu.memory_space<vmem>> -> memref<128xi32, #tpu.memory_space<vmem>>
      %dma_wait3A_892 = arith.constant 0 : i32
      %dma_wait3A_893 = arith.constant 0 : i32
      %dma_wait3A_894 = tpu.memref_slice %arg10[%dma_wait3A_892, %dma_wait3A_893] : memref<1024x64xf32, #tpu.memory_space<vmem_shared>> -> memref<1024x64xf32, #tpu.memory_space<vmem_shared>>
      %dma_wait3A_895 = tpu.memref_slice %arg13[%dma_wait3A_884] : memref<8x!tpu.dma_semaphore, #tpu.memory_space<semaphore_mem>> -> memref<1x!tpu.dma_semaphore, #tpu.memory_space<semaphore_mem>>
      %dma_wait3A_896 = tpu.memref_squeeze %dma_wait3A_895 : memref<1x!tpu.dma_semaphore, #tpu.memory_space<semaphore_mem>> -> memref<!tpu.dma_semaphore, #tpu.memory_space<semaphore_mem>>
      tpu.wait_indirect_dma semaphore(%dma_wait3A_896 : memref<!tpu.dma_semaphore, #tpu.memory_space<semaphore_mem>>) src(%dma_wait3A_894 : memref<1024x64xf32, #tpu.memory_space<vmem_shared>>) dst(%dma_wait3A_888 : memref<128x64xf32, #tpu.memory_space<vmem>>)
      %dma_wait3A_897 = arith.constant 5 : i32
      %dma_wait3A_898 = arith.constant 5 : i32
      %dma_wait3A_899 = arith.constant 5 : i32
      %dma_wait3A_900 = arith.constant 128 : i32
      %dma_wait3A_901 = arith.constant 0 : i32
      %dma_wait3A_902 = tpu.memref_slice %arg9[%dma_wait3A_898, %dma_wait3A_900, %dma_wait3A_901] : memref<8x200x64xf32, #tpu.memory_space<vmem>> -> memref<1x72x64xf32, #tpu.memory_space<vmem>>
      %dma_wait3A_903 = tpu.memref_squeeze %dma_wait3A_902 : memref<1x72x64xf32, #tpu.memory_space<vmem>> -> memref<72x64xf32, #tpu.memory_space<vmem>>
      %dma_wait3A_904 = arith.constant 128 : i32
      %dma_wait3A_905 = tpu.memref_slice %arg7[%select_n3A_262, %dma_wait3A_897, %dma_wait3A_904] : memref<2x8x200xi32, #tpu.memory_space<vmem>> -> memref<1x1x72xi32, #tpu.memory_space<vmem>>
      %dma_wait3A_906 = tpu.memref_squeeze %dma_wait3A_905 : memref<1x1x72xi32, #tpu.memory_space<vmem>> -> memref<72xi32, #tpu.memory_space<vmem>>
      %dma_wait3A_907 = arith.constant 0 : i32
      %dma_wait3A_908 = arith.constant 0 : i32
      %dma_wait3A_909 = tpu.memref_slice %arg10[%dma_wait3A_907, %dma_wait3A_908] : memref<1024x64xf32, #tpu.memory_space<vmem_shared>> -> memref<1024x64xf32, #tpu.memory_space<vmem_shared>>
      %dma_wait3A_910 = tpu.memref_slice %arg13[%dma_wait3A_899] : memref<8x!tpu.dma_semaphore, #tpu.memory_space<semaphore_mem>> -> memref<1x!tpu.dma_semaphore, #tpu.memory_space<semaphore_mem>>
      %dma_wait3A_911 = tpu.memref_squeeze %dma_wait3A_910 : memref<1x!tpu.dma_semaphore, #tpu.memory_space<semaphore_mem>> -> memref<!tpu.dma_semaphore, #tpu.memory_space<semaphore_mem>>
      tpu.wait_indirect_dma semaphore(%dma_wait3A_911 : memref<!tpu.dma_semaphore, #tpu.memory_space<semaphore_mem>>) src(%dma_wait3A_909 : memref<1024x64xf32, #tpu.memory_space<vmem_shared>>) dst(%dma_wait3A_903 : memref<72x64xf32, #tpu.memory_space<vmem>>)
      %dma_start3A_912 = arith.constant 5 : i32
      %dma_start3A_913 = arith.constant 5 : i32
      %dma_start3A_914 = arith.constant 5 : i32
      %dma_start3A_915 = arith.constant 0 : i32
      %dma_start3A_916 = arith.constant 0 : i32
      %dma_start3A_917 = tpu.memref_slice %arg9[%dma_start3A_913, %dma_start3A_915, %dma_start3A_916] : memref<8x200x64xf32, #tpu.memory_space<vmem>> -> memref<1x128x64xf32, #tpu.memory_space<vmem>>
      %dma_start3A_918 = tpu.memref_squeeze %dma_start3A_917 : memref<1x128x64xf32, #tpu.memory_space<vmem>> -> memref<128x64xf32, #tpu.memory_space<vmem>>
      %dma_start3A_919 = arith.constant 0 : i32
      %dma_start3A_920 = tpu.memref_slice %arg8[%select_n3A_262, %dma_start3A_912, %dma_start3A_919] : memref<2x8x200xi32, #tpu.memory_space<vmem>> -> memref<1x1x128xi32, #tpu.memory_space<vmem>>
      %dma_start3A_921 = tpu.memref_squeeze %dma_start3A_920 : memref<1x1x128xi32, #tpu.memory_space<vmem>> -> memref<128xi32, #tpu.memory_space<vmem>>
      %dma_start3A_922 = arith.constant 0 : i32
      %dma_start3A_923 = arith.constant 0 : i32
      %dma_start3A_924 = tpu.memref_slice %arg11[%dma_start3A_922, %dma_start3A_923] : memref<1024x64xf32, #tpu.memory_space<vmem_shared>> -> memref<1024x64xf32, #tpu.memory_space<vmem_shared>>
      %dma_start3A_925 = tpu.memref_slice %arg14[%dma_start3A_914] : memref<8x!tpu.dma_semaphore, #tpu.memory_space<semaphore_mem>> -> memref<1x!tpu.dma_semaphore, #tpu.memory_space<semaphore_mem>>
      %dma_start3A_926 = tpu.memref_squeeze %dma_start3A_925 : memref<1x!tpu.dma_semaphore, #tpu.memory_space<semaphore_mem>> -> memref<!tpu.dma_semaphore, #tpu.memory_space<semaphore_mem>>
      tpu.enqueue_indirect_dma source(%dma_start3A_924 : memref<1024x64xf32, #tpu.memory_space<vmem_shared>>) target(%dma_start3A_918 : memref<128x64xf32, #tpu.memory_space<vmem>>) offsets(%dma_start3A_921 : memref<128xi32, #tpu.memory_space<vmem>>) semaphore(%dma_start3A_926 : memref<!tpu.dma_semaphore, #tpu.memory_space<semaphore_mem>>) {add = true}
      %dma_start3A_927 = arith.constant 5 : i32
      %dma_start3A_928 = arith.constant 5 : i32
      %dma_start3A_929 = arith.constant 5 : i32
      %dma_start3A_930 = arith.constant 128 : i32
      %dma_start3A_931 = arith.constant 0 : i32
      %dma_start3A_932 = tpu.memref_slice %arg9[%dma_start3A_928, %dma_start3A_930, %dma_start3A_931] : memref<8x200x64xf32, #tpu.memory_space<vmem>> -> memref<1x72x64xf32, #tpu.memory_space<vmem>>
      %dma_start3A_933 = tpu.memref_squeeze %dma_start3A_932 : memref<1x72x64xf32, #tpu.memory_space<vmem>> -> memref<72x64xf32, #tpu.memory_space<vmem>>
      %dma_start3A_934 = arith.constant 128 : i32
      %dma_start3A_935 = tpu.memref_slice %arg8[%select_n3A_262, %dma_start3A_927, %dma_start3A_934] : memref<2x8x200xi32, #tpu.memory_space<vmem>> -> memref<1x1x72xi32, #tpu.memory_space<vmem>>
      %dma_start3A_936 = tpu.memref_squeeze %dma_start3A_935 : memref<1x1x72xi32, #tpu.memory_space<vmem>> -> memref<72xi32, #tpu.memory_space<vmem>>
      %dma_start3A_937 = arith.constant 0 : i32
      %dma_start3A_938 = arith.constant 0 : i32
      %dma_start3A_939 = tpu.memref_slice %arg11[%dma_start3A_937, %dma_start3A_938] : memref<1024x64xf32, #tpu.memory_space<vmem_shared>> -> memref<1024x64xf32, #tpu.memory_space<vmem_shared>>
      %dma_start3A_940 = tpu.memref_slice %arg14[%dma_start3A_929] : memref<8x!tpu.dma_semaphore, #tpu.memory_space<semaphore_mem>> -> memref<1x!tpu.dma_semaphore, #tpu.memory_space<semaphore_mem>>
      %dma_start3A_941 = tpu.memref_squeeze %dma_start3A_940 : memref<1x!tpu.dma_semaphore, #tpu.memory_space<semaphore_mem>> -> memref<!tpu.dma_semaphore, #tpu.memory_space<semaphore_mem>>
      tpu.enqueue_indirect_dma source(%dma_start3A_939 : memref<1024x64xf32, #tpu.memory_space<vmem_shared>>) target(%dma_start3A_933 : memref<72x64xf32, #tpu.memory_space<vmem>>) offsets(%dma_start3A_936 : memref<72xi32, #tpu.memory_space<vmem>>) semaphore(%dma_start3A_941 : memref<!tpu.dma_semaphore, #tpu.memory_space<semaphore_mem>>) {add = true}
      %dma_wait3A_942 = arith.constant 6 : i32
      %dma_wait3A_943 = arith.constant 6 : i32
      %dma_wait3A_944 = arith.constant 6 : i32
      %dma_wait3A_945 = arith.constant 0 : i32
      %dma_wait3A_946 = arith.constant 0 : i32
      %dma_wait3A_947 = tpu.memref_slice %arg9[%dma_wait3A_943, %dma_wait3A_945, %dma_wait3A_946] : memref<8x200x64xf32, #tpu.memory_space<vmem>> -> memref<1x128x64xf32, #tpu.memory_space<vmem>>
      %dma_wait3A_948 = tpu.memref_squeeze %dma_wait3A_947 : memref<1x128x64xf32, #tpu.memory_space<vmem>> -> memref<128x64xf32, #tpu.memory_space<vmem>>
      %dma_wait3A_949 = arith.constant 0 : i32
      %dma_wait3A_950 = tpu.memref_slice %arg7[%select_n3A_262, %dma_wait3A_942, %dma_wait3A_949] : memref<2x8x200xi32, #tpu.memory_space<vmem>> -> memref<1x1x128xi32, #tpu.memory_space<vmem>>
      %dma_wait3A_951 = tpu.memref_squeeze %dma_wait3A_950 : memref<1x1x128xi32, #tpu.memory_space<vmem>> -> memref<128xi32, #tpu.memory_space<vmem>>
      %dma_wait3A_952 = arith.constant 0 : i32
      %dma_wait3A_953 = arith.constant 0 : i32
      %dma_wait3A_954 = tpu.memref_slice %arg10[%dma_wait3A_952, %dma_wait3A_953] : memref<1024x64xf32, #tpu.memory_space<vmem_shared>> -> memref<1024x64xf32, #tpu.memory_space<vmem_shared>>
      %dma_wait3A_955 = tpu.memref_slice %arg13[%dma_wait3A_944] : memref<8x!tpu.dma_semaphore, #tpu.memory_space<semaphore_mem>> -> memref<1x!tpu.dma_semaphore, #tpu.memory_space<semaphore_mem>>
      %dma_wait3A_956 = tpu.memref_squeeze %dma_wait3A_955 : memref<1x!tpu.dma_semaphore, #tpu.memory_space<semaphore_mem>> -> memref<!tpu.dma_semaphore, #tpu.memory_space<semaphore_mem>>
      tpu.wait_indirect_dma semaphore(%dma_wait3A_956 : memref<!tpu.dma_semaphore, #tpu.memory_space<semaphore_mem>>) src(%dma_wait3A_954 : memref<1024x64xf32, #tpu.memory_space<vmem_shared>>) dst(%dma_wait3A_948 : memref<128x64xf32, #tpu.memory_space<vmem>>)
      %dma_wait3A_957 = arith.constant 6 : i32
      %dma_wait3A_958 = arith.constant 6 : i32
      %dma_wait3A_959 = arith.constant 6 : i32
      %dma_wait3A_960 = arith.constant 128 : i32
      %dma_wait3A_961 = arith.constant 0 : i32
      %dma_wait3A_962 = tpu.memref_slice %arg9[%dma_wait3A_958, %dma_wait3A_960, %dma_wait3A_961] : memref<8x200x64xf32, #tpu.memory_space<vmem>> -> memref<1x72x64xf32, #tpu.memory_space<vmem>>
      %dma_wait3A_963 = tpu.memref_squeeze %dma_wait3A_962 : memref<1x72x64xf32, #tpu.memory_space<vmem>> -> memref<72x64xf32, #tpu.memory_space<vmem>>
      %dma_wait3A_964 = arith.constant 128 : i32
      %dma_wait3A_965 = tpu.memref_slice %arg7[%select_n3A_262, %dma_wait3A_957, %dma_wait3A_964] : memref<2x8x200xi32, #tpu.memory_space<vmem>> -> memref<1x1x72xi32, #tpu.memory_space<vmem>>
      %dma_wait3A_966 = tpu.memref_squeeze %dma_wait3A_965 : memref<1x1x72xi32, #tpu.memory_space<vmem>> -> memref<72xi32, #tpu.memory_space<vmem>>
      %dma_wait3A_967 = arith.constant 0 : i32
      %dma_wait3A_968 = arith.constant 0 : i32
      %dma_wait3A_969 = tpu.memref_slice %arg10[%dma_wait3A_967, %dma_wait3A_968] : memref<1024x64xf32, #tpu.memory_space<vmem_shared>> -> memref<1024x64xf32, #tpu.memory_space<vmem_shared>>
      %dma_wait3A_970 = tpu.memref_slice %arg13[%dma_wait3A_959] : memref<8x!tpu.dma_semaphore, #tpu.memory_space<semaphore_mem>> -> memref<1x!tpu.dma_semaphore, #tpu.memory_space<semaphore_mem>>
      %dma_wait3A_971 = tpu.memref_squeeze %dma_wait3A_970 : memref<1x!tpu.dma_semaphore, #tpu.memory_space<semaphore_mem>> -> memref<!tpu.dma_semaphore, #tpu.memory_space<semaphore_mem>>
      tpu.wait_indirect_dma semaphore(%dma_wait3A_971 : memref<!tpu.dma_semaphore, #tpu.memory_space<semaphore_mem>>) src(%dma_wait3A_969 : memref<1024x64xf32, #tpu.memory_space<vmem_shared>>) dst(%dma_wait3A_963 : memref<72x64xf32, #tpu.memory_space<vmem>>)
      %dma_start3A_972 = arith.constant 6 : i32
      %dma_start3A_973 = arith.constant 6 : i32
      %dma_start3A_974 = arith.constant 6 : i32
      %dma_start3A_975 = arith.constant 0 : i32
      %dma_start3A_976 = arith.constant 0 : i32
      %dma_start3A_977 = tpu.memref_slice %arg9[%dma_start3A_973, %dma_start3A_975, %dma_start3A_976] : memref<8x200x64xf32, #tpu.memory_space<vmem>> -> memref<1x128x64xf32, #tpu.memory_space<vmem>>
      %dma_start3A_978 = tpu.memref_squeeze %dma_start3A_977 : memref<1x128x64xf32, #tpu.memory_space<vmem>> -> memref<128x64xf32, #tpu.memory_space<vmem>>
      %dma_start3A_979 = arith.constant 0 : i32
      %dma_start3A_980 = tpu.memref_slice %arg8[%select_n3A_262, %dma_start3A_972, %dma_start3A_979] : memref<2x8x200xi32, #tpu.memory_space<vmem>> -> memref<1x1x128xi32, #tpu.memory_space<vmem>>
      %dma_start3A_981 = tpu.memref_squeeze %dma_start3A_980 : memref<1x1x128xi32, #tpu.memory_space<vmem>> -> memref<128xi32, #tpu.memory_space<vmem>>
      %dma_start3A_982 = arith.constant 0 : i32
      %dma_start3A_983 = arith.constant 0 : i32
      %dma_start3A_984 = tpu.memref_slice %arg11[%dma_start3A_982, %dma_start3A_983] : memref<1024x64xf32, #tpu.memory_space<vmem_shared>> -> memref<1024x64xf32, #tpu.memory_space<vmem_shared>>
      %dma_start3A_985 = tpu.memref_slice %arg14[%dma_start3A_974] : memref<8x!tpu.dma_semaphore, #tpu.memory_space<semaphore_mem>> -> memref<1x!tpu.dma_semaphore, #tpu.memory_space<semaphore_mem>>
      %dma_start3A_986 = tpu.memref_squeeze %dma_start3A_985 : memref<1x!tpu.dma_semaphore, #tpu.memory_space<semaphore_mem>> -> memref<!tpu.dma_semaphore, #tpu.memory_space<semaphore_mem>>
      tpu.enqueue_indirect_dma source(%dma_start3A_984 : memref<1024x64xf32, #tpu.memory_space<vmem_shared>>) target(%dma_start3A_978 : memref<128x64xf32, #tpu.memory_space<vmem>>) offsets(%dma_start3A_981 : memref<128xi32, #tpu.memory_space<vmem>>) semaphore(%dma_start3A_986 : memref<!tpu.dma_semaphore, #tpu.memory_space<semaphore_mem>>) {add = true}
      %dma_start3A_987 = arith.constant 6 : i32
      %dma_start3A_988 = arith.constant 6 : i32
      %dma_start3A_989 = arith.constant 6 : i32
      %dma_start3A_990 = arith.constant 128 : i32
      %dma_start3A_991 = arith.constant 0 : i32
      %dma_start3A_992 = tpu.memref_slice %arg9[%dma_start3A_988, %dma_start3A_990, %dma_start3A_991] : memref<8x200x64xf32, #tpu.memory_space<vmem>> -> memref<1x72x64xf32, #tpu.memory_space<vmem>>
      %dma_start3A_993 = tpu.memref_squeeze %dma_start3A_992 : memref<1x72x64xf32, #tpu.memory_space<vmem>> -> memref<72x64xf32, #tpu.memory_space<vmem>>
      %dma_start3A_994 = arith.constant 128 : i32
      %dma_start3A_995 = tpu.memref_slice %arg8[%select_n3A_262, %dma_start3A_987, %dma_start3A_994] : memref<2x8x200xi32, #tpu.memory_space<vmem>> -> memref<1x1x72xi32, #tpu.memory_space<vmem>>
      %dma_start3A_996 = tpu.memref_squeeze %dma_start3A_995 : memref<1x1x72xi32, #tpu.memory_space<vmem>> -> memref<72xi32, #tpu.memory_space<vmem>>
      %dma_start3A_997 = arith.constant 0 : i32
      %dma_start3A_998 = arith.constant 0 : i32
      %dma_start3A_999 = tpu.memref_slice %arg11[%dma_start3A_997, %dma_start3A_998] : memref<1024x64xf32, #tpu.memory_space<vmem_shared>> -> memref<1024x64xf32, #tpu.memory_space<vmem_shared>>
      %dma_start3A_1000 = tpu.memref_slice %arg14[%dma_start3A_989] : memref<8x!tpu.dma_semaphore, #tpu.memory_space<semaphore_mem>> -> memref<1x!tpu.dma_semaphore, #tpu.memory_space<semaphore_mem>>
      %dma_start3A_1001 = tpu.memref_squeeze %dma_start3A_1000 : memref<1x!tpu.dma_semaphore, #tpu.memory_space<semaphore_mem>> -> memref<!tpu.dma_semaphore, #tpu.memory_space<semaphore_mem>>
      tpu.enqueue_indirect_dma source(%dma_start3A_999 : memref<1024x64xf32, #tpu.memory_space<vmem_shared>>) target(%dma_start3A_993 : memref<72x64xf32, #tpu.memory_space<vmem>>) offsets(%dma_start3A_996 : memref<72xi32, #tpu.memory_space<vmem>>) semaphore(%dma_start3A_1001 : memref<!tpu.dma_semaphore, #tpu.memory_space<semaphore_mem>>) {add = true}
      %dma_wait3A_1002 = arith.constant 7 : i32
      %dma_wait3A_1003 = arith.constant 7 : i32
      %dma_wait3A_1004 = arith.constant 7 : i32
      %dma_wait3A_1005 = arith.constant 0 : i32
      %dma_wait3A_1006 = arith.constant 0 : i32
      %dma_wait3A_1007 = tpu.memref_slice %arg9[%dma_wait3A_1003, %dma_wait3A_1005, %dma_wait3A_1006] : memref<8x200x64xf32, #tpu.memory_space<vmem>> -> memref<1x128x64xf32, #tpu.memory_space<vmem>>
      %dma_wait3A_1008 = tpu.memref_squeeze %dma_wait3A_1007 : memref<1x128x64xf32, #tpu.memory_space<vmem>> -> memref<128x64xf32, #tpu.memory_space<vmem>>
      %dma_wait3A_1009 = arith.constant 0 : i32
      %dma_wait3A_1010 = tpu.memref_slice %arg7[%select_n3A_262, %dma_wait3A_1002, %dma_wait3A_1009] : memref<2x8x200xi32, #tpu.memory_space<vmem>> -> memref<1x1x128xi32, #tpu.memory_space<vmem>>
      %dma_wait3A_1011 = tpu.memref_squeeze %dma_wait3A_1010 : memref<1x1x128xi32, #tpu.memory_space<vmem>> -> memref<128xi32, #tpu.memory_space<vmem>>
      %dma_wait3A_1012 = arith.constant 0 : i32
      %dma_wait3A_1013 = arith.constant 0 : i32
      %dma_wait3A_1014 = tpu.memref_slice %arg10[%dma_wait3A_1012, %dma_wait3A_1013] : memref<1024x64xf32, #tpu.memory_space<vmem_shared>> -> memref<1024x64xf32, #tpu.memory_space<vmem_shared>>
      %dma_wait3A_1015 = tpu.memref_slice %arg13[%dma_wait3A_1004] : memref<8x!tpu.dma_semaphore, #tpu.memory_space<semaphore_mem>> -> memref<1x!tpu.dma_semaphore, #tpu.memory_space<semaphore_mem>>
      %dma_wait3A_1016 = tpu.memref_squeeze %dma_wait3A_1015 : memref<1x!tpu.dma_semaphore, #tpu.memory_space<semaphore_mem>> -> memref<!tpu.dma_semaphore, #tpu.memory_space<semaphore_mem>>
      tpu.wait_indirect_dma semaphore(%dma_wait3A_1016 : memref<!tpu.dma_semaphore, #tpu.memory_space<semaphore_mem>>) src(%dma_wait3A_1014 : memref<1024x64xf32, #tpu.memory_space<vmem_shared>>) dst(%dma_wait3A_1008 : memref<128x64xf32, #tpu.memory_space<vmem>>)
      %dma_wait3A_1017 = arith.constant 7 : i32
      %dma_wait3A_1018 = arith.constant 7 : i32
      %dma_wait3A_1019 = arith.constant 7 : i32
      %dma_wait3A_1020 = arith.constant 128 : i32
      %dma_wait3A_1021 = arith.constant 0 : i32
      %dma_wait3A_1022 = tpu.memref_slice %arg9[%dma_wait3A_1018, %dma_wait3A_1020, %dma_wait3A_1021] : memref<8x200x64xf32, #tpu.memory_space<vmem>> -> memref<1x72x64xf32, #tpu.memory_space<vmem>>
      %dma_wait3A_1023 = tpu.memref_squeeze %dma_wait3A_1022 : memref<1x72x64xf32, #tpu.memory_space<vmem>> -> memref<72x64xf32, #tpu.memory_space<vmem>>
      %dma_wait3A_1024 = arith.constant 128 : i32
      %dma_wait3A_1025 = tpu.memref_slice %arg7[%select_n3A_262, %dma_wait3A_1017, %dma_wait3A_1024] : memref<2x8x200xi32, #tpu.memory_space<vmem>> -> memref<1x1x72xi32, #tpu.memory_space<vmem>>
      %dma_wait3A_1026 = tpu.memref_squeeze %dma_wait3A_1025 : memref<1x1x72xi32, #tpu.memory_space<vmem>> -> memref<72xi32, #tpu.memory_space<vmem>>
      %dma_wait3A_1027 = arith.constant 0 : i32
      %dma_wait3A_1028 = arith.constant 0 : i32
      %dma_wait3A_1029 = tpu.memref_slice %arg10[%dma_wait3A_1027, %dma_wait3A_1028] : memref<1024x64xf32, #tpu.memory_space<vmem_shared>> -> memref<1024x64xf32, #tpu.memory_space<vmem_shared>>
      %dma_wait3A_1030 = tpu.memref_slice %arg13[%dma_wait3A_1019] : memref<8x!tpu.dma_semaphore, #tpu.memory_space<semaphore_mem>> -> memref<1x!tpu.dma_semaphore, #tpu.memory_space<semaphore_mem>>
      %dma_wait3A_1031 = tpu.memref_squeeze %dma_wait3A_1030 : memref<1x!tpu.dma_semaphore, #tpu.memory_space<semaphore_mem>> -> memref<!tpu.dma_semaphore, #tpu.memory_space<semaphore_mem>>
      tpu.wait_indirect_dma semaphore(%dma_wait3A_1031 : memref<!tpu.dma_semaphore, #tpu.memory_space<semaphore_mem>>) src(%dma_wait3A_1029 : memref<1024x64xf32, #tpu.memory_space<vmem_shared>>) dst(%dma_wait3A_1023 : memref<72x64xf32, #tpu.memory_space<vmem>>)
      %dma_start3A_1032 = arith.constant 7 : i32
      %dma_start3A_1033 = arith.constant 7 : i32
      %dma_start3A_1034 = arith.constant 7 : i32
      %dma_start3A_1035 = arith.constant 0 : i32
      %dma_start3A_1036 = arith.constant 0 : i32
      %dma_start3A_1037 = tpu.memref_slice %arg9[%dma_start3A_1033, %dma_start3A_1035, %dma_start3A_1036] : memref<8x200x64xf32, #tpu.memory_space<vmem>> -> memref<1x128x64xf32, #tpu.memory_space<vmem>>
      %dma_start3A_1038 = tpu.memref_squeeze %dma_start3A_1037 : memref<1x128x64xf32, #tpu.memory_space<vmem>> -> memref<128x64xf32, #tpu.memory_space<vmem>>
      %dma_start3A_1039 = arith.constant 0 : i32
      %dma_start3A_1040 = tpu.memref_slice %arg8[%select_n3A_262, %dma_start3A_1032, %dma_start3A_1039] : memref<2x8x200xi32, #tpu.memory_space<vmem>> -> memref<1x1x128xi32, #tpu.memory_space<vmem>>
      %dma_start3A_1041 = tpu.memref_squeeze %dma_start3A_1040 : memref<1x1x128xi32, #tpu.memory_space<vmem>> -> memref<128xi32, #tpu.memory_space<vmem>>
      %dma_start3A_1042 = arith.constant 0 : i32
      %dma_start3A_1043 = arith.constant 0 : i32
      %dma_start3A_1044 = tpu.memref_slice %arg11[%dma_start3A_1042, %dma_start3A_1043] : memref<1024x64xf32, #tpu.memory_space<vmem_shared>> -> memref<1024x64xf32, #tpu.memory_space<vmem_shared>>
      %dma_start3A_1045 = tpu.memref_slice %arg14[%dma_start3A_1034] : memref<8x!tpu.dma_semaphore, #tpu.memory_space<semaphore_mem>> -> memref<1x!tpu.dma_semaphore, #tpu.memory_space<semaphore_mem>>
      %dma_start3A_1046 = tpu.memref_squeeze %dma_start3A_1045 : memref<1x!tpu.dma_semaphore, #tpu.memory_space<semaphore_mem>> -> memref<!tpu.dma_semaphore, #tpu.memory_space<semaphore_mem>>
      tpu.enqueue_indirect_dma source(%dma_start3A_1044 : memref<1024x64xf32, #tpu.memory_space<vmem_shared>>) target(%dma_start3A_1038 : memref<128x64xf32, #tpu.memory_space<vmem>>) offsets(%dma_start3A_1041 : memref<128xi32, #tpu.memory_space<vmem>>) semaphore(%dma_start3A_1046 : memref<!tpu.dma_semaphore, #tpu.memory_space<semaphore_mem>>) {add = true}
      %dma_start3A_1047 = arith.constant 7 : i32
      %dma_start3A_1048 = arith.constant 7 : i32
      %dma_start3A_1049 = arith.constant 7 : i32
      %dma_start3A_1050 = arith.constant 128 : i32
      %dma_start3A_1051 = arith.constant 0 : i32
      %dma_start3A_1052 = tpu.memref_slice %arg9[%dma_start3A_1048, %dma_start3A_1050, %dma_start3A_1051] : memref<8x200x64xf32, #tpu.memory_space<vmem>> -> memref<1x72x64xf32, #tpu.memory_space<vmem>>
      %dma_start3A_1053 = tpu.memref_squeeze %dma_start3A_1052 : memref<1x72x64xf32, #tpu.memory_space<vmem>> -> memref<72x64xf32, #tpu.memory_space<vmem>>
      %dma_start3A_1054 = arith.constant 128 : i32
      %dma_start3A_1055 = tpu.memref_slice %arg8[%select_n3A_262, %dma_start3A_1047, %dma_start3A_1054] : memref<2x8x200xi32, #tpu.memory_space<vmem>> -> memref<1x1x72xi32, #tpu.memory_space<vmem>>
      %dma_start3A_1056 = tpu.memref_squeeze %dma_start3A_1055 : memref<1x1x72xi32, #tpu.memory_space<vmem>> -> memref<72xi32, #tpu.memory_space<vmem>>
      %dma_start3A_1057 = arith.constant 0 : i32
      %dma_start3A_1058 = arith.constant 0 : i32
      %dma_start3A_1059 = tpu.memref_slice %arg11[%dma_start3A_1057, %dma_start3A_1058] : memref<1024x64xf32, #tpu.memory_space<vmem_shared>> -> memref<1024x64xf32, #tpu.memory_space<vmem_shared>>
      %dma_start3A_1060 = tpu.memref_slice %arg14[%dma_start3A_1049] : memref<8x!tpu.dma_semaphore, #tpu.memory_space<semaphore_mem>> -> memref<1x!tpu.dma_semaphore, #tpu.memory_space<semaphore_mem>>
      %dma_start3A_1061 = tpu.memref_squeeze %dma_start3A_1060 : memref<1x!tpu.dma_semaphore, #tpu.memory_space<semaphore_mem>> -> memref<!tpu.dma_semaphore, #tpu.memory_space<semaphore_mem>>
      tpu.enqueue_indirect_dma source(%dma_start3A_1059 : memref<1024x64xf32, #tpu.memory_space<vmem_shared>>) target(%dma_start3A_1053 : memref<72x64xf32, #tpu.memory_space<vmem>>) offsets(%dma_start3A_1056 : memref<72xi32, #tpu.memory_space<vmem>>) semaphore(%dma_start3A_1061 : memref<!tpu.dma_semaphore, #tpu.memory_space<semaphore_mem>>) {add = true}
      %dma_wait3A_1062 = arith.constant 0 : i32
      %dma_wait3A_1063 = arith.constant 0 : i32
      %dma_wait3A_1064 = arith.constant 0 : i32
      %dma_wait3A_1065 = arith.constant 0 : i32
      %dma_wait3A_1066 = arith.constant 0 : i32
      %dma_wait3A_1067 = tpu.memref_slice %arg9[%dma_wait3A_1063, %dma_wait3A_1065, %dma_wait3A_1066] : memref<8x200x64xf32, #tpu.memory_space<vmem>> -> memref<1x128x64xf32, #tpu.memory_space<vmem>>
      %dma_wait3A_1068 = tpu.memref_squeeze %dma_wait3A_1067 : memref<1x128x64xf32, #tpu.memory_space<vmem>> -> memref<128x64xf32, #tpu.memory_space<vmem>>
      %dma_wait3A_1069 = arith.constant 0 : i32
      %dma_wait3A_1070 = tpu.memref_slice %arg8[%select_n3A_262, %dma_wait3A_1062, %dma_wait3A_1069] : memref<2x8x200xi32, #tpu.memory_space<vmem>> -> memref<1x1x128xi32, #tpu.memory_space<vmem>>
      %dma_wait3A_1071 = tpu.memref_squeeze %dma_wait3A_1070 : memref<1x1x128xi32, #tpu.memory_space<vmem>> -> memref<128xi32, #tpu.memory_space<vmem>>
      %dma_wait3A_1072 = arith.constant 0 : i32
      %dma_wait3A_1073 = arith.constant 0 : i32
      %dma_wait3A_1074 = tpu.memref_slice %arg11[%dma_wait3A_1072, %dma_wait3A_1073] : memref<1024x64xf32, #tpu.memory_space<vmem_shared>> -> memref<1024x64xf32, #tpu.memory_space<vmem_shared>>
      %dma_wait3A_1075 = tpu.memref_slice %arg14[%dma_wait3A_1064] : memref<8x!tpu.dma_semaphore, #tpu.memory_space<semaphore_mem>> -> memref<1x!tpu.dma_semaphore, #tpu.memory_space<semaphore_mem>>
      %dma_wait3A_1076 = tpu.memref_squeeze %dma_wait3A_1075 : memref<1x!tpu.dma_semaphore, #tpu.memory_space<semaphore_mem>> -> memref<!tpu.dma_semaphore, #tpu.memory_space<semaphore_mem>>
      tpu.wait_indirect_dma semaphore(%dma_wait3A_1076 : memref<!tpu.dma_semaphore, #tpu.memory_space<semaphore_mem>>) src(%dma_wait3A_1074 : memref<1024x64xf32, #tpu.memory_space<vmem_shared>>) dst(%dma_wait3A_1068 : memref<128x64xf32, #tpu.memory_space<vmem>>)
      %dma_wait3A_1077 = arith.constant 0 : i32
      %dma_wait3A_1078 = arith.constant 0 : i32
      %dma_wait3A_1079 = arith.constant 0 : i32
      %dma_wait3A_1080 = arith.constant 128 : i32
      %dma_wait3A_1081 = arith.constant 0 : i32
      %dma_wait3A_1082 = tpu.memref_slice %arg9[%dma_wait3A_1078, %dma_wait3A_1080, %dma_wait3A_1081] : memref<8x200x64xf32, #tpu.memory_space<vmem>> -> memref<1x72x64xf32, #tpu.memory_space<vmem>>
      %dma_wait3A_1083 = tpu.memref_squeeze %dma_wait3A_1082 : memref<1x72x64xf32, #tpu.memory_space<vmem>> -> memref<72x64xf32, #tpu.memory_space<vmem>>
      %dma_wait3A_1084 = arith.constant 128 : i32
      %dma_wait3A_1085 = tpu.memref_slice %arg8[%select_n3A_262, %dma_wait3A_1077, %dma_wait3A_1084] : memref<2x8x200xi32, #tpu.memory_space<vmem>> -> memref<1x1x72xi32, #tpu.memory_space<vmem>>
      %dma_wait3A_1086 = tpu.memref_squeeze %dma_wait3A_1085 : memref<1x1x72xi32, #tpu.memory_space<vmem>> -> memref<72xi32, #tpu.memory_space<vmem>>
      %dma_wait3A_1087 = arith.constant 0 : i32
      %dma_wait3A_1088 = arith.constant 0 : i32
      %dma_wait3A_1089 = tpu.memref_slice %arg11[%dma_wait3A_1087, %dma_wait3A_1088] : memref<1024x64xf32, #tpu.memory_space<vmem_shared>> -> memref<1024x64xf32, #tpu.memory_space<vmem_shared>>
      %dma_wait3A_1090 = tpu.memref_slice %arg14[%dma_wait3A_1079] : memref<8x!tpu.dma_semaphore, #tpu.memory_space<semaphore_mem>> -> memref<1x!tpu.dma_semaphore, #tpu.memory_space<semaphore_mem>>
      %dma_wait3A_1091 = tpu.memref_squeeze %dma_wait3A_1090 : memref<1x!tpu.dma_semaphore, #tpu.memory_space<semaphore_mem>> -> memref<!tpu.dma_semaphore, #tpu.memory_space<semaphore_mem>>
      tpu.wait_indirect_dma semaphore(%dma_wait3A_1091 : memref<!tpu.dma_semaphore, #tpu.memory_space<semaphore_mem>>) src(%dma_wait3A_1089 : memref<1024x64xf32, #tpu.memory_space<vmem_shared>>) dst(%dma_wait3A_1083 : memref<72x64xf32, #tpu.memory_space<vmem>>)
      %mul3A_1092 = arith.constant 128 : i32
      %mul3A_1093 = arith.muli %add3A, %mul3A_1092 : i32
      %mul3A_1094 = arith.constant 8 : i32
      %mul3A_1095 = arith.muli %scan3A_252, %mul3A_1094 : i32
      %add3A_1096 = arith.addi %mul3A_1093, %mul3A_1095 : i32
      %add3A_1097 = arith.constant 0 : i32
      %add3A_1098 = arith.addi %add3A_1096, %add3A_1097 : i32
      %dma_start3A_1099 = arith.constant 0 : i32
      %dma_start3A_1100 = arith.constant 0 : i32
      %dma_start3A_1101 = arith.constant 0 : i32
      %dma_start3A_1102 = arith.constant 0 : i32
      %dma_start3A_1103 = tpu.memref_slice %arg9[%dma_start3A_1099, %dma_start3A_1101, %dma_start3A_1102] : memref<8x200x64xf32, #tpu.memory_space<vmem>> -> memref<1x200x64xf32, #tpu.memory_space<vmem>>
      %dma_start3A_1104 = tpu.memref_squeeze %dma_start3A_1103 : memref<1x200x64xf32, #tpu.memory_space<vmem>> -> memref<200x64xf32, #tpu.memory_space<vmem>>
      %dma_start3A_1105 = arith.constant 0 : i32
      %dma_start3A_1106 = arith.constant 0 : i32
      %dma_start3A_1107 = tpu.memref_slice %arg6[%add3A_1098, %dma_start3A_1105, %dma_start3A_1106] : memref<4096x200x128xf32, #tpu.memory_space<hbm>> -> memref<1x200x64xf32, #tpu.memory_space<hbm>>
      %dma_start3A_1108 = tpu.memref_squeeze %dma_start3A_1107 : memref<1x200x64xf32, #tpu.memory_space<hbm>> -> memref<200x64xf32, #tpu.memory_space<hbm>>
      %dma_start3A_1109 = tpu.memref_slice %arg15[%dma_start3A_1100] : memref<8x!tpu.dma_semaphore, #tpu.memory_space<semaphore_mem>> -> memref<1x!tpu.dma_semaphore, #tpu.memory_space<semaphore_mem>>
      %dma_start3A_1110 = tpu.memref_squeeze %dma_start3A_1109 : memref<1x!tpu.dma_semaphore, #tpu.memory_space<semaphore_mem>> -> memref<!tpu.dma_semaphore, #tpu.memory_space<semaphore_mem>>
      %dma_start3A_1111 = arith.constant 0 : i32
      %dma_start3A_1112 = arith.constant 0 : i32
      %dma_start3A_1113 = tpu.memref_slice %arg6[%add3A_1098, %dma_start3A_1111, %dma_start3A_1112] : memref<4096x200x128xf32, #tpu.memory_space<hbm>> -> memref<1x200x64xf32, #tpu.memory_space<hbm>>
      %dma_start3A_1114 = tpu.memref_squeeze %dma_start3A_1113 : memref<1x200x64xf32, #tpu.memory_space<hbm>> -> memref<200x64xf32, #tpu.memory_space<hbm>>
      %dma_start3A_1115 = arith.constant 0 : i32
      %dma_start3A_1116 = arith.constant 0 : i32
      %dma_start3A_1117 = tpu.memref_slice %arg9[%dma_start3A_1099, %dma_start3A_1115, %dma_start3A_1116] : memref<8x200x64xf32, #tpu.memory_space<vmem>> -> memref<1x200x64xf32, #tpu.memory_space<vmem>>
      %dma_start3A_1118 = tpu.memref_squeeze %dma_start3A_1117 : memref<1x200x64xf32, #tpu.memory_space<vmem>> -> memref<200x64xf32, #tpu.memory_space<vmem>>
      tpu.enqueue_dma source(%dma_start3A_1118 : memref<200x64xf32, #tpu.memory_space<vmem>>) target(%dma_start3A_1114 : memref<200x64xf32, #tpu.memory_space<hbm>>) target_semaphore(%dma_start3A_1110 : memref<!tpu.dma_semaphore, #tpu.memory_space<semaphore_mem>>)
      %dma_wait3A_1119 = arith.constant 1 : i32
      %dma_wait3A_1120 = arith.constant 1 : i32
      %dma_wait3A_1121 = arith.constant 1 : i32
      %dma_wait3A_1122 = arith.constant 0 : i32
      %dma_wait3A_1123 = arith.constant 0 : i32
      %dma_wait3A_1124 = tpu.memref_slice %arg9[%dma_wait3A_1120, %dma_wait3A_1122, %dma_wait3A_1123] : memref<8x200x64xf32, #tpu.memory_space<vmem>> -> memref<1x128x64xf32, #tpu.memory_space<vmem>>
      %dma_wait3A_1125 = tpu.memref_squeeze %dma_wait3A_1124 : memref<1x128x64xf32, #tpu.memory_space<vmem>> -> memref<128x64xf32, #tpu.memory_space<vmem>>
      %dma_wait3A_1126 = arith.constant 0 : i32
      %dma_wait3A_1127 = tpu.memref_slice %arg8[%select_n3A_262, %dma_wait3A_1119, %dma_wait3A_1126] : memref<2x8x200xi32, #tpu.memory_space<vmem>> -> memref<1x1x128xi32, #tpu.memory_space<vmem>>
      %dma_wait3A_1128 = tpu.memref_squeeze %dma_wait3A_1127 : memref<1x1x128xi32, #tpu.memory_space<vmem>> -> memref<128xi32, #tpu.memory_space<vmem>>
      %dma_wait3A_1129 = arith.constant 0 : i32
      %dma_wait3A_1130 = arith.constant 0 : i32
      %dma_wait3A_1131 = tpu.memref_slice %arg11[%dma_wait3A_1129, %dma_wait3A_1130] : memref<1024x64xf32, #tpu.memory_space<vmem_shared>> -> memref<1024x64xf32, #tpu.memory_space<vmem_shared>>
      %dma_wait3A_1132 = tpu.memref_slice %arg14[%dma_wait3A_1121] : memref<8x!tpu.dma_semaphore, #tpu.memory_space<semaphore_mem>> -> memref<1x!tpu.dma_semaphore, #tpu.memory_space<semaphore_mem>>
      %dma_wait3A_1133 = tpu.memref_squeeze %dma_wait3A_1132 : memref<1x!tpu.dma_semaphore, #tpu.memory_space<semaphore_mem>> -> memref<!tpu.dma_semaphore, #tpu.memory_space<semaphore_mem>>
      tpu.wait_indirect_dma semaphore(%dma_wait3A_1133 : memref<!tpu.dma_semaphore, #tpu.memory_space<semaphore_mem>>) src(%dma_wait3A_1131 : memref<1024x64xf32, #tpu.memory_space<vmem_shared>>) dst(%dma_wait3A_1125 : memref<128x64xf32, #tpu.memory_space<vmem>>)
      %dma_wait3A_1134 = arith.constant 1 : i32
      %dma_wait3A_1135 = arith.constant 1 : i32
      %dma_wait3A_1136 = arith.constant 1 : i32
      %dma_wait3A_1137 = arith.constant 128 : i32
      %dma_wait3A_1138 = arith.constant 0 : i32
      %dma_wait3A_1139 = tpu.memref_slice %arg9[%dma_wait3A_1135, %dma_wait3A_1137, %dma_wait3A_1138] : memref<8x200x64xf32, #tpu.memory_space<vmem>> -> memref<1x72x64xf32, #tpu.memory_space<vmem>>
      %dma_wait3A_1140 = tpu.memref_squeeze %dma_wait3A_1139 : memref<1x72x64xf32, #tpu.memory_space<vmem>> -> memref<72x64xf32, #tpu.memory_space<vmem>>
      %dma_wait3A_1141 = arith.constant 128 : i32
      %dma_wait3A_1142 = tpu.memref_slice %arg8[%select_n3A_262, %dma_wait3A_1134, %dma_wait3A_1141] : memref<2x8x200xi32, #tpu.memory_space<vmem>> -> memref<1x1x72xi32, #tpu.memory_space<vmem>>
      %dma_wait3A_1143 = tpu.memref_squeeze %dma_wait3A_1142 : memref<1x1x72xi32, #tpu.memory_space<vmem>> -> memref<72xi32, #tpu.memory_space<vmem>>
      %dma_wait3A_1144 = arith.constant 0 : i32
      %dma_wait3A_1145 = arith.constant 0 : i32
      %dma_wait3A_1146 = tpu.memref_slice %arg11[%dma_wait3A_1144, %dma_wait3A_1145] : memref<1024x64xf32, #tpu.memory_space<vmem_shared>> -> memref<1024x64xf32, #tpu.memory_space<vmem_shared>>
      %dma_wait3A_1147 = tpu.memref_slice %arg14[%dma_wait3A_1136] : memref<8x!tpu.dma_semaphore, #tpu.memory_space<semaphore_mem>> -> memref<1x!tpu.dma_semaphore, #tpu.memory_space<semaphore_mem>>
      %dma_wait3A_1148 = tpu.memref_squeeze %dma_wait3A_1147 : memref<1x!tpu.dma_semaphore, #tpu.memory_space<semaphore_mem>> -> memref<!tpu.dma_semaphore, #tpu.memory_space<semaphore_mem>>
      tpu.wait_indirect_dma semaphore(%dma_wait3A_1148 : memref<!tpu.dma_semaphore, #tpu.memory_space<semaphore_mem>>) src(%dma_wait3A_1146 : memref<1024x64xf32, #tpu.memory_space<vmem_shared>>) dst(%dma_wait3A_1140 : memref<72x64xf32, #tpu.memory_space<vmem>>)
      %mul3A_1149 = arith.constant 128 : i32
      %mul3A_1150 = arith.muli %add3A, %mul3A_1149 : i32
      %mul3A_1151 = arith.constant 8 : i32
      %mul3A_1152 = arith.muli %scan3A_252, %mul3A_1151 : i32
      %add3A_1153 = arith.addi %mul3A_1150, %mul3A_1152 : i32
      %add3A_1154 = arith.constant 1 : i32
      %add3A_1155 = arith.addi %add3A_1153, %add3A_1154 : i32
      %dma_start3A_1156 = arith.constant 1 : i32
      %dma_start3A_1157 = arith.constant 1 : i32
      %dma_start3A_1158 = arith.constant 0 : i32
      %dma_start3A_1159 = arith.constant 0 : i32
      %dma_start3A_1160 = tpu.memref_slice %arg9[%dma_start3A_1156, %dma_start3A_1158, %dma_start3A_1159] : memref<8x200x64xf32, #tpu.memory_space<vmem>> -> memref<1x200x64xf32, #tpu.memory_space<vmem>>
      %dma_start3A_1161 = tpu.memref_squeeze %dma_start3A_1160 : memref<1x200x64xf32, #tpu.memory_space<vmem>> -> memref<200x64xf32, #tpu.memory_space<vmem>>
      %dma_start3A_1162 = arith.constant 0 : i32
      %dma_start3A_1163 = arith.constant 0 : i32
      %dma_start3A_1164 = tpu.memref_slice %arg6[%add3A_1155, %dma_start3A_1162, %dma_start3A_1163] : memref<4096x200x128xf32, #tpu.memory_space<hbm>> -> memref<1x200x64xf32, #tpu.memory_space<hbm>>
      %dma_start3A_1165 = tpu.memref_squeeze %dma_start3A_1164 : memref<1x200x64xf32, #tpu.memory_space<hbm>> -> memref<200x64xf32, #tpu.memory_space<hbm>>
      %dma_start3A_1166 = tpu.memref_slice %arg15[%dma_start3A_1157] : memref<8x!tpu.dma_semaphore, #tpu.memory_space<semaphore_mem>> -> memref<1x!tpu.dma_semaphore, #tpu.memory_space<semaphore_mem>>
      %dma_start3A_1167 = tpu.memref_squeeze %dma_start3A_1166 : memref<1x!tpu.dma_semaphore, #tpu.memory_space<semaphore_mem>> -> memref<!tpu.dma_semaphore, #tpu.memory_space<semaphore_mem>>
      %dma_start3A_1168 = arith.constant 0 : i32
      %dma_start3A_1169 = arith.constant 0 : i32
      %dma_start3A_1170 = tpu.memref_slice %arg6[%add3A_1155, %dma_start3A_1168, %dma_start3A_1169] : memref<4096x200x128xf32, #tpu.memory_space<hbm>> -> memref<1x200x64xf32, #tpu.memory_space<hbm>>
      %dma_start3A_1171 = tpu.memref_squeeze %dma_start3A_1170 : memref<1x200x64xf32, #tpu.memory_space<hbm>> -> memref<200x64xf32, #tpu.memory_space<hbm>>
      %dma_start3A_1172 = arith.constant 0 : i32
      %dma_start3A_1173 = arith.constant 0 : i32
      %dma_start3A_1174 = tpu.memref_slice %arg9[%dma_start3A_1156, %dma_start3A_1172, %dma_start3A_1173] : memref<8x200x64xf32, #tpu.memory_space<vmem>> -> memref<1x200x64xf32, #tpu.memory_space<vmem>>
      %dma_start3A_1175 = tpu.memref_squeeze %dma_start3A_1174 : memref<1x200x64xf32, #tpu.memory_space<vmem>> -> memref<200x64xf32, #tpu.memory_space<vmem>>
      tpu.enqueue_dma source(%dma_start3A_1175 : memref<200x64xf32, #tpu.memory_space<vmem>>) target(%dma_start3A_1171 : memref<200x64xf32, #tpu.memory_space<hbm>>) target_semaphore(%dma_start3A_1167 : memref<!tpu.dma_semaphore, #tpu.memory_space<semaphore_mem>>)
      %dma_wait3A_1176 = arith.constant 2 : i32
      %dma_wait3A_1177 = arith.constant 2 : i32
      %dma_wait3A_1178 = arith.constant 2 : i32
      %dma_wait3A_1179 = arith.constant 0 : i32
      %dma_wait3A_1180 = arith.constant 0 : i32
      %dma_wait3A_1181 = tpu.memref_slice %arg9[%dma_wait3A_1177, %dma_wait3A_1179, %dma_wait3A_1180] : memref<8x200x64xf32, #tpu.memory_space<vmem>> -> memref<1x128x64xf32, #tpu.memory_space<vmem>>
      %dma_wait3A_1182 = tpu.memref_squeeze %dma_wait3A_1181 : memref<1x128x64xf32, #tpu.memory_space<vmem>> -> memref<128x64xf32, #tpu.memory_space<vmem>>
      %dma_wait3A_1183 = arith.constant 0 : i32
      %dma_wait3A_1184 = tpu.memref_slice %arg8[%select_n3A_262, %dma_wait3A_1176, %dma_wait3A_1183] : memref<2x8x200xi32, #tpu.memory_space<vmem>> -> memref<1x1x128xi32, #tpu.memory_space<vmem>>
      %dma_wait3A_1185 = tpu.memref_squeeze %dma_wait3A_1184 : memref<1x1x128xi32, #tpu.memory_space<vmem>> -> memref<128xi32, #tpu.memory_space<vmem>>
      %dma_wait3A_1186 = arith.constant 0 : i32
      %dma_wait3A_1187 = arith.constant 0 : i32
      %dma_wait3A_1188 = tpu.memref_slice %arg11[%dma_wait3A_1186, %dma_wait3A_1187] : memref<1024x64xf32, #tpu.memory_space<vmem_shared>> -> memref<1024x64xf32, #tpu.memory_space<vmem_shared>>
      %dma_wait3A_1189 = tpu.memref_slice %arg14[%dma_wait3A_1178] : memref<8x!tpu.dma_semaphore, #tpu.memory_space<semaphore_mem>> -> memref<1x!tpu.dma_semaphore, #tpu.memory_space<semaphore_mem>>
      %dma_wait3A_1190 = tpu.memref_squeeze %dma_wait3A_1189 : memref<1x!tpu.dma_semaphore, #tpu.memory_space<semaphore_mem>> -> memref<!tpu.dma_semaphore, #tpu.memory_space<semaphore_mem>>
      tpu.wait_indirect_dma semaphore(%dma_wait3A_1190 : memref<!tpu.dma_semaphore, #tpu.memory_space<semaphore_mem>>) src(%dma_wait3A_1188 : memref<1024x64xf32, #tpu.memory_space<vmem_shared>>) dst(%dma_wait3A_1182 : memref<128x64xf32, #tpu.memory_space<vmem>>)
      %dma_wait3A_1191 = arith.constant 2 : i32
      %dma_wait3A_1192 = arith.constant 2 : i32
      %dma_wait3A_1193 = arith.constant 2 : i32
      %dma_wait3A_1194 = arith.constant 128 : i32
      %dma_wait3A_1195 = arith.constant 0 : i32
      %dma_wait3A_1196 = tpu.memref_slice %arg9[%dma_wait3A_1192, %dma_wait3A_1194, %dma_wait3A_1195] : memref<8x200x64xf32, #tpu.memory_space<vmem>> -> memref<1x72x64xf32, #tpu.memory_space<vmem>>
      %dma_wait3A_1197 = tpu.memref_squeeze %dma_wait3A_1196 : memref<1x72x64xf32, #tpu.memory_space<vmem>> -> memref<72x64xf32, #tpu.memory_space<vmem>>
      %dma_wait3A_1198 = arith.constant 128 : i32
      %dma_wait3A_1199 = tpu.memref_slice %arg8[%select_n3A_262, %dma_wait3A_1191, %dma_wait3A_1198] : memref<2x8x200xi32, #tpu.memory_space<vmem>> -> memref<1x1x72xi32, #tpu.memory_space<vmem>>
      %dma_wait3A_1200 = tpu.memref_squeeze %dma_wait3A_1199 : memref<1x1x72xi32, #tpu.memory_space<vmem>> -> memref<72xi32, #tpu.memory_space<vmem>>
      %dma_wait3A_1201 = arith.constant 0 : i32
      %dma_wait3A_1202 = arith.constant 0 : i32
      %dma_wait3A_1203 = tpu.memref_slice %arg11[%dma_wait3A_1201, %dma_wait3A_1202] : memref<1024x64xf32, #tpu.memory_space<vmem_shared>> -> memref<1024x64xf32, #tpu.memory_space<vmem_shared>>
      %dma_wait3A_1204 = tpu.memref_slice %arg14[%dma_wait3A_1193] : memref<8x!tpu.dma_semaphore, #tpu.memory_space<semaphore_mem>> -> memref<1x!tpu.dma_semaphore, #tpu.memory_space<semaphore_mem>>
      %dma_wait3A_1205 = tpu.memref_squeeze %dma_wait3A_1204 : memref<1x!tpu.dma_semaphore, #tpu.memory_space<semaphore_mem>> -> memref<!tpu.dma_semaphore, #tpu.memory_space<semaphore_mem>>
      tpu.wait_indirect_dma semaphore(%dma_wait3A_1205 : memref<!tpu.dma_semaphore, #tpu.memory_space<semaphore_mem>>) src(%dma_wait3A_1203 : memref<1024x64xf32, #tpu.memory_space<vmem_shared>>) dst(%dma_wait3A_1197 : memref<72x64xf32, #tpu.memory_space<vmem>>)
      %mul3A_1206 = arith.constant 128 : i32
      %mul3A_1207 = arith.muli %add3A, %mul3A_1206 : i32
      %mul3A_1208 = arith.constant 8 : i32
      %mul3A_1209 = arith.muli %scan3A_252, %mul3A_1208 : i32
      %add3A_1210 = arith.addi %mul3A_1207, %mul3A_1209 : i32
      %add3A_1211 = arith.constant 2 : i32
      %add3A_1212 = arith.addi %add3A_1210, %add3A_1211 : i32
      %dma_start3A_1213 = arith.constant 2 : i32
      %dma_start3A_1214 = arith.constant 2 : i32
      %dma_start3A_1215 = arith.constant 0 : i32
      %dma_start3A_1216 = arith.constant 0 : i32
      %dma_start3A_1217 = tpu.memref_slice %arg9[%dma_start3A_1213, %dma_start3A_1215, %dma_start3A_1216] : memref<8x200x64xf32, #tpu.memory_space<vmem>> -> memref<1x200x64xf32, #tpu.memory_space<vmem>>
      %dma_start3A_1218 = tpu.memref_squeeze %dma_start3A_1217 : memref<1x200x64xf32, #tpu.memory_space<vmem>> -> memref<200x64xf32, #tpu.memory_space<vmem>>
      %dma_start3A_1219 = arith.constant 0 : i32
      %dma_start3A_1220 = arith.constant 0 : i32
      %dma_start3A_1221 = tpu.memref_slice %arg6[%add3A_1212, %dma_start3A_1219, %dma_start3A_1220] : memref<4096x200x128xf32, #tpu.memory_space<hbm>> -> memref<1x200x64xf32, #tpu.memory_space<hbm>>
      %dma_start3A_1222 = tpu.memref_squeeze %dma_start3A_1221 : memref<1x200x64xf32, #tpu.memory_space<hbm>> -> memref<200x64xf32, #tpu.memory_space<hbm>>
      %dma_start3A_1223 = tpu.memref_slice %arg15[%dma_start3A_1214] : memref<8x!tpu.dma_semaphore, #tpu.memory_space<semaphore_mem>> -> memref<1x!tpu.dma_semaphore, #tpu.memory_space<semaphore_mem>>
      %dma_start3A_1224 = tpu.memref_squeeze %dma_start3A_1223 : memref<1x!tpu.dma_semaphore, #tpu.memory_space<semaphore_mem>> -> memref<!tpu.dma_semaphore, #tpu.memory_space<semaphore_mem>>
      %dma_start3A_1225 = arith.constant 0 : i32
      %dma_start3A_1226 = arith.constant 0 : i32
      %dma_start3A_1227 = tpu.memref_slice %arg6[%add3A_1212, %dma_start3A_1225, %dma_start3A_1226] : memref<4096x200x128xf32, #tpu.memory_space<hbm>> -> memref<1x200x64xf32, #tpu.memory_space<hbm>>
      %dma_start3A_1228 = tpu.memref_squeeze %dma_start3A_1227 : memref<1x200x64xf32, #tpu.memory_space<hbm>> -> memref<200x64xf32, #tpu.memory_space<hbm>>
      %dma_start3A_1229 = arith.constant 0 : i32
      %dma_start3A_1230 = arith.constant 0 : i32
      %dma_start3A_1231 = tpu.memref_slice %arg9[%dma_start3A_1213, %dma_start3A_1229, %dma_start3A_1230] : memref<8x200x64xf32, #tpu.memory_space<vmem>> -> memref<1x200x64xf32, #tpu.memory_space<vmem>>
      %dma_start3A_1232 = tpu.memref_squeeze %dma_start3A_1231 : memref<1x200x64xf32, #tpu.memory_space<vmem>> -> memref<200x64xf32, #tpu.memory_space<vmem>>
      tpu.enqueue_dma source(%dma_start3A_1232 : memref<200x64xf32, #tpu.memory_space<vmem>>) target(%dma_start3A_1228 : memref<200x64xf32, #tpu.memory_space<hbm>>) target_semaphore(%dma_start3A_1224 : memref<!tpu.dma_semaphore, #tpu.memory_space<semaphore_mem>>)
      %dma_wait3A_1233 = arith.constant 3 : i32
      %dma_wait3A_1234 = arith.constant 3 : i32
      %dma_wait3A_1235 = arith.constant 3 : i32
      %dma_wait3A_1236 = arith.constant 0 : i32
      %dma_wait3A_1237 = arith.constant 0 : i32
      %dma_wait3A_1238 = tpu.memref_slice %arg9[%dma_wait3A_1234, %dma_wait3A_1236, %dma_wait3A_1237] : memref<8x200x64xf32, #tpu.memory_space<vmem>> -> memref<1x128x64xf32, #tpu.memory_space<vmem>>
      %dma_wait3A_1239 = tpu.memref_squeeze %dma_wait3A_1238 : memref<1x128x64xf32, #tpu.memory_space<vmem>> -> memref<128x64xf32, #tpu.memory_space<vmem>>
      %dma_wait3A_1240 = arith.constant 0 : i32
      %dma_wait3A_1241 = tpu.memref_slice %arg8[%select_n3A_262, %dma_wait3A_1233, %dma_wait3A_1240] : memref<2x8x200xi32, #tpu.memory_space<vmem>> -> memref<1x1x128xi32, #tpu.memory_space<vmem>>
      %dma_wait3A_1242 = tpu.memref_squeeze %dma_wait3A_1241 : memref<1x1x128xi32, #tpu.memory_space<vmem>> -> memref<128xi32, #tpu.memory_space<vmem>>
      %dma_wait3A_1243 = arith.constant 0 : i32
      %dma_wait3A_1244 = arith.constant 0 : i32
      %dma_wait3A_1245 = tpu.memref_slice %arg11[%dma_wait3A_1243, %dma_wait3A_1244] : memref<1024x64xf32, #tpu.memory_space<vmem_shared>> -> memref<1024x64xf32, #tpu.memory_space<vmem_shared>>
      %dma_wait3A_1246 = tpu.memref_slice %arg14[%dma_wait3A_1235] : memref<8x!tpu.dma_semaphore, #tpu.memory_space<semaphore_mem>> -> memref<1x!tpu.dma_semaphore, #tpu.memory_space<semaphore_mem>>
      %dma_wait3A_1247 = tpu.memref_squeeze %dma_wait3A_1246 : memref<1x!tpu.dma_semaphore, #tpu.memory_space<semaphore_mem>> -> memref<!tpu.dma_semaphore, #tpu.memory_space<semaphore_mem>>
      tpu.wait_indirect_dma semaphore(%dma_wait3A_1247 : memref<!tpu.dma_semaphore, #tpu.memory_space<semaphore_mem>>) src(%dma_wait3A_1245 : memref<1024x64xf32, #tpu.memory_space<vmem_shared>>) dst(%dma_wait3A_1239 : memref<128x64xf32, #tpu.memory_space<vmem>>)
      %dma_wait3A_1248 = arith.constant 3 : i32
      %dma_wait3A_1249 = arith.constant 3 : i32
      %dma_wait3A_1250 = arith.constant 3 : i32
      %dma_wait3A_1251 = arith.constant 128 : i32
      %dma_wait3A_1252 = arith.constant 0 : i32
      %dma_wait3A_1253 = tpu.memref_slice %arg9[%dma_wait3A_1249, %dma_wait3A_1251, %dma_wait3A_1252] : memref<8x200x64xf32, #tpu.memory_space<vmem>> -> memref<1x72x64xf32, #tpu.memory_space<vmem>>
      %dma_wait3A_1254 = tpu.memref_squeeze %dma_wait3A_1253 : memref<1x72x64xf32, #tpu.memory_space<vmem>> -> memref<72x64xf32, #tpu.memory_space<vmem>>
      %dma_wait3A_1255 = arith.constant 128 : i32
      %dma_wait3A_1256 = tpu.memref_slice %arg8[%select_n3A_262, %dma_wait3A_1248, %dma_wait3A_1255] : memref<2x8x200xi32, #tpu.memory_space<vmem>> -> memref<1x1x72xi32, #tpu.memory_space<vmem>>
      %dma_wait3A_1257 = tpu.memref_squeeze %dma_wait3A_1256 : memref<1x1x72xi32, #tpu.memory_space<vmem>> -> memref<72xi32, #tpu.memory_space<vmem>>
      %dma_wait3A_1258 = arith.constant 0 : i32
      %dma_wait3A_1259 = arith.constant 0 : i32
      %dma_wait3A_1260 = tpu.memref_slice %arg11[%dma_wait3A_1258, %dma_wait3A_1259] : memref<1024x64xf32, #tpu.memory_space<vmem_shared>> -> memref<1024x64xf32, #tpu.memory_space<vmem_shared>>
      %dma_wait3A_1261 = tpu.memref_slice %arg14[%dma_wait3A_1250] : memref<8x!tpu.dma_semaphore, #tpu.memory_space<semaphore_mem>> -> memref<1x!tpu.dma_semaphore, #tpu.memory_space<semaphore_mem>>
      %dma_wait3A_1262 = tpu.memref_squeeze %dma_wait3A_1261 : memref<1x!tpu.dma_semaphore, #tpu.memory_space<semaphore_mem>> -> memref<!tpu.dma_semaphore, #tpu.memory_space<semaphore_mem>>
      tpu.wait_indirect_dma semaphore(%dma_wait3A_1262 : memref<!tpu.dma_semaphore, #tpu.memory_space<semaphore_mem>>) src(%dma_wait3A_1260 : memref<1024x64xf32, #tpu.memory_space<vmem_shared>>) dst(%dma_wait3A_1254 : memref<72x64xf32, #tpu.memory_space<vmem>>)
      %mul3A_1263 = arith.constant 128 : i32
      %mul3A_1264 = arith.muli %add3A, %mul3A_1263 : i32
      %mul3A_1265 = arith.constant 8 : i32
      %mul3A_1266 = arith.muli %scan3A_252, %mul3A_1265 : i32
      %add3A_1267 = arith.addi %mul3A_1264, %mul3A_1266 : i32
      %add3A_1268 = arith.constant 3 : i32
      %add3A_1269 = arith.addi %add3A_1267, %add3A_1268 : i32
      %dma_start3A_1270 = arith.constant 3 : i32
      %dma_start3A_1271 = arith.constant 3 : i32
      %dma_start3A_1272 = arith.constant 0 : i32
      %dma_start3A_1273 = arith.constant 0 : i32
      %dma_start3A_1274 = tpu.memref_slice %arg9[%dma_start3A_1270, %dma_start3A_1272, %dma_start3A_1273] : memref<8x200x64xf32, #tpu.memory_space<vmem>> -> memref<1x200x64xf32, #tpu.memory_space<vmem>>
      %dma_start3A_1275 = tpu.memref_squeeze %dma_start3A_1274 : memref<1x200x64xf32, #tpu.memory_space<vmem>> -> memref<200x64xf32, #tpu.memory_space<vmem>>
      %dma_start3A_1276 = arith.constant 0 : i32
      %dma_start3A_1277 = arith.constant 0 : i32
      %dma_start3A_1278 = tpu.memref_slice %arg6[%add3A_1269, %dma_start3A_1276, %dma_start3A_1277] : memref<4096x200x128xf32, #tpu.memory_space<hbm>> -> memref<1x200x64xf32, #tpu.memory_space<hbm>>
      %dma_start3A_1279 = tpu.memref_squeeze %dma_start3A_1278 : memref<1x200x64xf32, #tpu.memory_space<hbm>> -> memref<200x64xf32, #tpu.memory_space<hbm>>
      %dma_start3A_1280 = tpu.memref_slice %arg15[%dma_start3A_1271] : memref<8x!tpu.dma_semaphore, #tpu.memory_space<semaphore_mem>> -> memref<1x!tpu.dma_semaphore, #tpu.memory_space<semaphore_mem>>
      %dma_start3A_1281 = tpu.memref_squeeze %dma_start3A_1280 : memref<1x!tpu.dma_semaphore, #tpu.memory_space<semaphore_mem>> -> memref<!tpu.dma_semaphore, #tpu.memory_space<semaphore_mem>>
      %dma_start3A_1282 = arith.constant 0 : i32
      %dma_start3A_1283 = arith.constant 0 : i32
      %dma_start3A_1284 = tpu.memref_slice %arg6[%add3A_1269, %dma_start3A_1282, %dma_start3A_1283] : memref<4096x200x128xf32, #tpu.memory_space<hbm>> -> memref<1x200x64xf32, #tpu.memory_space<hbm>>
      %dma_start3A_1285 = tpu.memref_squeeze %dma_start3A_1284 : memref<1x200x64xf32, #tpu.memory_space<hbm>> -> memref<200x64xf32, #tpu.memory_space<hbm>>
      %dma_start3A_1286 = arith.constant 0 : i32
      %dma_start3A_1287 = arith.constant 0 : i32
      %dma_start3A_1288 = tpu.memref_slice %arg9[%dma_start3A_1270, %dma_start3A_1286, %dma_start3A_1287] : memref<8x200x64xf32, #tpu.memory_space<vmem>> -> memref<1x200x64xf32, #tpu.memory_space<vmem>>
      %dma_start3A_1289 = tpu.memref_squeeze %dma_start3A_1288 : memref<1x200x64xf32, #tpu.memory_space<vmem>> -> memref<200x64xf32, #tpu.memory_space<vmem>>
      tpu.enqueue_dma source(%dma_start3A_1289 : memref<200x64xf32, #tpu.memory_space<vmem>>) target(%dma_start3A_1285 : memref<200x64xf32, #tpu.memory_space<hbm>>) target_semaphore(%dma_start3A_1281 : memref<!tpu.dma_semaphore, #tpu.memory_space<semaphore_mem>>)
      %dma_wait3A_1290 = arith.constant 4 : i32
      %dma_wait3A_1291 = arith.constant 4 : i32
      %dma_wait3A_1292 = arith.constant 4 : i32
      %dma_wait3A_1293 = arith.constant 0 : i32
      %dma_wait3A_1294 = arith.constant 0 : i32
      %dma_wait3A_1295 = tpu.memref_slice %arg9[%dma_wait3A_1291, %dma_wait3A_1293, %dma_wait3A_1294] : memref<8x200x64xf32, #tpu.memory_space<vmem>> -> memref<1x128x64xf32, #tpu.memory_space<vmem>>
      %dma_wait3A_1296 = tpu.memref_squeeze %dma_wait3A_1295 : memref<1x128x64xf32, #tpu.memory_space<vmem>> -> memref<128x64xf32, #tpu.memory_space<vmem>>
      %dma_wait3A_1297 = arith.constant 0 : i32
      %dma_wait3A_1298 = tpu.memref_slice %arg8[%select_n3A_262, %dma_wait3A_1290, %dma_wait3A_1297] : memref<2x8x200xi32, #tpu.memory_space<vmem>> -> memref<1x1x128xi32, #tpu.memory_space<vmem>>
      %dma_wait3A_1299 = tpu.memref_squeeze %dma_wait3A_1298 : memref<1x1x128xi32, #tpu.memory_space<vmem>> -> memref<128xi32, #tpu.memory_space<vmem>>
      %dma_wait3A_1300 = arith.constant 0 : i32
      %dma_wait3A_1301 = arith.constant 0 : i32
      %dma_wait3A_1302 = tpu.memref_slice %arg11[%dma_wait3A_1300, %dma_wait3A_1301] : memref<1024x64xf32, #tpu.memory_space<vmem_shared>> -> memref<1024x64xf32, #tpu.memory_space<vmem_shared>>
      %dma_wait3A_1303 = tpu.memref_slice %arg14[%dma_wait3A_1292] : memref<8x!tpu.dma_semaphore, #tpu.memory_space<semaphore_mem>> -> memref<1x!tpu.dma_semaphore, #tpu.memory_space<semaphore_mem>>
      %dma_wait3A_1304 = tpu.memref_squeeze %dma_wait3A_1303 : memref<1x!tpu.dma_semaphore, #tpu.memory_space<semaphore_mem>> -> memref<!tpu.dma_semaphore, #tpu.memory_space<semaphore_mem>>
      tpu.wait_indirect_dma semaphore(%dma_wait3A_1304 : memref<!tpu.dma_semaphore, #tpu.memory_space<semaphore_mem>>) src(%dma_wait3A_1302 : memref<1024x64xf32, #tpu.memory_space<vmem_shared>>) dst(%dma_wait3A_1296 : memref<128x64xf32, #tpu.memory_space<vmem>>)
      %dma_wait3A_1305 = arith.constant 4 : i32
      %dma_wait3A_1306 = arith.constant 4 : i32
      %dma_wait3A_1307 = arith.constant 4 : i32
      %dma_wait3A_1308 = arith.constant 128 : i32
      %dma_wait3A_1309 = arith.constant 0 : i32
      %dma_wait3A_1310 = tpu.memref_slice %arg9[%dma_wait3A_1306, %dma_wait3A_1308, %dma_wait3A_1309] : memref<8x200x64xf32, #tpu.memory_space<vmem>> -> memref<1x72x64xf32, #tpu.memory_space<vmem>>
      %dma_wait3A_1311 = tpu.memref_squeeze %dma_wait3A_1310 : memref<1x72x64xf32, #tpu.memory_space<vmem>> -> memref<72x64xf32, #tpu.memory_space<vmem>>
      %dma_wait3A_1312 = arith.constant 128 : i32
      %dma_wait3A_1313 = tpu.memref_slice %arg8[%select_n3A_262, %dma_wait3A_1305, %dma_wait3A_1312] : memref<2x8x200xi32, #tpu.memory_space<vmem>> -> memref<1x1x72xi32, #tpu.memory_space<vmem>>
      %dma_wait3A_1314 = tpu.memref_squeeze %dma_wait3A_1313 : memref<1x1x72xi32, #tpu.memory_space<vmem>> -> memref<72xi32, #tpu.memory_space<vmem>>
      %dma_wait3A_1315 = arith.constant 0 : i32
      %dma_wait3A_1316 = arith.constant 0 : i32
      %dma_wait3A_1317 = tpu.memref_slice %arg11[%dma_wait3A_1315, %dma_wait3A_1316] : memref<1024x64xf32, #tpu.memory_space<vmem_shared>> -> memref<1024x64xf32, #tpu.memory_space<vmem_shared>>
      %dma_wait3A_1318 = tpu.memref_slice %arg14[%dma_wait3A_1307] : memref<8x!tpu.dma_semaphore, #tpu.memory_space<semaphore_mem>> -> memref<1x!tpu.dma_semaphore, #tpu.memory_space<semaphore_mem>>
      %dma_wait3A_1319 = tpu.memref_squeeze %dma_wait3A_1318 : memref<1x!tpu.dma_semaphore, #tpu.memory_space<semaphore_mem>> -> memref<!tpu.dma_semaphore, #tpu.memory_space<semaphore_mem>>
      tpu.wait_indirect_dma semaphore(%dma_wait3A_1319 : memref<!tpu.dma_semaphore, #tpu.memory_space<semaphore_mem>>) src(%dma_wait3A_1317 : memref<1024x64xf32, #tpu.memory_space<vmem_shared>>) dst(%dma_wait3A_1311 : memref<72x64xf32, #tpu.memory_space<vmem>>)
      %mul3A_1320 = arith.constant 128 : i32
      %mul3A_1321 = arith.muli %add3A, %mul3A_1320 : i32
      %mul3A_1322 = arith.constant 8 : i32
      %mul3A_1323 = arith.muli %scan3A_252, %mul3A_1322 : i32
      %add3A_1324 = arith.addi %mul3A_1321, %mul3A_1323 : i32
      %add3A_1325 = arith.constant 4 : i32
      %add3A_1326 = arith.addi %add3A_1324, %add3A_1325 : i32
      %dma_start3A_1327 = arith.constant 4 : i32
      %dma_start3A_1328 = arith.constant 4 : i32
      %dma_start3A_1329 = arith.constant 0 : i32
      %dma_start3A_1330 = arith.constant 0 : i32
      %dma_start3A_1331 = tpu.memref_slice %arg9[%dma_start3A_1327, %dma_start3A_1329, %dma_start3A_1330] : memref<8x200x64xf32, #tpu.memory_space<vmem>> -> memref<1x200x64xf32, #tpu.memory_space<vmem>>
      %dma_start3A_1332 = tpu.memref_squeeze %dma_start3A_1331 : memref<1x200x64xf32, #tpu.memory_space<vmem>> -> memref<200x64xf32, #tpu.memory_space<vmem>>
      %dma_start3A_1333 = arith.constant 0 : i32
      %dma_start3A_1334 = arith.constant 0 : i32
      %dma_start3A_1335 = tpu.memref_slice %arg6[%add3A_1326, %dma_start3A_1333, %dma_start3A_1334] : memref<4096x200x128xf32, #tpu.memory_space<hbm>> -> memref<1x200x64xf32, #tpu.memory_space<hbm>>
      %dma_start3A_1336 = tpu.memref_squeeze %dma_start3A_1335 : memref<1x200x64xf32, #tpu.memory_space<hbm>> -> memref<200x64xf32, #tpu.memory_space<hbm>>
      %dma_start3A_1337 = tpu.memref_slice %arg15[%dma_start3A_1328] : memref<8x!tpu.dma_semaphore, #tpu.memory_space<semaphore_mem>> -> memref<1x!tpu.dma_semaphore, #tpu.memory_space<semaphore_mem>>
      %dma_start3A_1338 = tpu.memref_squeeze %dma_start3A_1337 : memref<1x!tpu.dma_semaphore, #tpu.memory_space<semaphore_mem>> -> memref<!tpu.dma_semaphore, #tpu.memory_space<semaphore_mem>>
      %dma_start3A_1339 = arith.constant 0 : i32
      %dma_start3A_1340 = arith.constant 0 : i32
      %dma_start3A_1341 = tpu.memref_slice %arg6[%add3A_1326, %dma_start3A_1339, %dma_start3A_1340] : memref<4096x200x128xf32, #tpu.memory_space<hbm>> -> memref<1x200x64xf32, #tpu.memory_space<hbm>>
      %dma_start3A_1342 = tpu.memref_squeeze %dma_start3A_1341 : memref<1x200x64xf32, #tpu.memory_space<hbm>> -> memref<200x64xf32, #tpu.memory_space<hbm>>
      %dma_start3A_1343 = arith.constant 0 : i32
      %dma_start3A_1344 = arith.constant 0 : i32
      %dma_start3A_1345 = tpu.memref_slice %arg9[%dma_start3A_1327, %dma_start3A_1343, %dma_start3A_1344] : memref<8x200x64xf32, #tpu.memory_space<vmem>> -> memref<1x200x64xf32, #tpu.memory_space<vmem>>
      %dma_start3A_1346 = tpu.memref_squeeze %dma_start3A_1345 : memref<1x200x64xf32, #tpu.memory_space<vmem>> -> memref<200x64xf32, #tpu.memory_space<vmem>>
      tpu.enqueue_dma source(%dma_start3A_1346 : memref<200x64xf32, #tpu.memory_space<vmem>>) target(%dma_start3A_1342 : memref<200x64xf32, #tpu.memory_space<hbm>>) target_semaphore(%dma_start3A_1338 : memref<!tpu.dma_semaphore, #tpu.memory_space<semaphore_mem>>)
      %dma_wait3A_1347 = arith.constant 5 : i32
      %dma_wait3A_1348 = arith.constant 5 : i32
      %dma_wait3A_1349 = arith.constant 5 : i32
      %dma_wait3A_1350 = arith.constant 0 : i32
      %dma_wait3A_1351 = arith.constant 0 : i32
      %dma_wait3A_1352 = tpu.memref_slice %arg9[%dma_wait3A_1348, %dma_wait3A_1350, %dma_wait3A_1351] : memref<8x200x64xf32, #tpu.memory_space<vmem>> -> memref<1x128x64xf32, #tpu.memory_space<vmem>>
      %dma_wait3A_1353 = tpu.memref_squeeze %dma_wait3A_1352 : memref<1x128x64xf32, #tpu.memory_space<vmem>> -> memref<128x64xf32, #tpu.memory_space<vmem>>
      %dma_wait3A_1354 = arith.constant 0 : i32
      %dma_wait3A_1355 = tpu.memref_slice %arg8[%select_n3A_262, %dma_wait3A_1347, %dma_wait3A_1354] : memref<2x8x200xi32, #tpu.memory_space<vmem>> -> memref<1x1x128xi32, #tpu.memory_space<vmem>>
      %dma_wait3A_1356 = tpu.memref_squeeze %dma_wait3A_1355 : memref<1x1x128xi32, #tpu.memory_space<vmem>> -> memref<128xi32, #tpu.memory_space<vmem>>
      %dma_wait3A_1357 = arith.constant 0 : i32
      %dma_wait3A_1358 = arith.constant 0 : i32
      %dma_wait3A_1359 = tpu.memref_slice %arg11[%dma_wait3A_1357, %dma_wait3A_1358] : memref<1024x64xf32, #tpu.memory_space<vmem_shared>> -> memref<1024x64xf32, #tpu.memory_space<vmem_shared>>
      %dma_wait3A_1360 = tpu.memref_slice %arg14[%dma_wait3A_1349] : memref<8x!tpu.dma_semaphore, #tpu.memory_space<semaphore_mem>> -> memref<1x!tpu.dma_semaphore, #tpu.memory_space<semaphore_mem>>
      %dma_wait3A_1361 = tpu.memref_squeeze %dma_wait3A_1360 : memref<1x!tpu.dma_semaphore, #tpu.memory_space<semaphore_mem>> -> memref<!tpu.dma_semaphore, #tpu.memory_space<semaphore_mem>>
      tpu.wait_indirect_dma semaphore(%dma_wait3A_1361 : memref<!tpu.dma_semaphore, #tpu.memory_space<semaphore_mem>>) src(%dma_wait3A_1359 : memref<1024x64xf32, #tpu.memory_space<vmem_shared>>) dst(%dma_wait3A_1353 : memref<128x64xf32, #tpu.memory_space<vmem>>)
      %dma_wait3A_1362 = arith.constant 5 : i32
      %dma_wait3A_1363 = arith.constant 5 : i32
      %dma_wait3A_1364 = arith.constant 5 : i32
      %dma_wait3A_1365 = arith.constant 128 : i32
      %dma_wait3A_1366 = arith.constant 0 : i32
      %dma_wait3A_1367 = tpu.memref_slice %arg9[%dma_wait3A_1363, %dma_wait3A_1365, %dma_wait3A_1366] : memref<8x200x64xf32, #tpu.memory_space<vmem>> -> memref<1x72x64xf32, #tpu.memory_space<vmem>>
      %dma_wait3A_1368 = tpu.memref_squeeze %dma_wait3A_1367 : memref<1x72x64xf32, #tpu.memory_space<vmem>> -> memref<72x64xf32, #tpu.memory_space<vmem>>
      %dma_wait3A_1369 = arith.constant 128 : i32
      %dma_wait3A_1370 = tpu.memref_slice %arg8[%select_n3A_262, %dma_wait3A_1362, %dma_wait3A_1369] : memref<2x8x200xi32, #tpu.memory_space<vmem>> -> memref<1x1x72xi32, #tpu.memory_space<vmem>>
      %dma_wait3A_1371 = tpu.memref_squeeze %dma_wait3A_1370 : memref<1x1x72xi32, #tpu.memory_space<vmem>> -> memref<72xi32, #tpu.memory_space<vmem>>
      %dma_wait3A_1372 = arith.constant 0 : i32
      %dma_wait3A_1373 = arith.constant 0 : i32
      %dma_wait3A_1374 = tpu.memref_slice %arg11[%dma_wait3A_1372, %dma_wait3A_1373] : memref<1024x64xf32, #tpu.memory_space<vmem_shared>> -> memref<1024x64xf32, #tpu.memory_space<vmem_shared>>
      %dma_wait3A_1375 = tpu.memref_slice %arg14[%dma_wait3A_1364] : memref<8x!tpu.dma_semaphore, #tpu.memory_space<semaphore_mem>> -> memref<1x!tpu.dma_semaphore, #tpu.memory_space<semaphore_mem>>
      %dma_wait3A_1376 = tpu.memref_squeeze %dma_wait3A_1375 : memref<1x!tpu.dma_semaphore, #tpu.memory_space<semaphore_mem>> -> memref<!tpu.dma_semaphore, #tpu.memory_space<semaphore_mem>>
      tpu.wait_indirect_dma semaphore(%dma_wait3A_1376 : memref<!tpu.dma_semaphore, #tpu.memory_space<semaphore_mem>>) src(%dma_wait3A_1374 : memref<1024x64xf32, #tpu.memory_space<vmem_shared>>) dst(%dma_wait3A_1368 : memref<72x64xf32, #tpu.memory_space<vmem>>)
      %mul3A_1377 = arith.constant 128 : i32
      %mul3A_1378 = arith.muli %add3A, %mul3A_1377 : i32
      %mul3A_1379 = arith.constant 8 : i32
      %mul3A_1380 = arith.muli %scan3A_252, %mul3A_1379 : i32
      %add3A_1381 = arith.addi %mul3A_1378, %mul3A_1380 : i32
      %add3A_1382 = arith.constant 5 : i32
      %add3A_1383 = arith.addi %add3A_1381, %add3A_1382 : i32
      %dma_start3A_1384 = arith.constant 5 : i32
      %dma_start3A_1385 = arith.constant 5 : i32
      %dma_start3A_1386 = arith.constant 0 : i32
      %dma_start3A_1387 = arith.constant 0 : i32
      %dma_start3A_1388 = tpu.memref_slice %arg9[%dma_start3A_1384, %dma_start3A_1386, %dma_start3A_1387] : memref<8x200x64xf32, #tpu.memory_space<vmem>> -> memref<1x200x64xf32, #tpu.memory_space<vmem>>
      %dma_start3A_1389 = tpu.memref_squeeze %dma_start3A_1388 : memref<1x200x64xf32, #tpu.memory_space<vmem>> -> memref<200x64xf32, #tpu.memory_space<vmem>>
      %dma_start3A_1390 = arith.constant 0 : i32
      %dma_start3A_1391 = arith.constant 0 : i32
      %dma_start3A_1392 = tpu.memref_slice %arg6[%add3A_1383, %dma_start3A_1390, %dma_start3A_1391] : memref<4096x200x128xf32, #tpu.memory_space<hbm>> -> memref<1x200x64xf32, #tpu.memory_space<hbm>>
      %dma_start3A_1393 = tpu.memref_squeeze %dma_start3A_1392 : memref<1x200x64xf32, #tpu.memory_space<hbm>> -> memref<200x64xf32, #tpu.memory_space<hbm>>
      %dma_start3A_1394 = tpu.memref_slice %arg15[%dma_start3A_1385] : memref<8x!tpu.dma_semaphore, #tpu.memory_space<semaphore_mem>> -> memref<1x!tpu.dma_semaphore, #tpu.memory_space<semaphore_mem>>
      %dma_start3A_1395 = tpu.memref_squeeze %dma_start3A_1394 : memref<1x!tpu.dma_semaphore, #tpu.memory_space<semaphore_mem>> -> memref<!tpu.dma_semaphore, #tpu.memory_space<semaphore_mem>>
      %dma_start3A_1396 = arith.constant 0 : i32
      %dma_start3A_1397 = arith.constant 0 : i32
      %dma_start3A_1398 = tpu.memref_slice %arg6[%add3A_1383, %dma_start3A_1396, %dma_start3A_1397] : memref<4096x200x128xf32, #tpu.memory_space<hbm>> -> memref<1x200x64xf32, #tpu.memory_space<hbm>>
      %dma_start3A_1399 = tpu.memref_squeeze %dma_start3A_1398 : memref<1x200x64xf32, #tpu.memory_space<hbm>> -> memref<200x64xf32, #tpu.memory_space<hbm>>
      %dma_start3A_1400 = arith.constant 0 : i32
      %dma_start3A_1401 = arith.constant 0 : i32
      %dma_start3A_1402 = tpu.memref_slice %arg9[%dma_start3A_1384, %dma_start3A_1400, %dma_start3A_1401] : memref<8x200x64xf32, #tpu.memory_space<vmem>> -> memref<1x200x64xf32, #tpu.memory_space<vmem>>
      %dma_start3A_1403 = tpu.memref_squeeze %dma_start3A_1402 : memref<1x200x64xf32, #tpu.memory_space<vmem>> -> memref<200x64xf32, #tpu.memory_space<vmem>>
      tpu.enqueue_dma source(%dma_start3A_1403 : memref<200x64xf32, #tpu.memory_space<vmem>>) target(%dma_start3A_1399 : memref<200x64xf32, #tpu.memory_space<hbm>>) target_semaphore(%dma_start3A_1395 : memref<!tpu.dma_semaphore, #tpu.memory_space<semaphore_mem>>)
      %dma_wait3A_1404 = arith.constant 6 : i32
      %dma_wait3A_1405 = arith.constant 6 : i32
      %dma_wait3A_1406 = arith.constant 6 : i32
      %dma_wait3A_1407 = arith.constant 0 : i32
      %dma_wait3A_1408 = arith.constant 0 : i32
      %dma_wait3A_1409 = tpu.memref_slice %arg9[%dma_wait3A_1405, %dma_wait3A_1407, %dma_wait3A_1408] : memref<8x200x64xf32, #tpu.memory_space<vmem>> -> memref<1x128x64xf32, #tpu.memory_space<vmem>>
      %dma_wait3A_1410 = tpu.memref_squeeze %dma_wait3A_1409 : memref<1x128x64xf32, #tpu.memory_space<vmem>> -> memref<128x64xf32, #tpu.memory_space<vmem>>
      %dma_wait3A_1411 = arith.constant 0 : i32
      %dma_wait3A_1412 = tpu.memref_slice %arg8[%select_n3A_262, %dma_wait3A_1404, %dma_wait3A_1411] : memref<2x8x200xi32, #tpu.memory_space<vmem>> -> memref<1x1x128xi32, #tpu.memory_space<vmem>>
      %dma_wait3A_1413 = tpu.memref_squeeze %dma_wait3A_1412 : memref<1x1x128xi32, #tpu.memory_space<vmem>> -> memref<128xi32, #tpu.memory_space<vmem>>
      %dma_wait3A_1414 = arith.constant 0 : i32
      %dma_wait3A_1415 = arith.constant 0 : i32
      %dma_wait3A_1416 = tpu.memref_slice %arg11[%dma_wait3A_1414, %dma_wait3A_1415] : memref<1024x64xf32, #tpu.memory_space<vmem_shared>> -> memref<1024x64xf32, #tpu.memory_space<vmem_shared>>
      %dma_wait3A_1417 = tpu.memref_slice %arg14[%dma_wait3A_1406] : memref<8x!tpu.dma_semaphore, #tpu.memory_space<semaphore_mem>> -> memref<1x!tpu.dma_semaphore, #tpu.memory_space<semaphore_mem>>
      %dma_wait3A_1418 = tpu.memref_squeeze %dma_wait3A_1417 : memref<1x!tpu.dma_semaphore, #tpu.memory_space<semaphore_mem>> -> memref<!tpu.dma_semaphore, #tpu.memory_space<semaphore_mem>>
      tpu.wait_indirect_dma semaphore(%dma_wait3A_1418 : memref<!tpu.dma_semaphore, #tpu.memory_space<semaphore_mem>>) src(%dma_wait3A_1416 : memref<1024x64xf32, #tpu.memory_space<vmem_shared>>) dst(%dma_wait3A_1410 : memref<128x64xf32, #tpu.memory_space<vmem>>)
      %dma_wait3A_1419 = arith.constant 6 : i32
      %dma_wait3A_1420 = arith.constant 6 : i32
      %dma_wait3A_1421 = arith.constant 6 : i32
      %dma_wait3A_1422 = arith.constant 128 : i32
      %dma_wait3A_1423 = arith.constant 0 : i32
      %dma_wait3A_1424 = tpu.memref_slice %arg9[%dma_wait3A_1420, %dma_wait3A_1422, %dma_wait3A_1423] : memref<8x200x64xf32, #tpu.memory_space<vmem>> -> memref<1x72x64xf32, #tpu.memory_space<vmem>>
      %dma_wait3A_1425 = tpu.memref_squeeze %dma_wait3A_1424 : memref<1x72x64xf32, #tpu.memory_space<vmem>> -> memref<72x64xf32, #tpu.memory_space<vmem>>
      %dma_wait3A_1426 = arith.constant 128 : i32
      %dma_wait3A_1427 = tpu.memref_slice %arg8[%select_n3A_262, %dma_wait3A_1419, %dma_wait3A_1426] : memref<2x8x200xi32, #tpu.memory_space<vmem>> -> memref<1x1x72xi32, #tpu.memory_space<vmem>>
      %dma_wait3A_1428 = tpu.memref_squeeze %dma_wait3A_1427 : memref<1x1x72xi32, #tpu.memory_space<vmem>> -> memref<72xi32, #tpu.memory_space<vmem>>
      %dma_wait3A_1429 = arith.constant 0 : i32
      %dma_wait3A_1430 = arith.constant 0 : i32
      %dma_wait3A_1431 = tpu.memref_slice %arg11[%dma_wait3A_1429, %dma_wait3A_1430] : memref<1024x64xf32, #tpu.memory_space<vmem_shared>> -> memref<1024x64xf32, #tpu.memory_space<vmem_shared>>
      %dma_wait3A_1432 = tpu.memref_slice %arg14[%dma_wait3A_1421] : memref<8x!tpu.dma_semaphore, #tpu.memory_space<semaphore_mem>> -> memref<1x!tpu.dma_semaphore, #tpu.memory_space<semaphore_mem>>
      %dma_wait3A_1433 = tpu.memref_squeeze %dma_wait3A_1432 : memref<1x!tpu.dma_semaphore, #tpu.memory_space<semaphore_mem>> -> memref<!tpu.dma_semaphore, #tpu.memory_space<semaphore_mem>>
      tpu.wait_indirect_dma semaphore(%dma_wait3A_1433 : memref<!tpu.dma_semaphore, #tpu.memory_space<semaphore_mem>>) src(%dma_wait3A_1431 : memref<1024x64xf32, #tpu.memory_space<vmem_shared>>) dst(%dma_wait3A_1425 : memref<72x64xf32, #tpu.memory_space<vmem>>)
      %mul3A_1434 = arith.constant 128 : i32
      %mul3A_1435 = arith.muli %add3A, %mul3A_1434 : i32
      %mul3A_1436 = arith.constant 8 : i32
      %mul3A_1437 = arith.muli %scan3A_252, %mul3A_1436 : i32
      %add3A_1438 = arith.addi %mul3A_1435, %mul3A_1437 : i32
      %add3A_1439 = arith.constant 6 : i32
      %add3A_1440 = arith.addi %add3A_1438, %add3A_1439 : i32
      %dma_start3A_1441 = arith.constant 6 : i32
      %dma_start3A_1442 = arith.constant 6 : i32
      %dma_start3A_1443 = arith.constant 0 : i32
      %dma_start3A_1444 = arith.constant 0 : i32
      %dma_start3A_1445 = tpu.memref_slice %arg9[%dma_start3A_1441, %dma_start3A_1443, %dma_start3A_1444] : memref<8x200x64xf32, #tpu.memory_space<vmem>> -> memref<1x200x64xf32, #tpu.memory_space<vmem>>
      %dma_start3A_1446 = tpu.memref_squeeze %dma_start3A_1445 : memref<1x200x64xf32, #tpu.memory_space<vmem>> -> memref<200x64xf32, #tpu.memory_space<vmem>>
      %dma_start3A_1447 = arith.constant 0 : i32
      %dma_start3A_1448 = arith.constant 0 : i32
      %dma_start3A_1449 = tpu.memref_slice %arg6[%add3A_1440, %dma_start3A_1447, %dma_start3A_1448] : memref<4096x200x128xf32, #tpu.memory_space<hbm>> -> memref<1x200x64xf32, #tpu.memory_space<hbm>>
      %dma_start3A_1450 = tpu.memref_squeeze %dma_start3A_1449 : memref<1x200x64xf32, #tpu.memory_space<hbm>> -> memref<200x64xf32, #tpu.memory_space<hbm>>
      %dma_start3A_1451 = tpu.memref_slice %arg15[%dma_start3A_1442] : memref<8x!tpu.dma_semaphore, #tpu.memory_space<semaphore_mem>> -> memref<1x!tpu.dma_semaphore, #tpu.memory_space<semaphore_mem>>
      %dma_start3A_1452 = tpu.memref_squeeze %dma_start3A_1451 : memref<1x!tpu.dma_semaphore, #tpu.memory_space<semaphore_mem>> -> memref<!tpu.dma_semaphore, #tpu.memory_space<semaphore_mem>>
      %dma_start3A_1453 = arith.constant 0 : i32
      %dma_start3A_1454 = arith.constant 0 : i32
      %dma_start3A_1455 = tpu.memref_slice %arg6[%add3A_1440, %dma_start3A_1453, %dma_start3A_1454] : memref<4096x200x128xf32, #tpu.memory_space<hbm>> -> memref<1x200x64xf32, #tpu.memory_space<hbm>>
      %dma_start3A_1456 = tpu.memref_squeeze %dma_start3A_1455 : memref<1x200x64xf32, #tpu.memory_space<hbm>> -> memref<200x64xf32, #tpu.memory_space<hbm>>
      %dma_start3A_1457 = arith.constant 0 : i32
      %dma_start3A_1458 = arith.constant 0 : i32
      %dma_start3A_1459 = tpu.memref_slice %arg9[%dma_start3A_1441, %dma_start3A_1457, %dma_start3A_1458] : memref<8x200x64xf32, #tpu.memory_space<vmem>> -> memref<1x200x64xf32, #tpu.memory_space<vmem>>
      %dma_start3A_1460 = tpu.memref_squeeze %dma_start3A_1459 : memref<1x200x64xf32, #tpu.memory_space<vmem>> -> memref<200x64xf32, #tpu.memory_space<vmem>>
      tpu.enqueue_dma source(%dma_start3A_1460 : memref<200x64xf32, #tpu.memory_space<vmem>>) target(%dma_start3A_1456 : memref<200x64xf32, #tpu.memory_space<hbm>>) target_semaphore(%dma_start3A_1452 : memref<!tpu.dma_semaphore, #tpu.memory_space<semaphore_mem>>)
      %dma_wait3A_1461 = arith.constant 7 : i32
      %dma_wait3A_1462 = arith.constant 7 : i32
      %dma_wait3A_1463 = arith.constant 7 : i32
      %dma_wait3A_1464 = arith.constant 0 : i32
      %dma_wait3A_1465 = arith.constant 0 : i32
      %dma_wait3A_1466 = tpu.memref_slice %arg9[%dma_wait3A_1462, %dma_wait3A_1464, %dma_wait3A_1465] : memref<8x200x64xf32, #tpu.memory_space<vmem>> -> memref<1x128x64xf32, #tpu.memory_space<vmem>>
      %dma_wait3A_1467 = tpu.memref_squeeze %dma_wait3A_1466 : memref<1x128x64xf32, #tpu.memory_space<vmem>> -> memref<128x64xf32, #tpu.memory_space<vmem>>
      %dma_wait3A_1468 = arith.constant 0 : i32
      %dma_wait3A_1469 = tpu.memref_slice %arg8[%select_n3A_262, %dma_wait3A_1461, %dma_wait3A_1468] : memref<2x8x200xi32, #tpu.memory_space<vmem>> -> memref<1x1x128xi32, #tpu.memory_space<vmem>>
      %dma_wait3A_1470 = tpu.memref_squeeze %dma_wait3A_1469 : memref<1x1x128xi32, #tpu.memory_space<vmem>> -> memref<128xi32, #tpu.memory_space<vmem>>
      %dma_wait3A_1471 = arith.constant 0 : i32
      %dma_wait3A_1472 = arith.constant 0 : i32
      %dma_wait3A_1473 = tpu.memref_slice %arg11[%dma_wait3A_1471, %dma_wait3A_1472] : memref<1024x64xf32, #tpu.memory_space<vmem_shared>> -> memref<1024x64xf32, #tpu.memory_space<vmem_shared>>
      %dma_wait3A_1474 = tpu.memref_slice %arg14[%dma_wait3A_1463] : memref<8x!tpu.dma_semaphore, #tpu.memory_space<semaphore_mem>> -> memref<1x!tpu.dma_semaphore, #tpu.memory_space<semaphore_mem>>
      %dma_wait3A_1475 = tpu.memref_squeeze %dma_wait3A_1474 : memref<1x!tpu.dma_semaphore, #tpu.memory_space<semaphore_mem>> -> memref<!tpu.dma_semaphore, #tpu.memory_space<semaphore_mem>>
      tpu.wait_indirect_dma semaphore(%dma_wait3A_1475 : memref<!tpu.dma_semaphore, #tpu.memory_space<semaphore_mem>>) src(%dma_wait3A_1473 : memref<1024x64xf32, #tpu.memory_space<vmem_shared>>) dst(%dma_wait3A_1467 : memref<128x64xf32, #tpu.memory_space<vmem>>)
      %dma_wait3A_1476 = arith.constant 7 : i32
      %dma_wait3A_1477 = arith.constant 7 : i32
      %dma_wait3A_1478 = arith.constant 7 : i32
      %dma_wait3A_1479 = arith.constant 128 : i32
      %dma_wait3A_1480 = arith.constant 0 : i32
      %dma_wait3A_1481 = tpu.memref_slice %arg9[%dma_wait3A_1477, %dma_wait3A_1479, %dma_wait3A_1480] : memref<8x200x64xf32, #tpu.memory_space<vmem>> -> memref<1x72x64xf32, #tpu.memory_space<vmem>>
      %dma_wait3A_1482 = tpu.memref_squeeze %dma_wait3A_1481 : memref<1x72x64xf32, #tpu.memory_space<vmem>> -> memref<72x64xf32, #tpu.memory_space<vmem>>
      %dma_wait3A_1483 = arith.constant 128 : i32
      %dma_wait3A_1484 = tpu.memref_slice %arg8[%select_n3A_262, %dma_wait3A_1476, %dma_wait3A_1483] : memref<2x8x200xi32, #tpu.memory_space<vmem>> -> memref<1x1x72xi32, #tpu.memory_space<vmem>>
      %dma_wait3A_1485 = tpu.memref_squeeze %dma_wait3A_1484 : memref<1x1x72xi32, #tpu.memory_space<vmem>> -> memref<72xi32, #tpu.memory_space<vmem>>
      %dma_wait3A_1486 = arith.constant 0 : i32
      %dma_wait3A_1487 = arith.constant 0 : i32
      %dma_wait3A_1488 = tpu.memref_slice %arg11[%dma_wait3A_1486, %dma_wait3A_1487] : memref<1024x64xf32, #tpu.memory_space<vmem_shared>> -> memref<1024x64xf32, #tpu.memory_space<vmem_shared>>
      %dma_wait3A_1489 = tpu.memref_slice %arg14[%dma_wait3A_1478] : memref<8x!tpu.dma_semaphore, #tpu.memory_space<semaphore_mem>> -> memref<1x!tpu.dma_semaphore, #tpu.memory_space<semaphore_mem>>
      %dma_wait3A_1490 = tpu.memref_squeeze %dma_wait3A_1489 : memref<1x!tpu.dma_semaphore, #tpu.memory_space<semaphore_mem>> -> memref<!tpu.dma_semaphore, #tpu.memory_space<semaphore_mem>>
      tpu.wait_indirect_dma semaphore(%dma_wait3A_1490 : memref<!tpu.dma_semaphore, #tpu.memory_space<semaphore_mem>>) src(%dma_wait3A_1488 : memref<1024x64xf32, #tpu.memory_space<vmem_shared>>) dst(%dma_wait3A_1482 : memref<72x64xf32, #tpu.memory_space<vmem>>)
      %mul3A_1491 = arith.constant 128 : i32
      %mul3A_1492 = arith.muli %add3A, %mul3A_1491 : i32
      %mul3A_1493 = arith.constant 8 : i32
      %mul3A_1494 = arith.muli %scan3A_252, %mul3A_1493 : i32
      %add3A_1495 = arith.addi %mul3A_1492, %mul3A_1494 : i32
      %add3A_1496 = arith.constant 7 : i32
      %add3A_1497 = arith.addi %add3A_1495, %add3A_1496 : i32
      %dma_start3A_1498 = arith.constant 7 : i32
      %dma_start3A_1499 = arith.constant 7 : i32
      %dma_start3A_1500 = arith.constant 0 : i32
      %dma_start3A_1501 = arith.constant 0 : i32
      %dma_start3A_1502 = tpu.memref_slice %arg9[%dma_start3A_1498, %dma_start3A_1500, %dma_start3A_1501] : memref<8x200x64xf32, #tpu.memory_space<vmem>> -> memref<1x200x64xf32, #tpu.memory_space<vmem>>
      %dma_start3A_1503 = tpu.memref_squeeze %dma_start3A_1502 : memref<1x200x64xf32, #tpu.memory_space<vmem>> -> memref<200x64xf32, #tpu.memory_space<vmem>>
      %dma_start3A_1504 = arith.constant 0 : i32
      %dma_start3A_1505 = arith.constant 0 : i32
      %dma_start3A_1506 = tpu.memref_slice %arg6[%add3A_1497, %dma_start3A_1504, %dma_start3A_1505] : memref<4096x200x128xf32, #tpu.memory_space<hbm>> -> memref<1x200x64xf32, #tpu.memory_space<hbm>>
      %dma_start3A_1507 = tpu.memref_squeeze %dma_start3A_1506 : memref<1x200x64xf32, #tpu.memory_space<hbm>> -> memref<200x64xf32, #tpu.memory_space<hbm>>
      %dma_start3A_1508 = tpu.memref_slice %arg15[%dma_start3A_1499] : memref<8x!tpu.dma_semaphore, #tpu.memory_space<semaphore_mem>> -> memref<1x!tpu.dma_semaphore, #tpu.memory_space<semaphore_mem>>
      %dma_start3A_1509 = tpu.memref_squeeze %dma_start3A_1508 : memref<1x!tpu.dma_semaphore, #tpu.memory_space<semaphore_mem>> -> memref<!tpu.dma_semaphore, #tpu.memory_space<semaphore_mem>>
      %dma_start3A_1510 = arith.constant 0 : i32
      %dma_start3A_1511 = arith.constant 0 : i32
      %dma_start3A_1512 = tpu.memref_slice %arg6[%add3A_1497, %dma_start3A_1510, %dma_start3A_1511] : memref<4096x200x128xf32, #tpu.memory_space<hbm>> -> memref<1x200x64xf32, #tpu.memory_space<hbm>>
      %dma_start3A_1513 = tpu.memref_squeeze %dma_start3A_1512 : memref<1x200x64xf32, #tpu.memory_space<hbm>> -> memref<200x64xf32, #tpu.memory_space<hbm>>
      %dma_start3A_1514 = arith.constant 0 : i32
      %dma_start3A_1515 = arith.constant 0 : i32
      %dma_start3A_1516 = tpu.memref_slice %arg9[%dma_start3A_1498, %dma_start3A_1514, %dma_start3A_1515] : memref<8x200x64xf32, #tpu.memory_space<vmem>> -> memref<1x200x64xf32, #tpu.memory_space<vmem>>
      %dma_start3A_1517 = tpu.memref_squeeze %dma_start3A_1516 : memref<1x200x64xf32, #tpu.memory_space<vmem>> -> memref<200x64xf32, #tpu.memory_space<vmem>>
      tpu.enqueue_dma source(%dma_start3A_1517 : memref<200x64xf32, #tpu.memory_space<vmem>>) target(%dma_start3A_1513 : memref<200x64xf32, #tpu.memory_space<hbm>>) target_semaphore(%dma_start3A_1509 : memref<!tpu.dma_semaphore, #tpu.memory_space<semaphore_mem>>)
    }
    %scan3A_44 = arith.constant 16 : i32
    %mul3A_45 = arith.constant 128 : i32
    %mul3A_46 = arith.muli %add3A, %mul3A_45 : i32
    %add3A_47 = arith.constant 120 : i32
    %add3A_48 = arith.addi %mul3A_46, %add3A_47 : i32
    %add3A_49 = arith.constant 0 : i32
    %add3A_50 = arith.addi %add3A_48, %add3A_49 : i32
    %dma_wait3A = arith.constant 0 : i32
    %dma_wait3A_51 = arith.constant 0 : i32
    %dma_wait3A_52 = arith.constant 0 : i32
    %dma_wait3A_53 = arith.constant 0 : i32
    %dma_wait3A_54 = tpu.memref_slice %arg9[%dma_wait3A, %dma_wait3A_52, %dma_wait3A_53] : memref<8x200x64xf32, #tpu.memory_space<vmem>> -> memref<1x200x64xf32, #tpu.memory_space<vmem>>
    %dma_wait3A_55 = tpu.memref_squeeze %dma_wait3A_54 : memref<1x200x64xf32, #tpu.memory_space<vmem>> -> memref<200x64xf32, #tpu.memory_space<vmem>>
    %dma_wait3A_56 = arith.constant 0 : i32
    %dma_wait3A_57 = arith.constant 0 : i32
    %dma_wait3A_58 = tpu.memref_slice %arg6[%add3A_50, %dma_wait3A_56, %dma_wait3A_57] : memref<4096x200x128xf32, #tpu.memory_space<hbm>> -> memref<1x200x64xf32, #tpu.memory_space<hbm>>
    %dma_wait3A_59 = tpu.memref_squeeze %dma_wait3A_58 : memref<1x200x64xf32, #tpu.memory_space<hbm>> -> memref<200x64xf32, #tpu.memory_space<hbm>>
    %dma_wait3A_60 = tpu.memref_slice %arg15[%dma_wait3A_51] : memref<8x!tpu.dma_semaphore, #tpu.memory_space<semaphore_mem>> -> memref<1x!tpu.dma_semaphore, #tpu.memory_space<semaphore_mem>>
    %dma_wait3A_61 = tpu.memref_squeeze %dma_wait3A_60 : memref<1x!tpu.dma_semaphore, #tpu.memory_space<semaphore_mem>> -> memref<!tpu.dma_semaphore, #tpu.memory_space<semaphore_mem>>
    %dma_wait3A_62 = arith.constant 0 : i32
    %dma_wait3A_63 = arith.constant 0 : i32
    %dma_wait3A_64 = tpu.memref_slice %arg6[%add3A_50, %dma_wait3A_62, %dma_wait3A_63] : memref<4096x200x128xf32, #tpu.memory_space<hbm>> -> memref<1x200x64xf32, #tpu.memory_space<hbm>>
    %dma_wait3A_65 = tpu.memref_squeeze %dma_wait3A_64 : memref<1x200x64xf32, #tpu.memory_space<hbm>> -> memref<200x64xf32, #tpu.memory_space<hbm>>
    %dma_wait3A_66 = arith.constant 0 : i32
    %dma_wait3A_67 = arith.constant 0 : i32
    %dma_wait3A_68 = tpu.memref_slice %arg9[%dma_wait3A, %dma_wait3A_66, %dma_wait3A_67] : memref<8x200x64xf32, #tpu.memory_space<vmem>> -> memref<1x200x64xf32, #tpu.memory_space<vmem>>
    %dma_wait3A_69 = tpu.memref_squeeze %dma_wait3A_68 : memref<1x200x64xf32, #tpu.memory_space<vmem>> -> memref<200x64xf32, #tpu.memory_space<vmem>>
    tpu.wait_dma2 semaphore(%dma_wait3A_61 : memref<!tpu.dma_semaphore, #tpu.memory_space<semaphore_mem>>) src(%dma_wait3A_69 : memref<200x64xf32, #tpu.memory_space<vmem>>) dst(%dma_wait3A_65 : memref<200x64xf32, #tpu.memory_space<hbm>>)
    %mul3A_70 = arith.constant 128 : i32
    %mul3A_71 = arith.muli %add3A, %mul3A_70 : i32
    %add3A_72 = arith.constant 120 : i32
    %add3A_73 = arith.addi %mul3A_71, %add3A_72 : i32
    %add3A_74 = arith.constant 1 : i32
    %add3A_75 = arith.addi %add3A_73, %add3A_74 : i32
    %dma_wait3A_76 = arith.constant 1 : i32
    %dma_wait3A_77 = arith.constant 1 : i32
    %dma_wait3A_78 = arith.constant 0 : i32
    %dma_wait3A_79 = arith.constant 0 : i32
    %dma_wait3A_80 = tpu.memref_slice %arg9[%dma_wait3A_76, %dma_wait3A_78, %dma_wait3A_79] : memref<8x200x64xf32, #tpu.memory_space<vmem>> -> memref<1x200x64xf32, #tpu.memory_space<vmem>>
    %dma_wait3A_81 = tpu.memref_squeeze %dma_wait3A_80 : memref<1x200x64xf32, #tpu.memory_space<vmem>> -> memref<200x64xf32, #tpu.memory_space<vmem>>
    %dma_wait3A_82 = arith.constant 0 : i32
    %dma_wait3A_83 = arith.constant 0 : i32
    %dma_wait3A_84 = tpu.memref_slice %arg6[%add3A_75, %dma_wait3A_82, %dma_wait3A_83] : memref<4096x200x128xf32, #tpu.memory_space<hbm>> -> memref<1x200x64xf32, #tpu.memory_space<hbm>>
    %dma_wait3A_85 = tpu.memref_squeeze %dma_wait3A_84 : memref<1x200x64xf32, #tpu.memory_space<hbm>> -> memref<200x64xf32, #tpu.memory_space<hbm>>
    %dma_wait3A_86 = tpu.memref_slice %arg15[%dma_wait3A_77] : memref<8x!tpu.dma_semaphore, #tpu.memory_space<semaphore_mem>> -> memref<1x!tpu.dma_semaphore, #tpu.memory_space<semaphore_mem>>
    %dma_wait3A_87 = tpu.memref_squeeze %dma_wait3A_86 : memref<1x!tpu.dma_semaphore, #tpu.memory_space<semaphore_mem>> -> memref<!tpu.dma_semaphore, #tpu.memory_space<semaphore_mem>>
    %dma_wait3A_88 = arith.constant 0 : i32
    %dma_wait3A_89 = arith.constant 0 : i32
    %dma_wait3A_90 = tpu.memref_slice %arg6[%add3A_75, %dma_wait3A_88, %dma_wait3A_89] : memref<4096x200x128xf32, #tpu.memory_space<hbm>> -> memref<1x200x64xf32, #tpu.memory_space<hbm>>
    %dma_wait3A_91 = tpu.memref_squeeze %dma_wait3A_90 : memref<1x200x64xf32, #tpu.memory_space<hbm>> -> memref<200x64xf32, #tpu.memory_space<hbm>>
    %dma_wait3A_92 = arith.constant 0 : i32
    %dma_wait3A_93 = arith.constant 0 : i32
    %dma_wait3A_94 = tpu.memref_slice %arg9[%dma_wait3A_76, %dma_wait3A_92, %dma_wait3A_93] : memref<8x200x64xf32, #tpu.memory_space<vmem>> -> memref<1x200x64xf32, #tpu.memory_space<vmem>>
    %dma_wait3A_95 = tpu.memref_squeeze %dma_wait3A_94 : memref<1x200x64xf32, #tpu.memory_space<vmem>> -> memref<200x64xf32, #tpu.memory_space<vmem>>
    tpu.wait_dma2 semaphore(%dma_wait3A_87 : memref<!tpu.dma_semaphore, #tpu.memory_space<semaphore_mem>>) src(%dma_wait3A_95 : memref<200x64xf32, #tpu.memory_space<vmem>>) dst(%dma_wait3A_91 : memref<200x64xf32, #tpu.memory_space<hbm>>)
    %mul3A_96 = arith.constant 128 : i32
    %mul3A_97 = arith.muli %add3A, %mul3A_96 : i32
    %add3A_98 = arith.constant 120 : i32
    %add3A_99 = arith.addi %mul3A_97, %add3A_98 : i32
    %add3A_100 = arith.constant 2 : i32
    %add3A_101 = arith.addi %add3A_99, %add3A_100 : i32
    %dma_wait3A_102 = arith.constant 2 : i32
    %dma_wait3A_103 = arith.constant 2 : i32
    %dma_wait3A_104 = arith.constant 0 : i32
    %dma_wait3A_105 = arith.constant 0 : i32
    %dma_wait3A_106 = tpu.memref_slice %arg9[%dma_wait3A_102, %dma_wait3A_104, %dma_wait3A_105] : memref<8x200x64xf32, #tpu.memory_space<vmem>> -> memref<1x200x64xf32, #tpu.memory_space<vmem>>
    %dma_wait3A_107 = tpu.memref_squeeze %dma_wait3A_106 : memref<1x200x64xf32, #tpu.memory_space<vmem>> -> memref<200x64xf32, #tpu.memory_space<vmem>>
    %dma_wait3A_108 = arith.constant 0 : i32
    %dma_wait3A_109 = arith.constant 0 : i32
    %dma_wait3A_110 = tpu.memref_slice %arg6[%add3A_101, %dma_wait3A_108, %dma_wait3A_109] : memref<4096x200x128xf32, #tpu.memory_space<hbm>> -> memref<1x200x64xf32, #tpu.memory_space<hbm>>
    %dma_wait3A_111 = tpu.memref_squeeze %dma_wait3A_110 : memref<1x200x64xf32, #tpu.memory_space<hbm>> -> memref<200x64xf32, #tpu.memory_space<hbm>>
    %dma_wait3A_112 = tpu.memref_slice %arg15[%dma_wait3A_103] : memref<8x!tpu.dma_semaphore, #tpu.memory_space<semaphore_mem>> -> memref<1x!tpu.dma_semaphore, #tpu.memory_space<semaphore_mem>>
    %dma_wait3A_113 = tpu.memref_squeeze %dma_wait3A_112 : memref<1x!tpu.dma_semaphore, #tpu.memory_space<semaphore_mem>> -> memref<!tpu.dma_semaphore, #tpu.memory_space<semaphore_mem>>
    %dma_wait3A_114 = arith.constant 0 : i32
    %dma_wait3A_115 = arith.constant 0 : i32
    %dma_wait3A_116 = tpu.memref_slice %arg6[%add3A_101, %dma_wait3A_114, %dma_wait3A_115] : memref<4096x200x128xf32, #tpu.memory_space<hbm>> -> memref<1x200x64xf32, #tpu.memory_space<hbm>>
    %dma_wait3A_117 = tpu.memref_squeeze %dma_wait3A_116 : memref<1x200x64xf32, #tpu.memory_space<hbm>> -> memref<200x64xf32, #tpu.memory_space<hbm>>
    %dma_wait3A_118 = arith.constant 0 : i32
    %dma_wait3A_119 = arith.constant 0 : i32
    %dma_wait3A_120 = tpu.memref_slice %arg9[%dma_wait3A_102, %dma_wait3A_118, %dma_wait3A_119] : memref<8x200x64xf32, #tpu.memory_space<vmem>> -> memref<1x200x64xf32, #tpu.memory_space<vmem>>
    %dma_wait3A_121 = tpu.memref_squeeze %dma_wait3A_120 : memref<1x200x64xf32, #tpu.memory_space<vmem>> -> memref<200x64xf32, #tpu.memory_space<vmem>>
    tpu.wait_dma2 semaphore(%dma_wait3A_113 : memref<!tpu.dma_semaphore, #tpu.memory_space<semaphore_mem>>) src(%dma_wait3A_121 : memref<200x64xf32, #tpu.memory_space<vmem>>) dst(%dma_wait3A_117 : memref<200x64xf32, #tpu.memory_space<hbm>>)
    %mul3A_122 = arith.constant 128 : i32
    %mul3A_123 = arith.muli %add3A, %mul3A_122 : i32
    %add3A_124 = arith.constant 120 : i32
    %add3A_125 = arith.addi %mul3A_123, %add3A_124 : i32
    %add3A_126 = arith.constant 3 : i32
    %add3A_127 = arith.addi %add3A_125, %add3A_126 : i32
    %dma_wait3A_128 = arith.constant 3 : i32
    %dma_wait3A_129 = arith.constant 3 : i32
    %dma_wait3A_130 = arith.constant 0 : i32
    %dma_wait3A_131 = arith.constant 0 : i32
    %dma_wait3A_132 = tpu.memref_slice %arg9[%dma_wait3A_128, %dma_wait3A_130, %dma_wait3A_131] : memref<8x200x64xf32, #tpu.memory_space<vmem>> -> memref<1x200x64xf32, #tpu.memory_space<vmem>>
    %dma_wait3A_133 = tpu.memref_squeeze %dma_wait3A_132 : memref<1x200x64xf32, #tpu.memory_space<vmem>> -> memref<200x64xf32, #tpu.memory_space<vmem>>
    %dma_wait3A_134 = arith.constant 0 : i32
    %dma_wait3A_135 = arith.constant 0 : i32
    %dma_wait3A_136 = tpu.memref_slice %arg6[%add3A_127, %dma_wait3A_134, %dma_wait3A_135] : memref<4096x200x128xf32, #tpu.memory_space<hbm>> -> memref<1x200x64xf32, #tpu.memory_space<hbm>>
    %dma_wait3A_137 = tpu.memref_squeeze %dma_wait3A_136 : memref<1x200x64xf32, #tpu.memory_space<hbm>> -> memref<200x64xf32, #tpu.memory_space<hbm>>
    %dma_wait3A_138 = tpu.memref_slice %arg15[%dma_wait3A_129] : memref<8x!tpu.dma_semaphore, #tpu.memory_space<semaphore_mem>> -> memref<1x!tpu.dma_semaphore, #tpu.memory_space<semaphore_mem>>
    %dma_wait3A_139 = tpu.memref_squeeze %dma_wait3A_138 : memref<1x!tpu.dma_semaphore, #tpu.memory_space<semaphore_mem>> -> memref<!tpu.dma_semaphore, #tpu.memory_space<semaphore_mem>>
    %dma_wait3A_140 = arith.constant 0 : i32
    %dma_wait3A_141 = arith.constant 0 : i32
    %dma_wait3A_142 = tpu.memref_slice %arg6[%add3A_127, %dma_wait3A_140, %dma_wait3A_141] : memref<4096x200x128xf32, #tpu.memory_space<hbm>> -> memref<1x200x64xf32, #tpu.memory_space<hbm>>
    %dma_wait3A_143 = tpu.memref_squeeze %dma_wait3A_142 : memref<1x200x64xf32, #tpu.memory_space<hbm>> -> memref<200x64xf32, #tpu.memory_space<hbm>>
    %dma_wait3A_144 = arith.constant 0 : i32
    %dma_wait3A_145 = arith.constant 0 : i32
    %dma_wait3A_146 = tpu.memref_slice %arg9[%dma_wait3A_128, %dma_wait3A_144, %dma_wait3A_145] : memref<8x200x64xf32, #tpu.memory_space<vmem>> -> memref<1x200x64xf32, #tpu.memory_space<vmem>>
    %dma_wait3A_147 = tpu.memref_squeeze %dma_wait3A_146 : memref<1x200x64xf32, #tpu.memory_space<vmem>> -> memref<200x64xf32, #tpu.memory_space<vmem>>
    tpu.wait_dma2 semaphore(%dma_wait3A_139 : memref<!tpu.dma_semaphore, #tpu.memory_space<semaphore_mem>>) src(%dma_wait3A_147 : memref<200x64xf32, #tpu.memory_space<vmem>>) dst(%dma_wait3A_143 : memref<200x64xf32, #tpu.memory_space<hbm>>)
    %mul3A_148 = arith.constant 128 : i32
    %mul3A_149 = arith.muli %add3A, %mul3A_148 : i32
    %add3A_150 = arith.constant 120 : i32
    %add3A_151 = arith.addi %mul3A_149, %add3A_150 : i32
    %add3A_152 = arith.constant 4 : i32
    %add3A_153 = arith.addi %add3A_151, %add3A_152 : i32
    %dma_wait3A_154 = arith.constant 4 : i32
    %dma_wait3A_155 = arith.constant 4 : i32
    %dma_wait3A_156 = arith.constant 0 : i32
    %dma_wait3A_157 = arith.constant 0 : i32
    %dma_wait3A_158 = tpu.memref_slice %arg9[%dma_wait3A_154, %dma_wait3A_156, %dma_wait3A_157] : memref<8x200x64xf32, #tpu.memory_space<vmem>> -> memref<1x200x64xf32, #tpu.memory_space<vmem>>
    %dma_wait3A_159 = tpu.memref_squeeze %dma_wait3A_158 : memref<1x200x64xf32, #tpu.memory_space<vmem>> -> memref<200x64xf32, #tpu.memory_space<vmem>>
    %dma_wait3A_160 = arith.constant 0 : i32
    %dma_wait3A_161 = arith.constant 0 : i32
    %dma_wait3A_162 = tpu.memref_slice %arg6[%add3A_153, %dma_wait3A_160, %dma_wait3A_161] : memref<4096x200x128xf32, #tpu.memory_space<hbm>> -> memref<1x200x64xf32, #tpu.memory_space<hbm>>
    %dma_wait3A_163 = tpu.memref_squeeze %dma_wait3A_162 : memref<1x200x64xf32, #tpu.memory_space<hbm>> -> memref<200x64xf32, #tpu.memory_space<hbm>>
    %dma_wait3A_164 = tpu.memref_slice %arg15[%dma_wait3A_155] : memref<8x!tpu.dma_semaphore, #tpu.memory_space<semaphore_mem>> -> memref<1x!tpu.dma_semaphore, #tpu.memory_space<semaphore_mem>>
    %dma_wait3A_165 = tpu.memref_squeeze %dma_wait3A_164 : memref<1x!tpu.dma_semaphore, #tpu.memory_space<semaphore_mem>> -> memref<!tpu.dma_semaphore, #tpu.memory_space<semaphore_mem>>
    %dma_wait3A_166 = arith.constant 0 : i32
    %dma_wait3A_167 = arith.constant 0 : i32
    %dma_wait3A_168 = tpu.memref_slice %arg6[%add3A_153, %dma_wait3A_166, %dma_wait3A_167] : memref<4096x200x128xf32, #tpu.memory_space<hbm>> -> memref<1x200x64xf32, #tpu.memory_space<hbm>>
    %dma_wait3A_169 = tpu.memref_squeeze %dma_wait3A_168 : memref<1x200x64xf32, #tpu.memory_space<hbm>> -> memref<200x64xf32, #tpu.memory_space<hbm>>
    %dma_wait3A_170 = arith.constant 0 : i32
    %dma_wait3A_171 = arith.constant 0 : i32
    %dma_wait3A_172 = tpu.memref_slice %arg9[%dma_wait3A_154, %dma_wait3A_170, %dma_wait3A_171] : memref<8x200x64xf32, #tpu.memory_space<vmem>> -> memref<1x200x64xf32, #tpu.memory_space<vmem>>
    %dma_wait3A_173 = tpu.memref_squeeze %dma_wait3A_172 : memref<1x200x64xf32, #tpu.memory_space<vmem>> -> memref<200x64xf32, #tpu.memory_space<vmem>>
    tpu.wait_dma2 semaphore(%dma_wait3A_165 : memref<!tpu.dma_semaphore, #tpu.memory_space<semaphore_mem>>) src(%dma_wait3A_173 : memref<200x64xf32, #tpu.memory_space<vmem>>) dst(%dma_wait3A_169 : memref<200x64xf32, #tpu.memory_space<hbm>>)
    %mul3A_174 = arith.constant 128 : i32
    %mul3A_175 = arith.muli %add3A, %mul3A_174 : i32
    %add3A_176 = arith.constant 120 : i32
    %add3A_177 = arith.addi %mul3A_175, %add3A_176 : i32
    %add3A_178 = arith.constant 5 : i32
    %add3A_179 = arith.addi %add3A_177, %add3A_178 : i32
    %dma_wait3A_180 = arith.constant 5 : i32
    %dma_wait3A_181 = arith.constant 5 : i32
    %dma_wait3A_182 = arith.constant 0 : i32
    %dma_wait3A_183 = arith.constant 0 : i32
    %dma_wait3A_184 = tpu.memref_slice %arg9[%dma_wait3A_180, %dma_wait3A_182, %dma_wait3A_183] : memref<8x200x64xf32, #tpu.memory_space<vmem>> -> memref<1x200x64xf32, #tpu.memory_space<vmem>>
    %dma_wait3A_185 = tpu.memref_squeeze %dma_wait3A_184 : memref<1x200x64xf32, #tpu.memory_space<vmem>> -> memref<200x64xf32, #tpu.memory_space<vmem>>
    %dma_wait3A_186 = arith.constant 0 : i32
    %dma_wait3A_187 = arith.constant 0 : i32
    %dma_wait3A_188 = tpu.memref_slice %arg6[%add3A_179, %dma_wait3A_186, %dma_wait3A_187] : memref<4096x200x128xf32, #tpu.memory_space<hbm>> -> memref<1x200x64xf32, #tpu.memory_space<hbm>>
    %dma_wait3A_189 = tpu.memref_squeeze %dma_wait3A_188 : memref<1x200x64xf32, #tpu.memory_space<hbm>> -> memref<200x64xf32, #tpu.memory_space<hbm>>
    %dma_wait3A_190 = tpu.memref_slice %arg15[%dma_wait3A_181] : memref<8x!tpu.dma_semaphore, #tpu.memory_space<semaphore_mem>> -> memref<1x!tpu.dma_semaphore, #tpu.memory_space<semaphore_mem>>
    %dma_wait3A_191 = tpu.memref_squeeze %dma_wait3A_190 : memref<1x!tpu.dma_semaphore, #tpu.memory_space<semaphore_mem>> -> memref<!tpu.dma_semaphore, #tpu.memory_space<semaphore_mem>>
    %dma_wait3A_192 = arith.constant 0 : i32
    %dma_wait3A_193 = arith.constant 0 : i32
    %dma_wait3A_194 = tpu.memref_slice %arg6[%add3A_179, %dma_wait3A_192, %dma_wait3A_193] : memref<4096x200x128xf32, #tpu.memory_space<hbm>> -> memref<1x200x64xf32, #tpu.memory_space<hbm>>
    %dma_wait3A_195 = tpu.memref_squeeze %dma_wait3A_194 : memref<1x200x64xf32, #tpu.memory_space<hbm>> -> memref<200x64xf32, #tpu.memory_space<hbm>>
    %dma_wait3A_196 = arith.constant 0 : i32
    %dma_wait3A_197 = arith.constant 0 : i32
    %dma_wait3A_198 = tpu.memref_slice %arg9[%dma_wait3A_180, %dma_wait3A_196, %dma_wait3A_197] : memref<8x200x64xf32, #tpu.memory_space<vmem>> -> memref<1x200x64xf32, #tpu.memory_space<vmem>>
    %dma_wait3A_199 = tpu.memref_squeeze %dma_wait3A_198 : memref<1x200x64xf32, #tpu.memory_space<vmem>> -> memref<200x64xf32, #tpu.memory_space<vmem>>
    tpu.wait_dma2 semaphore(%dma_wait3A_191 : memref<!tpu.dma_semaphore, #tpu.memory_space<semaphore_mem>>) src(%dma_wait3A_199 : memref<200x64xf32, #tpu.memory_space<vmem>>) dst(%dma_wait3A_195 : memref<200x64xf32, #tpu.memory_space<hbm>>)
    %mul3A_200 = arith.constant 128 : i32
    %mul3A_201 = arith.muli %add3A, %mul3A_200 : i32
    %add3A_202 = arith.constant 120 : i32
    %add3A_203 = arith.addi %mul3A_201, %add3A_202 : i32
    %add3A_204 = arith.constant 6 : i32
    %add3A_205 = arith.addi %add3A_203, %add3A_204 : i32
    %dma_wait3A_206 = arith.constant 6 : i32
    %dma_wait3A_207 = arith.constant 6 : i32
    %dma_wait3A_208 = arith.constant 0 : i32
    %dma_wait3A_209 = arith.constant 0 : i32
    %dma_wait3A_210 = tpu.memref_slice %arg9[%dma_wait3A_206, %dma_wait3A_208, %dma_wait3A_209] : memref<8x200x64xf32, #tpu.memory_space<vmem>> -> memref<1x200x64xf32, #tpu.memory_space<vmem>>
    %dma_wait3A_211 = tpu.memref_squeeze %dma_wait3A_210 : memref<1x200x64xf32, #tpu.memory_space<vmem>> -> memref<200x64xf32, #tpu.memory_space<vmem>>
    %dma_wait3A_212 = arith.constant 0 : i32
    %dma_wait3A_213 = arith.constant 0 : i32
    %dma_wait3A_214 = tpu.memref_slice %arg6[%add3A_205, %dma_wait3A_212, %dma_wait3A_213] : memref<4096x200x128xf32, #tpu.memory_space<hbm>> -> memref<1x200x64xf32, #tpu.memory_space<hbm>>
    %dma_wait3A_215 = tpu.memref_squeeze %dma_wait3A_214 : memref<1x200x64xf32, #tpu.memory_space<hbm>> -> memref<200x64xf32, #tpu.memory_space<hbm>>
    %dma_wait3A_216 = tpu.memref_slice %arg15[%dma_wait3A_207] : memref<8x!tpu.dma_semaphore, #tpu.memory_space<semaphore_mem>> -> memref<1x!tpu.dma_semaphore, #tpu.memory_space<semaphore_mem>>
    %dma_wait3A_217 = tpu.memref_squeeze %dma_wait3A_216 : memref<1x!tpu.dma_semaphore, #tpu.memory_space<semaphore_mem>> -> memref<!tpu.dma_semaphore, #tpu.memory_space<semaphore_mem>>
    %dma_wait3A_218 = arith.constant 0 : i32
    %dma_wait3A_219 = arith.constant 0 : i32
    %dma_wait3A_220 = tpu.memref_slice %arg6[%add3A_205, %dma_wait3A_218, %dma_wait3A_219] : memref<4096x200x128xf32, #tpu.memory_space<hbm>> -> memref<1x200x64xf32, #tpu.memory_space<hbm>>
    %dma_wait3A_221 = tpu.memref_squeeze %dma_wait3A_220 : memref<1x200x64xf32, #tpu.memory_space<hbm>> -> memref<200x64xf32, #tpu.memory_space<hbm>>
    %dma_wait3A_222 = arith.constant 0 : i32
    %dma_wait3A_223 = arith.constant 0 : i32
    %dma_wait3A_224 = tpu.memref_slice %arg9[%dma_wait3A_206, %dma_wait3A_222, %dma_wait3A_223] : memref<8x200x64xf32, #tpu.memory_space<vmem>> -> memref<1x200x64xf32, #tpu.memory_space<vmem>>
    %dma_wait3A_225 = tpu.memref_squeeze %dma_wait3A_224 : memref<1x200x64xf32, #tpu.memory_space<vmem>> -> memref<200x64xf32, #tpu.memory_space<vmem>>
    tpu.wait_dma2 semaphore(%dma_wait3A_217 : memref<!tpu.dma_semaphore, #tpu.memory_space<semaphore_mem>>) src(%dma_wait3A_225 : memref<200x64xf32, #tpu.memory_space<vmem>>) dst(%dma_wait3A_221 : memref<200x64xf32, #tpu.memory_space<hbm>>)
    %mul3A_226 = arith.constant 128 : i32
    %mul3A_227 = arith.muli %add3A, %mul3A_226 : i32
    %add3A_228 = arith.constant 120 : i32
    %add3A_229 = arith.addi %mul3A_227, %add3A_228 : i32
    %add3A_230 = arith.constant 7 : i32
    %add3A_231 = arith.addi %add3A_229, %add3A_230 : i32
    %dma_wait3A_232 = arith.constant 7 : i32
    %dma_wait3A_233 = arith.constant 7 : i32
    %dma_wait3A_234 = arith.constant 0 : i32
    %dma_wait3A_235 = arith.constant 0 : i32
    %dma_wait3A_236 = tpu.memref_slice %arg9[%dma_wait3A_232, %dma_wait3A_234, %dma_wait3A_235] : memref<8x200x64xf32, #tpu.memory_space<vmem>> -> memref<1x200x64xf32, #tpu.memory_space<vmem>>
    %dma_wait3A_237 = tpu.memref_squeeze %dma_wait3A_236 : memref<1x200x64xf32, #tpu.memory_space<vmem>> -> memref<200x64xf32, #tpu.memory_space<vmem>>
    %dma_wait3A_238 = arith.constant 0 : i32
    %dma_wait3A_239 = arith.constant 0 : i32
    %dma_wait3A_240 = tpu.memref_slice %arg6[%add3A_231, %dma_wait3A_238, %dma_wait3A_239] : memref<4096x200x128xf32, #tpu.memory_space<hbm>> -> memref<1x200x64xf32, #tpu.memory_space<hbm>>
    %dma_wait3A_241 = tpu.memref_squeeze %dma_wait3A_240 : memref<1x200x64xf32, #tpu.memory_space<hbm>> -> memref<200x64xf32, #tpu.memory_space<hbm>>
    %dma_wait3A_242 = tpu.memref_slice %arg15[%dma_wait3A_233] : memref<8x!tpu.dma_semaphore, #tpu.memory_space<semaphore_mem>> -> memref<1x!tpu.dma_semaphore, #tpu.memory_space<semaphore_mem>>
    %dma_wait3A_243 = tpu.memref_squeeze %dma_wait3A_242 : memref<1x!tpu.dma_semaphore, #tpu.memory_space<semaphore_mem>> -> memref<!tpu.dma_semaphore, #tpu.memory_space<semaphore_mem>>
    %dma_wait3A_244 = arith.constant 0 : i32
    %dma_wait3A_245 = arith.constant 0 : i32
    %dma_wait3A_246 = tpu.memref_slice %arg6[%add3A_231, %dma_wait3A_244, %dma_wait3A_245] : memref<4096x200x128xf32, #tpu.memory_space<hbm>> -> memref<1x200x64xf32, #tpu.memory_space<hbm>>
    %dma_wait3A_247 = tpu.memref_squeeze %dma_wait3A_246 : memref<1x200x64xf32, #tpu.memory_space<hbm>> -> memref<200x64xf32, #tpu.memory_space<hbm>>
    %dma_wait3A_248 = arith.constant 0 : i32
    %dma_wait3A_249 = arith.constant 0 : i32
    %dma_wait3A_250 = tpu.memref_slice %arg9[%dma_wait3A_232, %dma_wait3A_248, %dma_wait3A_249] : memref<8x200x64xf32, #tpu.memory_space<vmem>> -> memref<1x200x64xf32, #tpu.memory_space<vmem>>
    %dma_wait3A_251 = tpu.memref_squeeze %dma_wait3A_250 : memref<1x200x64xf32, #tpu.memory_space<vmem>> -> memref<200x64xf32, #tpu.memory_space<vmem>>
    tpu.wait_dma2 semaphore(%dma_wait3A_243 : memref<!tpu.dma_semaphore, #tpu.memory_space<semaphore_mem>>) src(%dma_wait3A_251 : memref<200x64xf32, #tpu.memory_space<vmem>>) dst(%dma_wait3A_247 : memref<200x64xf32, #tpu.memory_space<hbm>>)
    return
  }
}

</mosaic_0001>

<sc_bundles>
// kernel: kernel.3.cloned.1.call-start
scs
__scs_entry_jumppad:
0x0: {  	(pc) =	sbr.rel $0x88, $3  }
0x1: {  	(tag) =	ssettag $0x0;
	lr =	simm.s32 $0x1  }
0x2: {  	[smem:$0x3F9D] =	sst lr;
	_ =	strace $0xD0000000  }
0x3: {  	_ = 	snop  }
0x4: {  	_ = 	snop  }
0x5: {  	_ = 	snop  }
0x6: {  	_ = 	snop  }
0x7: {  	_ = 	snop  }
__scs_overlays_trampoline_lowered:
0x8: {  	[smem:$0x3FAC] =	sst s0  }
0x9: {  	[smem:$0x3FAD] =	sst s1  }
0xa: {  	[smem:$0x3FAE] =	sst s2  }
0xb: {  	[smem:$0x3FAF] =	sst s3  }
0xc: {  	[smem:$0x3FB0] =	sst s4  }
0xd: {  	[smem:$0x3FB1] =	sst s5  }
0xe: {  	[smem:$0x3FB2] =	sst s6  }
0xf: {  	[smem:$0x3FB3] =	sst s7  }
0x10: {  	[smem:$0x3FB4] =	sst s8  }
0x11: {  	[smem:$0x3FB5] =	sst s9;
	s0 =	simm.s32 @!p0 $0x0  }
0x12: {  	s1 =	sld [smem:$0x3F9B];
	s0 =	simm.s32 @p0 $0x1  }
0x13: {  	[smem:$0x3FB6] =	sst s0;
	s0 =	simm.s32 @!p1 $0x0  }
0x14: {  	s2 =	sld [smem:$0x3F9A];
	s0 =	simm.s32 @p1 $0x1  }
0x15: {  	[smem:$0x3FB7] =	sst s0;
	s0 =	simm.s32 @!p2 $0x0  }
0x16: {  	s3 =	sld [smem:$0x3FDB];
	s0 =	simm.s32 @p2 $0x1  }
0x17: {  	s4 =	simm.s32 $0x1BF5;
	[smem:$0x3FB9] =	sst s0  }
0x18: {  	s0 =	sld [smem:$0x3F9C];
	_ =	swait.ge [sflag:s4], $0x0  }
0x19: {  	s7 =	sld [smem:$0x3F9D]  }
0x1a: {  	s8 =	sadd.s32 $0xFFFFE003, lr  }
0x1b: {  	s9 =	sadd.s32 $0xFFFFFEF7, lr;
	s5 =	simm.s32 $0xFFFFFFFF;
	p2 =	slt.u32 s8, $0xFFFFF086  }
0x1c: {  	p1 =	slt.u32 s9, $0xF7A;
	s5 =	simm.s32 @!p2 $0x0  }
0x1d: {  	s5 =	simm.s32 @p1 $0x1;
	p0 =	seq.s32 s7, s2  }
0x1e: {  	s7 =	smul.u32 @!p0 $0xF7A, s2;
	p2 =	seq.s32 @!p0 s5, $0x0  }
0x1f: {  	s9 =	smul.u32 $0xF7A, s1;
	s8 =	simm.s32 @!p0 $0x1BF5;
	p2 =	por !p2, p0  }
0x20: {  	[sflag:s8] =	ssyncset.s32 @!p0 $0xFFFFF086;
	s6 =	sadd.s32 @!p0 s3, s7;
	s7 =	simm.s32 @!p0 $0x108  }
0x21: {  	s3 =	sadd.s32 s3, s9;
	s6 =	sadd.s32 @!p0 $0x88, s6;
	s7 =	simm.s32 @p2 $0x1082  }
0x22: {  	[simem:s7], [sflag:s8] =	dma.local @!p0 [hbm:s6], $0xF7A  }
0x23: {  	s9 =	sor.u32 $0xD0000000, s2;
	s6 =	simm.s32 $0x108;
	_ =	swait.ge @!p0 [sflag:s8], $0x0  }
0x24: {  	s3 =	sadd.s32 $0x88, s3;
	s6 =	simm.s32 @!p1 $0x1082;
	[sflag:s4] =	ssyncset.s32 $0xFFFFF086  }
0x25: {  	[simem:s6], [sflag:s4] =	dma.local [hbm:s3], $0xF7A  }
0x26: {  	[smem:$0x3F9D] =	sst s1;
	(tag) =	ssettag s2;
	_ =	strace s9  }
0x27: {  	s1 =	sld [smem:$0x3FAD]  }
0x28: {  	s2 =	sld [smem:$0x3FAE]  }
0x29: {  	s4 =	sld [smem:$0x3FB0]  }
0x2a: {  	p0 =	seq.s32 s5, $0x0;
	s5 =	sld [smem:$0x3FB1]  }
0x2b: {  	s6 =	sld [smem:$0x3FB2]  }
0x2c: {  	s7 =	sld [smem:$0x3FB3]  }
0x2d: {  	s3 =	simm.s32 $0x108;
	s8 =	sld [smem:$0x3FB4]  }
0x2e: {  	s3 =	simm.s32 @!p0 $0x1082;
	s9 =	sld [smem:$0x3FB5]  }
0x2f: {  	lr =	sadd.s32 s0, s3;
	s0 =	sld [smem:$0x3FAC]  }
0x30: {  	s3 =	sld [smem:$0x3FAF]  }
0x31: {  	[smem:$0x3FB8] =	sst s10  }
0x32: {  	s10 =	sld [smem:$0x3FB6];
	_ =	sdelay $0x3  }
0x33: {  	p0 =	seq.s32 s10, $0x1;
	s10 =	sld [smem:$0x3FB8];
	_ =	sdelay $0x3  }
0x34: {  	[smem:$0x3FB8] =	sst s10  }
0x35: {  	s10 =	sld [smem:$0x3FB7];
	_ =	sdelay $0x3  }
0x36: {  	p1 =	seq.s32 s10, $0x1;
	s10 =	sld [smem:$0x3FB8];
	_ =	sdelay $0x3  }
0x37: {  	[smem:$0x3FB8] =	sst s10  }
0x38: {  	s10 =	sld [smem:$0x3FB9]  }
0x39: {  	_ = 	snop;
	(pc) =	sbr.ind lr, $3  }
0x3a: {  	_ = 	snop  }
0x3b: {  	_ = 	snop  }
0x3c: {  	p2 =	seq.s32 s10, $0x1;
	s10 =	sld [smem:$0x3FB8]  }
0x3d: {  	_ =	shalt  }
0x3e: {  	_ =	shalt  }
0x3f: {  	_ =	shalt  }
0x40: {  	_ =	shalt  }
0x41: {  	_ =	shalt  }
0x42: {  	_ =	shalt  }
0x43: {  	_ =	shalt  }
0x44: {  	_ =	shalt  }
0x45: {  	_ =	shalt  }
0x46: {  	_ =	shalt  }
0x47: {  	_ =	shalt  }
0x48: {  	_ =	shalt  }
0x49: {  	_ =	shalt  }
0x4a: {  	_ =	shalt  }
0x4b: {  	_ =	shalt  }
0x4c: {  	_ =	shalt  }
0x4d: {  	_ =	shalt  }
0x4e: {  	_ =	shalt  }
0x4f: {  	_ =	shalt  }
0x50: {  	_ =	shalt  }
0x51: {  	_ =	shalt  }
0x52: {  	_ =	shalt  }
0x53: {  	_ =	shalt  }
0x54: {  	_ =	shalt  }
0x55: {  	_ =	shalt  }
0x56: {  	_ =	shalt  }
0x57: {  	_ =	shalt  }
0x58: {  	_ =	shalt  }
0x59: {  	_ =	shalt  }
0x5a: {  	_ =	shalt  }
0x5b: {  	_ =	shalt  }
0x5c: {  	_ =	shalt  }
0x5d: {  	_ =	shalt  }
0x5e: {  	_ =	shalt  }
0x5f: {  	_ =	shalt  }
0x60: {  	_ =	shalt  }
0x61: {  	_ =	shalt  }
0x62: {  	_ =	shalt  }
0x63: {  	_ =	shalt  }
0x64: {  	_ =	shalt  }
0x65: {  	_ =	shalt  }
0x66: {  	_ =	shalt  }
0x67: {  	_ =	shalt  }
0x68: {  	_ =	shalt  }
0x69: {  	_ =	shalt  }
0x6a: {  	_ =	shalt  }
0x6b: {  	_ =	shalt  }
0x6c: {  	_ =	shalt  }
0x6d: {  	_ =	shalt  }
0x6e: {  	_ =	shalt  }
0x6f: {  	_ =	shalt  }
0x70: {  	_ =	shalt  }
0x71: {  	_ =	shalt  }
0x72: {  	_ =	shalt  }
0x73: {  	_ =	shalt  }
0x74: {  	_ =	shalt  }
0x75: {  	_ =	shalt  }
0x76: {  	_ =	shalt  }
0x77: {  	_ =	shalt  }
0x78: {  	_ =	shalt  }
0x79: {  	_ =	shalt  }
0x7a: {  	_ =	shalt  }
0x7b: {  	_ =	shalt  }
0x7c: {  	_ =	shalt  }
0x7d: {  	_ =	shalt  }
0x7e: {  	_ =	shalt  }
0x7f: {  	_ =	shalt  }
0x80: {  	_ =	shalt  }
0x81: {  	_ =	shalt  }
0x82: {  	_ =	shalt  }
0x83: {  	_ =	shalt  }
0x84: {  	_ =	shalt  }
0x85: {  	_ =	shalt  }
0x86: {  	_ =	shalt  }
0x87: {  	_ =	shalt  }
.Lfunc_end0:
.L_simem_size_0:
called_computation.1_lowered:
.L_overlay_start_0:
0x88: {  	s2 =	sld [smem:$0x3FD9]  }
0x89: {  	s3 =	sld [smem:$0x3FFE];
	_ =	sdelay $0x1  }
0x8a: {  	s1 =	srdreg.scid  }
0x8b: {  	s0 =	sand.u32 $0x1, s1  }
0x8c: {  	s17 =	sshll.u32 s0, $0xA;
	s2 =	sadd.s32 s3, s2  }
0x8d: {  	s2 =	sadd.s32 s2, s17  }
0x8e: {  	[smem:$0x3FC4] =	sst s2  }
0x8f: {  	_ = 	snop  }
0x90: {  	s2 =	sld [smem:$0x3FD0];
	(tm) =	ssettm $0x1  }
0x91: {  	s18 =	sld [smem:$0x3FFB];
	_ =	sdelay $0x3  }
0x92: {  	_ =	strace s18  }
0x93: {  	s3 =	sld [smem:$0x3FFC];
	_ =	sdelay $0x3  }
0x94: {  	_ =	strace s3  }
0x95: {  	s3 =	sld [smem:$0x3FFD];
	_ =	sdelay $0x3  }
0x96: {  	_ =	strace s3  }
0x97: {  	_ =	strace $0x8FFFFFFF  }
0x98: {  	s19 =	sld [smem:$0x3FDB];
	_ =	sdelay $0x1  }
0x99: {  	s4 =	simm.s32 $_scs_section_size  }
0x9a: {  	s5 =	simm.s32 $_size__tile_overlayer_lowered;
	s6 =	simm.s32 $_tile_overlayer_lowered  }
0x9b: {  	s22 =	simm.s32 $0x1BFF;
	s21 =	sshll.u32 s6, $0x1;
	s3 =	sadd.s32 s4, s19  }
0x9c: {  	s7 =	simm.s32 $0x0;
	s20 =	sshll.u32 s5, $0x1;
	s5 =	sadd.s32 s21, s3  }
0x9d: {  	[timem:s7], [sflag:s22] =	dma.local [hbm:s5], s20  }
0x9e: {  	_ =	swait.ge [sflag:s22], s20  }
0x9f: {  	s4 =	ssub.s32 $0x0, s20;
	[sflag:s22] =	ssyncset.done $0x0  }
0xa0: {  	[sflag:s22] =	ssyncadd.s32 s4;
	_ =	sdelay $0x1  }
0xa1: {  	s23 =	simm.s32 $0x1B8B  }
0xa2: {  	_ =	swait.ge [sflag:s23], $0x1  }
0xa3: {  	[sflag:s23] =	ssyncset.done $0x0  }
0xa4: {  	s25 =	simm.s32 $0x1B8E;
	s24 =	sld [smem:$0x3FFE];
	[sflag:s23] =	ssyncadd.s32 $0xFFFFFFFF  }
0xa5: {  	s26 =	simm.s32 $execute0_lowered;
	[smem:$0x3FD2] =	sst s25  }
0xa6: {  	s5 =	sshll.u32 s26, $0x1;
	_ =	strace $0x80000046;
	[dreg:$0x1] =	wrdreg $0xFFFFFFFF  }
0xa7: {  	s28 =	simm.s32 $_size_execute0_lowered;
	s3 =	sadd.s32 s3, s5;
	[dreg:$0x0] =	wrdreg $0x0  }
0xa8: {  	s5 =	sshll.u32 s28, $0x1;
	[dreg:$0x2] =	wrdreg s3  }
0xa9: {  	[dreg:$0x3] =	wrdreg s5  }
0xaa: {  	[dreg:$0x4] =	wrdreg $0xC0  }
0xab: {  	_ =	task [dreg:s7], $0x5FFFF  }
0xac: {  	[dreg:$0x1] =	wrdreg $0xFFFFFFFF  }
0xad: {  	[dreg:$0x0] =	wrdreg $0x60  }
0xae: {  	[dreg:$0x2] =	wrdreg s2  }
0xaf: {  	[dreg:$0x3] =	wrdreg s24  }
0xb0: {  	[dreg:$0x4] =	wrdreg $0x1A9000  }
0xb1: {  	[dreg:$0x5] =	wrdreg $0x1B9000  }
0xb2: {  	[dreg:$0x6] =	wrdreg $0x9  }
0xb3: {  	_ =	task.clear_ibuf [dreg:s7], $0x7FFFF;
	_ =	strace $0x90000046  }
0xb4: {  	s29 =	simm.s32 $0x9;
	_ =	strace $0x80000048  }
0xb5: {  	_ =	swait.ge [sflag:s29], $0x1  }
0xb6: {  	[sflag:s29] =	ssyncadd.s32 $0xFFFFFFFF  }
0xb7: {  	_ =	strace $0x90000048  }
0xb8: {  	_ =	sfence  }
0xb9: {  	s30 =	sld [smem:$0x0];
	_ =	sdelay $0x2  }
0xba: {  	s31 =	sshll.u32 s1, $0xD;
	s1 =	sshrl.u32 s1, $0x2  }
0xbb: {  	s3 =	sand.u32 $0x4000, s31;
	s1 =	sadd.s32 s1, s30  }
0xbc: {  	s0 =	sor.u32 s3, s0;
	s1 =	sshll.u32 s1, $0x11  }
0xbd: {  	s0 =	sor.u32 s1, s0  }
0xbe: {  	s0 =	sadd.s32 $0x8F2B, s0  }
0xbf: {  	[sflag:s0] =	ssyncadd.remote.s32 $0x1  }
0xc0: {  	_ =	sfence.sel $0xFFFF  }
0xc1: {  	[dreg:$0x0] =	wrdreg $0xFFFFFFFF;
	(pc) =	sbr.abs _section_cstart, $3  }
0xc2: {  	[dreg:$0x1] =	wrdreg $0xFFFFFFFF  }
0xc3: {  	_ =	task.clear_ibuf [dreg:s7], $0x2FFFF;
	_ =	strace $0x9FFFFFFF  }
0xc4: {  	(tm) =	ssettm $0x7FFFFFFF  }
0xc5: {  	_ =	shalt  }
tec
execute0_lowered:
.L_overlay_start_1:
0x0: {  	(tag) =	ssettag $0x1  }
0x1: {  	s0 =	rddreg [dreg:$0x0]  }
0x2: {  	s3 =	rddreg [dreg:$0x1]  }
0x3: {  	s1 =	rddreg [dreg:$0x2]  }
0x4: {  	s2 =	rddreg [dreg:$0x3]  }
0x5: {  	s4 =	srdreg.scid;
	s5 =	stileid.u32;
	s8 =	simm.s32 $0x0  }
0x6: {  	s29 =	simm.s32 $0x6B00;
	s4 =	sand.u32 $0x1, s4;
	s6 =	sshll.u32 s5, $0x8  }
0x7: {  	[smem:$0x7FF] =	sst s8;
	s23 =	sadd.s32 $0x4C00, s3;
	s24 =	sadd.s32 $0xC00, s3  }
0x8: {  	s25 =	smul.u32 $0x1900, s5;
	s9 =	sadd.s32 $0x2C00, s3;
	s3 =	sadd.s32 $0x1DC00, s3  }
0x9: {  	s12 =	smul.u32 $0x640000, s5;
	p0 =	sne.s32 s5, $0x0;
	s7 =	sshll.u32 s4, $0x7  }
0xa: {  	_ =	strace $0x80000047;
	[dreg:$0x5] =	wrdreg s24;
	s10 =	smul.u32 $0xC80, s4  }
0xb: {  	[dreg:$0x6] =	wrdreg s9;
	s26 =	ssub.s32 $0x2, s4;
	s30 =	smul.u32 $0x320000, s4  }
0xc: {  	s4 =	smul.u32 $0x64000, s4;
	s6 =	sor.u32 s7, s6;
	s11 =	sshrl.u32 s26, $0x1  }
0xd: {  	s6 =	smul.u32 $0x19, s6;
	s9 =	ssub.s32 s26, s11;
	s13 =	sadd.s32 s30, s12  }
0xe: {  	s31 =	smax.u32 s9, $0x1;
	s9 =	sadd.s32 s25, s23;
	s15 =	sadd.s32 $0x2BC00, s13  }
0xf: {  	s17 =	sadd.s32 $0x25800, s13;
	s19 =	sor.u32 $0x1F400, s13;
	s21 =	sor.u32 $0x19000, s13  }
0x10: {  	s30 =	sor.u32 $0x6400, s13;
	s28 =	sadd.s32 s0, s6;
	s6 =	sadd.s32 s23, s6  }
0x11: {  	[dreg:$0x9] =	wrdreg s31;
	s0 =	sadd.s32 s25, s0;
	s14 =	sadd.s32 s10, s9  }
0x12: {  	s16 =	sshrl.u32 s15, $0x3;
	s18 =	sshrl.u32 s17, $0x3;
	s20 =	sshrl.u32 s19, $0x3  }
0x13: {  	s22 =	sshrl.u32 s21, $0x3;
	s23 =	sor.u32 $0x12C00, s13;
	s25 =	sor.u32 $0xC800, s13  }
0x14: {  	s21 =	simm.s32 $0x80;
	[dreg:$0x7] =	wrdreg s28;
	s0 =	sadd.s32 s10, s0  }
0x15: {  	s17 =	simm.s32 $0x10100;
	[dreg:$0x8] =	wrdreg s6;
	s0 =	sadd.s32 $0xC8, s0  }
0x16: {  	s24 =	sshrl.u32 s23, $0x3;
	[dreg:$0xa] =	wrdreg s0;
	s0 =	sadd.s32 $0xC8, s14  }
0x17: {  	s26 =	sshrl.u32 s25, $0x3;
	[dreg:$0xb] =	wrdreg s0;
	s0 =	sadd.s32 s16, s3  }
0x18: {  	s28 =	smul.u32 $0xC8000, s5;
	[dreg:$0xc] =	wrdreg s0;
	s0 =	sadd.s32 s18, s3  }
0x19: {  	s23 =	simm.s32 $0x48;
	[dreg:$0xd] =	wrdreg s0;
	s0 =	sadd.s32 s20, s3  }
0x1a: {  	s6 =	sadd.s32 s28, s3;
	[dreg:$0xe] =	wrdreg s0;
	s0 =	sadd.s32 s22, s3  }
0x1b: {  	s31 =	sadd.s32 s4, s6;
	[dreg:$0xf] =	wrdreg s0;
	s0 =	sadd.s32 s24, s3  }
.Ltmp0:
0x1c: {  	[dreg:$0x10] =	wrdreg s0;
	s0 =	sadd.s32 s26, s3;
	(pc) =	sbr.rel .LBB2_1-.Ltmp0, $4  }
0x1d: {  	s4 =	simm.s32 $0x0;
	[dreg:$0x11] =	wrdreg s0;
	s0 =	sshrl.u32 s30, $0x3  }
0x1e: {  	[dreg:$0x13] =	wrdreg s31;
	s18 =	simm.s32 $0x13300;
	s0 =	sadd.s32 s0, s3  }
0x1f: {  	s20 =	simm.s32 $0x9D00;
	[dreg:$0x12] =	wrdreg s0;
	s0 =	sshrl.u32 @!p0 s1, $0x3  }
0x20: {  	s24 =	simm.s32 $0x3900;
	s26 =	simm.s32 $0x16500;
	[dreg:$0x14] =	wrdreg s0  }
.LBB2_6:
0x21: {  	s0 =	simm.s32 $0x13  }
0x22: {  	_ =	swait.ge [sflag:s0], $0x3200  }
0x23: {  	[sflag:s0] =	ssyncset.done $0x0  }
0x24: {  	s16 =	simm.s32 $0x14;
	[sflag:s0] =	ssyncadd.s32 $0xFFFFCE00  }
0x25: {  	_ =	swait.ge [sflag:s16], $0x3200  }
0x26: {  	[sflag:s16] =	ssyncset.done $0x0  }
0x27: {  	s19 =	simm.s32 $0x15;
	[sflag:s16] =	ssyncadd.s32 $0xFFFFCE00  }
0x28: {  	_ =	swait.ge [sflag:s19], $0x3200  }
0x29: {  	[sflag:s19] =	ssyncset.done $0x0  }
0x2a: {  	s22 =	simm.s32 $0x16;
	[sflag:s19] =	ssyncadd.s32 $0xFFFFCE00  }
0x2b: {  	_ =	swait.ge [sflag:s22], $0x3200  }
0x2c: {  	[sflag:s22] =	ssyncset.done $0x0  }
0x2d: {  	s25 =	simm.s32 $0x17;
	[sflag:s22] =	ssyncadd.s32 $0xFFFFCE00  }
0x2e: {  	_ =	swait.ge [sflag:s25], $0x3200  }
0x2f: {  	[sflag:s25] =	ssyncset.done $0x0  }
0x30: {  	s28 =	simm.s32 $0x18;
	[sflag:s25] =	ssyncadd.s32 $0xFFFFCE00  }
0x31: {  	_ =	swait.ge [sflag:s28], $0x3200  }
0x32: {  	[sflag:s28] =	ssyncset.done $0x0  }
0x33: {  	s30 =	simm.s32 $0x19;
	[sflag:s28] =	ssyncadd.s32 $0xFFFFCE00  }
0x34: {  	_ =	swait.ge [sflag:s30], $0x3200  }
0x35: {  	[sflag:s30] =	ssyncset.done $0x0  }
0x36: {  	s3 =	simm.s32 $0x1A;
	[sflag:s30] =	ssyncadd.s32 $0xFFFFCE00  }
0x37: {  	_ =	swait.ge [sflag:s3], $0x3200  }
0x38: {  	s4 =	rddreg [dreg:$0x15]  }
0x39: {  	s31 =	rddreg [dreg:$0x9];
	s4 =	sadd.s32 $0x1, s4  }
0x3a: {  	p1 =	sne.s32 s4, s31  }
.Ltmp1:
0x3b: {  	_ = 	snop;
	(pc) =	sbr.rel @!p1 .LBB2_7-.Ltmp1, $3  }
0x3c: {  	_ =	sdelay $0x1  }
0x3d: {  	[sflag:s3] =	ssyncset.done $0x0  }
0x3e: {  	[sflag:s3] =	ssyncadd.s32 $0xFFFFCE00  }
.LBB2_1:
0x3f: {  	[dreg:$0x15] =	wrdreg s4  }
0x40: {  	s3 =	rddreg [dreg:$0x5]  }
0x41: {  	s0 =	simm.s32 @!p0 $0x1C1B;
	s5 =	rddreg [dreg:$0x14]  }
0x42: {  	[spmem:s5], [sflag:s0] =	dma.local @!p0 [hbm:s3], $0x2000  }
0x43: {  	s3 =	simm.s32 @!p0 $0x1B  }
0x44: {  	_ =	swait.ge @!p0 [sflag:s3], $0x2000  }
0x45: {  	[sflag:s3] =	ssyncset.done @!p0 $0x0  }
0x46: {  	s5 =	sshrl.u32 @!p0 s2, $0x3;
	s6 =	rddreg [dreg:$0x6];
	[sflag:s3] =	ssyncadd.s32 @!p0 $0xFFFFE000  }
0x47: {  	[spmem:s5], [sflag:s0] =	dma.local @!p0 [hbm:s6], $0x2000  }
0x48: {  	_ =	swait.ge @!p0 [sflag:s3], $0x2000  }
0x49: {  	[sflag:s3] =	ssyncset.done @!p0 $0x0  }
0x4a: {  	s25 =	simm.s32 $0x0;
	s28 =	rddreg [dreg:$0x7];
	[sflag:s3] =	ssyncadd.s32 @!p0 $0xFFFFE000  }
0x4b: {  	[tilespmem:s25], [sflag:$0x1] =	stream.linear.gather [hbm4b:s28+s25], $0x640, $0x38;
	[tilespmem:$0x1C900] =	vst v63  }
.Ltmp2:
0x4c: {  	s31 =	simm.s32 $0xC80;
	s30 =	rddreg [dreg:$0x8];
	(pc) =	sbr.rel .LBB2_2-.Ltmp2, $4  }
0x4d: {  	[tilespmem:s31], [sflag:$0x1] =	stream.linear.gather [hbm4b:s30+s25], $0x640, $0x38;
	[tilespmem:$0x1C900] =	vst v63  }
0x4e: {  	[bflag:$0x0] =	sbarrier.arrive $0xFFFF  }
0x4f: {  	s6 =	rddreg [dreg:$0xb]  }
0x50: {  	s8 =	simm.s32 $0x1;
	s25 =	simm.s32 $0x0;
	s22 =	rddreg [dreg:$0xa]  }
.LBB2_4:
0x51: {  	s3 =	simm.s32 $0x13  }
0x52: {  	_ =	swait.ge [sflag:s3], $0x3200  }
0x53: {  	[sflag:s3] =	ssyncset.done $0x0  }
0x54: {  	p1 =	por $0x0, $0x0;
	[sflag:s3] =	ssyncadd.s32 $0xFFFFCE00  }
.LBB2_5:
0x55: {  	s28 =	smul.u32 $0x640, s0  }
0x56: {  	s16 =	simm.s32 $0x1900  }
0x57: {  	[tilespmem:s16], [sflag:$0x3] =	stream.indirect.gather [spmem:s1], $0x40, s28, s21, $0xb8;
	[tilespmem:$0x1C900] =	vst v63  }
0x58: {  	s0 =	simm.s32 @!p1 $0x14;
	s15 =	sadd.s32 $0x80, s28  }
0x59: {  	[tilespmem:s24], [sflag:$0x3] =	stream.indirect.gather [spmem:s1], $0x40, s15, s23, $0xb8;
	[tilespmem:$0x1C900] =	vst v63  }
0x5a: {  	_ =	swait.ge @!p1 [sflag:s0], $0x3200  }
0x5b: {  	[sflag:s0] =	ssyncset.done @!p1 $0x0  }
0x5c: {  	s19 =	simm.s32 $0x4B00;
	s13 =	sadd.s32 $0xC8, s28;
	[sflag:s0] =	ssyncadd.s32 @!p1 $0xFFFFCE00  }
0x5d: {  	[tilespmem:s19], [sflag:$0x4] =	stream.indirect.gather [spmem:s1], $0x40, s13, s21, $0xb8;
	[tilespmem:$0x1C900] =	vst v63  }
0x5e: {  	s14 =	sadd.s32 $0x148, s28;
	s0 =	simm.s32 @!p1 $0x15  }
0x5f: {  	[tilespmem:s29], [sflag:$0x4] =	stream.indirect.gather [spmem:s1], $0x40, s14, s23, $0xb8;
	[tilespmem:$0x1C900] =	vst v63  }
0x60: {  	_ =	swait.ge @!p1 [sflag:s0], $0x3200  }
0x61: {  	[sflag:s0] =	ssyncset.done @!p1 $0x0  }
0x62: {  	s30 =	simm.s32 $0x7D00;
	s11 =	sadd.s32 $0x190, s28;
	[sflag:s0] =	ssyncadd.s32 @!p1 $0xFFFFCE00  }
0x63: {  	[tilespmem:s30], [sflag:$0x5] =	stream.indirect.gather [spmem:s1], $0x40, s11, s21, $0xb8;
	[tilespmem:$0x1C900] =	vst v63  }
0x64: {  	s12 =	sadd.s32 $0x210, s28;
	s0 =	simm.s32 @!p1 $0x16  }
0x65: {  	[tilespmem:s20], [sflag:$0x5] =	stream.indirect.gather [spmem:s1], $0x40, s12, s23, $0xb8;
	[tilespmem:$0x1C900] =	vst v63  }
0x66: {  	_ =	swait.ge @!p1 [sflag:s0], $0x3200  }
0x67: {  	[sflag:s0] =	ssyncset.done @!p1 $0x0  }
0x68: {  	s31 =	simm.s32 $0xAF00;
	s10 =	sadd.s32 $0x258, s28;
	[sflag:s0] =	ssyncadd.s32 @!p1 $0xFFFFCE00  }
0x69: {  	[tilespmem:s31], [sflag:$0x6] =	stream.indirect.gather [spmem:s1], $0x40, s10, s21, $0xb8;
	[tilespmem:$0x1C900] =	vst v63  }
0x6a: {  	s4 =	simm.s32 $0xCF00;
	s19 =	sadd.s32 $0x2D8, s28;
	s0 =	simm.s32 @!p1 $0x17  }
0x6b: {  	[tilespmem:s4], [sflag:$0x6] =	stream.indirect.gather [spmem:s1], $0x40, s19, s23, $0xb8;
	[tilespmem:$0x1C900] =	vst v63  }
0x6c: {  	_ =	swait.ge @!p1 [sflag:s0], $0x3200  }
0x6d: {  	[sflag:s0] =	ssyncset.done @!p1 $0x0  }
0x6e: {  	s3 =	simm.s32 $0xE100;
	s7 =	sadd.s32 $0x320, s28;
	[sflag:s0] =	ssyncadd.s32 @!p1 $0xFFFFCE00  }
0x6f: {  	[tilespmem:s3], [sflag:$0x7] =	stream.indirect.gather [spmem:s1], $0x40, s7, s21, $0xb8;
	[tilespmem:$0x1C900] =	vst v63  }
0x70: {  	s9 =	sadd.s32 $0x3A0, s28;
	s0 =	simm.s32 @!p1 $0x18  }
0x71: {  	[tilespmem:s17], [sflag:$0x7] =	stream.indirect.gather [spmem:s1], $0x40, s9, s23, $0xb8;
	[tilespmem:$0x1C900] =	vst v63  }
0x72: {  	_ =	swait.ge @!p1 [sflag:s0], $0x3200  }
0x73: {  	[sflag:s0] =	ssyncset.done @!p1 $0x0  }
0x74: {  	s5 =	simm.s32 $0x11300;
	s3 =	sadd.s32 $0x3E8, s28;
	[sflag:s0] =	ssyncadd.s32 @!p1 $0xFFFFCE00  }
0x75: {  	[tilespmem:s5], [sflag:$0x8] =	stream.indirect.gather [spmem:s1], $0x40, s3, s21, $0xb8;
	[tilespmem:$0x1C900] =	vst v63  }
0x76: {  	s0 =	simm.s32 @!p1 $0x19;
	s5 =	sadd.s32 $0x468, s28  }
0x77: {  	[tilespmem:s18], [sflag:$0x8] =	stream.indirect.gather [spmem:s1], $0x40, s5, s23, $0xb8;
	[tilespmem:$0x1C900] =	vst v63  }
0x78: {  	_ =	swait.ge @!p1 [sflag:s0], $0x3200  }
0x79: {  	[sflag:s0] =	ssyncset.done @!p1 $0x0  }
0x7a: {  	s16 =	simm.s32 $0x14500;
	s30 =	sadd.s32 $0x4B0, s28;
	[sflag:s0] =	ssyncadd.s32 @!p1 $0xFFFFCE00  }
0x7b: {  	[tilespmem:s16], [sflag:$0x9] =	stream.indirect.gather [spmem:s1], $0x40, s30, s21, $0xb8;
	[tilespmem:$0x1C900] =	vst v63  }
0x7c: {  	s0 =	sadd.s32 $0x530, s28;
	s16 =	simm.s32 @!p1 $0x1A  }
0x7d: {  	[tilespmem:s26], [sflag:$0x9] =	stream.indirect.gather [spmem:s1], $0x40, s0, s23, $0xb8;
	[tilespmem:$0x1C900] =	vst v63  }
0x7e: {  	_ =	swait.ge @!p1 [sflag:s16], $0x3200  }
0x7f: {  	[sflag:s16] =	ssyncset.done @!p1 $0x0  }
0x80: {  	s31 =	simm.s32 $0x17700;
	[sflag:s16] =	ssyncadd.s32 @!p1 $0xFFFFCE00;
	s16 =	sadd.s32 $0x578, s28  }
0x81: {  	[tilespmem:s31], [sflag:$0xA] =	stream.indirect.gather [spmem:s1], $0x40, s16, s21, $0xb8;
	[tilespmem:$0x1C900] =	vst v63  }
0x82: {  	s16 =	sadd.s32 $0x5F8, s28;
	s31 =	simm.s32 $0x19700  }
0x83: {  	[tilespmem:s31], [sflag:$0xA] =	stream.indirect.gather [spmem:s1], $0x40, s16, s23, $0xb8;
	[tilespmem:$0x1C900] =	vst v63  }
0x84: {  	s31 =	simm.s32 $0x3  }
0x85: {  	_ =	swait.ge [sflag:s31], $0x2000  }
0x86: {  	[sflag:s31] =	ssyncset.done $0x0  }
0x87: {  	[sflag:s31] =	ssyncadd.s32 $0xFFFFE000  }
0x88: {  	_ =	swait.ge [sflag:s31], $0x1200  }
0x89: {  	[sflag:s31] =	ssyncset.done $0x0  }
0x8a: {  	s16 =	sadd.s32 $0xC80, s28;
	[sflag:s31] =	ssyncadd.s32 $0xFFFFEE00;
	s31 =	simm.s32 $0x1900  }
0x8b: {  	[tilespmem:s31], [sflag:$0xB] =	stream.indirect.gather.add.f32 [spmem:s2], $0x40, s16, s21, $0xb8;
	[tilespmem:$0x1C900] =	vst v63  }
0x8c: {  	s15 =	sadd.s32 $0xC80, s15;
	s31 =	simm.s32 $0x4  }
0x8d: {  	[tilespmem:s24], [sflag:$0xB] =	stream.indirect.gather.add.f32 [spmem:s2], $0x40, s15, s23, $0xb8;
	[tilespmem:$0x1C900] =	vst v63  }
0x8e: {  	_ =	swait.ge [sflag:s31], $0x2000  }
0x8f: {  	[sflag:s31] =	ssyncset.done $0x0  }
0x90: {  	[sflag:s31] =	ssyncadd.s32 $0xFFFFE000  }
0x91: {  	_ =	swait.ge [sflag:s31], $0x1200  }
0x92: {  	[sflag:s31] =	ssyncset.done $0x0  }
0x93: {  	s13 =	sadd.s32 $0xC80, s13;
	s15 =	simm.s32 $0x4B00;
	[sflag:s31] =	ssyncadd.s32 $0xFFFFEE00  }
0x94: {  	[tilespmem:s15], [sflag:$0xC] =	stream.indirect.gather.add.f32 [spmem:s2], $0x40, s13, s21, $0xb8;
	[tilespmem:$0x1C900] =	vst v63  }
0x95: {  	s14 =	sadd.s32 $0xC80, s14;
	s31 =	simm.s32 $0x5  }
0x96: {  	[tilespmem:s29], [sflag:$0xC] =	stream.indirect.gather.add.f32 [spmem:s2], $0x40, s14, s23, $0xb8;
	[tilespmem:$0x1C900] =	vst v63  }
0x97: {  	_ =	swait.ge [sflag:s31], $0x2000  }
0x98: {  	[sflag:s31] =	ssyncset.done $0x0  }
0x99: {  	[sflag:s31] =	ssyncadd.s32 $0xFFFFE000  }
0x9a: {  	_ =	swait.ge [sflag:s31], $0x1200  }
0x9b: {  	[sflag:s31] =	ssyncset.done $0x0  }
0x9c: {  	s11 =	sadd.s32 $0xC80, s11;
	s13 =	simm.s32 $0x7D00;
	[sflag:s31] =	ssyncadd.s32 $0xFFFFEE00  }
0x9d: {  	[tilespmem:s13], [sflag:$0xD] =	stream.indirect.gather.add.f32 [spmem:s2], $0x40, s11, s21, $0xb8;
	[tilespmem:$0x1C900] =	vst v63  }
0x9e: {  	s12 =	sadd.s32 $0xC80, s12;
	s14 =	simm.s32 $0x6  }
0x9f: {  	[tilespmem:s20], [sflag:$0xD] =	stream.indirect.gather.add.f32 [spmem:s2], $0x40, s12, s23, $0xb8;
	[tilespmem:$0x1C900] =	vst v63  }
0xa0: {  	_ =	swait.ge [sflag:s14], $0x2000  }
0xa1: {  	[sflag:s14] =	ssyncset.done $0x0  }
0xa2: {  	[sflag:s14] =	ssyncadd.s32 $0xFFFFE000  }
0xa3: {  	_ =	swait.ge [sflag:s14], $0x1200  }
0xa4: {  	[sflag:s14] =	ssyncset.done $0x0  }
0xa5: {  	s10 =	sadd.s32 $0xC80, s10;
	s11 =	simm.s32 $0xAF00;
	[sflag:s14] =	ssyncadd.s32 $0xFFFFEE00  }
0xa6: {  	[tilespmem:s11], [sflag:$0xE] =	stream.indirect.gather.add.f32 [spmem:s2], $0x40, s10, s21, $0xb8;
	[tilespmem:$0x1C900] =	vst v63  }
0xa7: {  	s19 =	sadd.s32 $0xC80, s19;
	s31 =	simm.s32 $0x7  }
0xa8: {  	[tilespmem:s4], [sflag:$0xE] =	stream.indirect.gather.add.f32 [spmem:s2], $0x40, s19, s23, $0xb8;
	[tilespmem:$0x1C900] =	vst v63  }
0xa9: {  	_ =	swait.ge [sflag:s31], $0x2000  }
0xaa: {  	[sflag:s31] =	ssyncset.done $0x0  }
0xab: {  	[sflag:s31] =	ssyncadd.s32 $0xFFFFE000  }
0xac: {  	_ =	swait.ge [sflag:s31], $0x1200  }
0xad: {  	[sflag:s31] =	ssyncset.done $0x0  }
0xae: {  	s7 =	sadd.s32 $0xC80, s7;
	s10 =	simm.s32 $0xE100;
	[sflag:s31] =	ssyncadd.s32 $0xFFFFEE00  }
0xaf: {  	[tilespmem:s10], [sflag:$0xF] =	stream.indirect.gather.add.f32 [spmem:s2], $0x40, s7, s21, $0xb8;
	[tilespmem:$0x1C900] =	vst v63  }
0xb0: {  	s4 =	sadd.s32 $0xC80, s9;
	s9 =	simm.s32 $0x8  }
0xb1: {  	[tilespmem:s17], [sflag:$0xF] =	stream.indirect.gather.add.f32 [spmem:s2], $0x40, s4, s23, $0xb8;
	[tilespmem:$0x1C900] =	vst v63  }
0xb2: {  	_ =	swait.ge [sflag:s9], $0x2000  }
0xb3: {  	[sflag:s9] =	ssyncset.done $0x0  }
0xb4: {  	[sflag:s9] =	ssyncadd.s32 $0xFFFFE000  }
0xb5: {  	_ =	swait.ge [sflag:s9], $0x1200  }
0xb6: {  	[sflag:s9] =	ssyncset.done $0x0  }
0xb7: {  	s3 =	sadd.s32 $0xC80, s3;
	s4 =	simm.s32 $0x11300;
	[sflag:s9] =	ssyncadd.s32 $0xFFFFEE00  }
0xb8: {  	[tilespmem:s4], [sflag:$0x10] =	stream.indirect.gather.add.f32 [spmem:s2], $0x40, s3, s21, $0xb8;
	[tilespmem:$0x1C900] =	vst v63  }
0xb9: {  	s12 =	sadd.s32 $0xC80, s5;
	s14 =	simm.s32 $0x9  }
0xba: {  	[tilespmem:s18], [sflag:$0x10] =	stream.indirect.gather.add.f32 [spmem:s2], $0x40, s12, s23, $0xb8;
	[tilespmem:$0x1C900] =	vst v63  }
0xbb: {  	_ =	swait.ge [sflag:s14], $0x2000  }
0xbc: {  	[sflag:s14] =	ssyncset.done $0x0  }
0xbd: {  	[sflag:s14] =	ssyncadd.s32 $0xFFFFE000  }
0xbe: {  	_ =	swait.ge [sflag:s14], $0x1200  }
0xbf: {  	[sflag:s14] =	ssyncset.done $0x0  }
0xc0: {  	s5 =	simm.s32 $0x14500;
	s19 =	sadd.s32 $0xC80, s30;
	[sflag:s14] =	ssyncadd.s32 $0xFFFFEE00  }
0xc1: {  	[tilespmem:s5], [sflag:$0x11] =	stream.indirect.gather.add.f32 [spmem:s2], $0x40, s19, s21, $0xb8;
	[tilespmem:$0x1C900] =	vst v63  }
0xc2: {  	s0 =	sadd.s32 $0xC80, s0;
	s30 =	simm.s32 $0xA  }
0xc3: {  	[tilespmem:s26], [sflag:$0x11] =	stream.indirect.gather.add.f32 [spmem:s2], $0x40, s0, s23, $0xb8;
	[tilespmem:$0x1C900] =	vst v63  }
0xc4: {  	_ =	swait.ge [sflag:s30], $0x2000  }
0xc5: {  	[sflag:s30] =	ssyncset.done $0x0  }
0xc6: {  	[sflag:s30] =	ssyncadd.s32 $0xFFFFE000  }
0xc7: {  	_ =	swait.ge [sflag:s30], $0x1200  }
0xc8: {  	[sflag:s30] =	ssyncset.done $0x0  }
0xc9: {  	s31 =	sadd.s32 $0x11F8, s28;
	s7 =	simm.s32 $0x17700;
	[sflag:s30] =	ssyncadd.s32 $0xFFFFEE00  }
0xca: {  	[tilespmem:s7], [sflag:$0x12] =	stream.indirect.gather.add.f32 [spmem:s2], $0x40, s31, s21, $0xb8;
	[tilespmem:$0x1C900] =	vst v63  }
0xcb: {  	s9 =	simm.s32 $0x19700;
	s3 =	sadd.s32 $0x1278, s28;
	s12 =	simm.s32 $0xB  }
0xcc: {  	[tilespmem:s9], [sflag:$0x12] =	stream.indirect.gather.add.f32 [spmem:s2], $0x40, s3, s23, $0xb8;
	[tilespmem:$0x1C900] =	vst v63  }
0xcd: {  	_ =	swait.ge [sflag:s12], $0x2000  }
0xce: {  	[sflag:s12] =	ssyncset.done $0x0  }
0xcf: {  	[sflag:s12] =	ssyncadd.s32 $0xFFFFE000  }
0xd0: {  	s16 =	simm.s32 $0x1900;
	_ =	swait.ge [sflag:s12], $0x1200  }
0xd1: {  	s19 =	simm.s32 $0xC;
	[sflag:s12] =	ssyncset.done $0x0;
	s14 =	rddreg [dreg:$0x13]  }
0xd2: {  	s3 =	simm.s32 $0x40;
	[sflag:s12] =	ssyncadd.s32 $0xFFFFEE00;
	s0 =	sadd.s32 s25, s14  }
0xd3: {  	[hbm4b:s0+s3] =	stream.strided.scatter [tilespmem:s16], [sflag:$0x13], $0x3200, s21, s3, $0x38;
	[tilespmem:$0x1C900] =	vst v63  }
0xd4: {  	_ =	swait.ge [sflag:s19], $0x2000  }
0xd5: {  	[sflag:s19] =	ssyncset.done $0x0  }
0xd6: {  	[sflag:s19] =	ssyncadd.s32 $0xFFFFE000  }
0xd7: {  	_ =	swait.ge [sflag:s19], $0x1200  }
0xd8: {  	[sflag:s19] =	ssyncset.done $0x0;
	s28 =	rddreg [dreg:$0x12]  }
0xd9: {  	s30 =	simm.s32 $0xD;
	[sflag:s19] =	ssyncadd.s32 $0xFFFFEE00;
	s0 =	sadd.s32 s25, s28  }
0xda: {  	[hbm4b:s0+s3] =	stream.strided.scatter [tilespmem:s15], [sflag:$0x14], $0x3200, s21, s3, $0x38;
	[tilespmem:$0x1C900] =	vst v63  }
0xdb: {  	_ =	swait.ge [sflag:s30], $0x2000  }
0xdc: {  	[sflag:s30] =	ssyncset.done $0x0  }
0xdd: {  	[sflag:s30] =	ssyncadd.s32 $0xFFFFE000  }
0xde: {  	_ =	swait.ge [sflag:s30], $0x1200  }
0xdf: {  	[sflag:s30] =	ssyncset.done $0x0;
	s31 =	rddreg [dreg:$0x11]  }
0xe0: {  	s9 =	simm.s32 $0xE;
	[sflag:s30] =	ssyncadd.s32 $0xFFFFEE00;
	s0 =	sadd.s32 s25, s31  }
0xe1: {  	[hbm4b:s0+s3] =	stream.strided.scatter [tilespmem:s13], [sflag:$0x15], $0x3200, s21, s3, $0x38;
	[tilespmem:$0x1C900] =	vst v63  }
0xe2: {  	_ =	swait.ge [sflag:s9], $0x2000  }
0xe3: {  	[sflag:s9] =	ssyncset.done $0x0  }
0xe4: {  	[sflag:s9] =	ssyncadd.s32 $0xFFFFE000  }
0xe5: {  	_ =	swait.ge [sflag:s9], $0x1200  }
0xe6: {  	[sflag:s9] =	ssyncset.done $0x0;
	s12 =	rddreg [dreg:$0x10]  }
0xe7: {  	s13 =	simm.s32 $0xF;
	[sflag:s9] =	ssyncadd.s32 $0xFFFFEE00;
	s0 =	sadd.s32 s25, s12  }
0xe8: {  	[hbm4b:s0+s3] =	stream.strided.scatter [tilespmem:s11], [sflag:$0x16], $0x3200, s21, s3, $0x38;
	[tilespmem:$0x1C900] =	vst v63  }
0xe9: {  	_ =	swait.ge [sflag:s13], $0x2000  }
0xea: {  	[sflag:s13] =	ssyncset.done $0x0  }
0xeb: {  	[sflag:s13] =	ssyncadd.s32 $0xFFFFE000  }
0xec: {  	_ =	swait.ge [sflag:s13], $0x1200  }
0xed: {  	[sflag:s13] =	ssyncset.done $0x0;
	s14 =	rddreg [dreg:$0xf]  }
0xee: {  	s15 =	simm.s32 $0x10;
	[sflag:s13] =	ssyncadd.s32 $0xFFFFEE00;
	s0 =	sadd.s32 s25, s14  }
0xef: {  	[hbm4b:s0+s3] =	stream.strided.scatter [tilespmem:s10], [sflag:$0x17], $0x3200, s21, s3, $0x38;
	[tilespmem:$0x1C900] =	vst v63  }
0xf0: {  	_ =	swait.ge [sflag:s15], $0x2000  }
0xf1: {  	[sflag:s15] =	ssyncset.done $0x0  }
0xf2: {  	[sflag:s15] =	ssyncadd.s32 $0xFFFFE000  }
0xf3: {  	_ =	swait.ge [sflag:s15], $0x1200  }
0xf4: {  	[sflag:s15] =	ssyncset.done $0x0;
	s16 =	rddreg [dreg:$0xe]  }
0xf5: {  	s19 =	simm.s32 $0x11;
	[sflag:s15] =	ssyncadd.s32 $0xFFFFEE00;
	s0 =	sadd.s32 s25, s16  }
0xf6: {  	[hbm4b:s0+s3] =	stream.strided.scatter [tilespmem:s4], [sflag:$0x18], $0x3200, s21, s3, $0x38;
	[tilespmem:$0x1C900] =	vst v63  }
0xf7: {  	_ =	swait.ge [sflag:s19], $0x2000  }
0xf8: {  	[sflag:s19] =	ssyncset.done $0x0  }
0xf9: {  	[sflag:s19] =	ssyncadd.s32 $0xFFFFE000  }
0xfa: {  	_ =	swait.ge [sflag:s19], $0x1200  }
0xfb: {  	[sflag:s19] =	ssyncset.done $0x0;
	s28 =	rddreg [dreg:$0xd]  }
0xfc: {  	s30 =	simm.s32 $0x12;
	[sflag:s19] =	ssyncadd.s32 $0xFFFFEE00;
	s0 =	sadd.s32 s25, s28  }
0xfd: {  	[hbm4b:s0+s3] =	stream.strided.scatter [tilespmem:s5], [sflag:$0x19], $0x3200, s21, s3, $0x38;
	[tilespmem:$0x1C900] =	vst v63  }
0xfe: {  	_ =	swait.ge [sflag:s30], $0x2000  }
0xff: {  	[sflag:s30] =	ssyncset.done $0x0  }
0x100: {  	[sflag:s30] =	ssyncadd.s32 $0xFFFFE000  }
0x101: {  	_ =	swait.ge [sflag:s30], $0x1200  }
0x102: {  	s31 =	rddreg [dreg:$0xc]  }
0x103: {  	s0 =	sadd.s32 s25, s31;
	s25 =	sadd.s32 $0x6400, s25  }
0x104: {  	p1 =	sne.s32 s25, $0x64000  }
.Ltmp3:
0x105: {  	_ = 	snop;
	(pc) =	sbr.rel @!p1 .LBB2_6-.Ltmp3, $4  }
0x106: {  	_ = 	snop  }
0x107: {  	s22 =	sadd.s32 $0xC8, s22;
	[sflag:s30] =	ssyncset.done $0x0  }
0x108: {  	s6 =	sadd.s32 $0xC8, s6;
	s8 =	sadd.s32 $0x1, s8;
	[sflag:s30] =	ssyncadd.s32 $0xFFFFEE00  }
0x109: {  	[hbm4b:s0+s3] =	stream.strided.scatter [tilespmem:s7], [sflag:$0x1A], $0x3200, s21, s3, $0x38;
	[tilespmem:$0x1C900] =	vst v63  }
.LBB2_2:
0x10a: {  	s0 =	sadd.s32 $0xFFFFFFFF, s8  }
0x10b: {  	s0 =	sand.u32 $0x1, s0  }
0x10c: {  	s3 =	sadd.s32 $0x1, s0  }
0x10d: {  	_ =	swait.ge [sflag:s3], $0x640  }
0x10e: {  	p1 =	seq.s32 s25, $0x5DC00;
	[sflag:s3] =	ssyncset.done $0x0  }
0x10f: {  	s5 =	sand.u32 @!p1 $0x1, s8;
	p2 =	seq.s32 @!p1 s25, $0x0;
	[sflag:s3] =	ssyncadd.s32 $0xFFFFF9C0  }
0x110: {  	s7 =	smul.u32 @!p1 $0x640, s5;
	p2 =	por p1, !p2;
	_ =	swait.ge [sflag:s3], $0x640  }
.Ltmp4:
0x111: {  	[sflag:s3] =	ssyncset.done $0x0;
	(pc) =	sbr.rel @p2 .LBB2_4-.Ltmp4, $4  }
0x112: {  	[sflag:s3] =	ssyncadd.s32 $0xFFFFF9C0;
	s3 =	sadd.s32 @!p1 $0x1, s5;
	s5 =	simm.s32 @!p1 $0x0  }
0x113: {  	[tilespmem:s7], [sflag:s3] =	stream.linear.gather @!p1 [hbm4b:s22+s5], $0x640, $0x38;
	[tilespmem:$0x1C900] =	vst v63  }
0x114: {  	s7 =	sadd.s32 @!p1 $0xC80, s7  }
0x115: {  	[tilespmem:s7], [sflag:s3] =	stream.linear.gather @!p1 [hbm4b:s6+s5], $0x640, $0x38;
	[tilespmem:$0x1C900] =	vst v63  }
.Ltmp5:
0x116: {  	(pc) =	sbr.rel .LBB2_5-.Ltmp5, $2  }
0x117: {  	_ =	sdelay $0x2  }
0x118: {  	p1 =	por @!p1 $0x1, $0x1  }
.LBB2_7:
0x119: {  	_ =	sfence.sel $0x180000  }
0x11a: {  	[bflag:$0x0] =	sbarrier.arrive $0xFFFF  }
0x11b: {  	_ =	strace $0x90000047  }
0x11c: {  	[bflag:$0x2] =	sbarrier.arrive $0xFFFF  }
0x11d: {  	s0 =	rddreg [dreg:$0x4]  }
0x11e: {  	s0 =	sadd.s32 @!p0 $0x100000, s0  }
0x11f: {  	[sflag:s0] =	ssyncadd.tile.s32 @!p0 $0x1;
	_ =	shalt  }
.Lfunc_end2:
_tile_overlayer_lowered:
.L_overlay_start_2:
0x120: {  	(tag) =	ssettag $0x2  }
0x121: {  	s0 =	rddreg [dreg:$0x0];
	s2 =	stileid.u32  }
0x122: {  	s1 =	rddreg [dreg:$0x1];
	p0 =	sne.s32 s2, $0x0  }
0x123: {  	s3 =	rddreg [dreg:$0x2];
	[bflag:$0x3] =	sbarrier.arrive $0xFFFF;
	s2 =	simm.s32 @!p0 $0x1C1B  }
0x124: {  	[timem:s3], [sflag:s2] =	dma.local @!p0 [hbm:s0], s1  }
0x125: {  	s0 =	simm.s32 @!p0 $0x1B  }
0x126: {  	_ =	swait.ge @!p0 [sflag:s0], s1  }
0x127: {  	s1 =	ssub.s32 @!p0 $0x0, s1;
	[sflag:s0] =	ssyncset.done @!p0 $0x0  }
0x128: {  	[sflag:s0] =	ssyncadd.s32 @!p0 s1  }
0x129: {  	[bflag:$0x3] =	sbarrier.arrive $0xFFFF  }
0x12a: {  	_ =	shalt  }

// kernel: sparse-core-data-format-call.cloned.1.call-start
scs
called_computation_lowered:
.L_overlay_start_0:
0x0: {  	s2 =	sld [smem:$0x3FD9]  }
0x1: {  	s3 =	sld [smem:$0x3FFE];
	_ =	sdelay $0x1  }
0x2: {  	s1 =	srdreg.scid  }
0x3: {  	s0 =	sand.u32 $0x1, s1  }
0x4: {  	s18 =	sshll.u32 s0, $0xA;
	s2 =	sadd.s32 s3, s2  }
0x5: {  	s2 =	sadd.s32 s2, s18  }
0x6: {  	[smem:$0x3FC4] =	sst s2  }
0x7: {  	_ = 	snop  }
0x8: {  	s2 =	sld [smem:$0x3FD0];
	(tm) =	ssettm $0x1  }
0x9: {  	s19 =	sld [smem:$0x3FFB];
	_ =	sdelay $0x3  }
0xa: {  	_ =	strace s19  }
0xb: {  	s3 =	sld [smem:$0x3FFC];
	_ =	sdelay $0x3  }
0xc: {  	_ =	strace s3  }
0xd: {  	s3 =	sld [smem:$0x3FFD];
	_ =	sdelay $0x3  }
0xe: {  	_ =	strace s3  }
0xf: {  	_ =	strace $0x8FFFFFFF  }
0x10: {  	s20 =	sld [smem:$0x3FDB];
	_ =	sdelay $0x1  }
0x11: {  	s4 =	simm.s32 $_scs_section_size  }
0x12: {  	s5 =	simm.s32 $_size__tile_overlayer_lowered;
	s6 =	simm.s32 $_tile_overlayer_lowered  }
0x13: {  	s23 =	simm.s32 $0x1BFF;
	s22 =	sshll.u32 s6, $0x1;
	s3 =	sadd.s32 s4, s20  }
0x14: {  	s7 =	simm.s32 $0x0;
	s21 =	sshll.u32 s5, $0x1;
	s5 =	sadd.s32 s22, s3  }
0x15: {  	[timem:s7], [sflag:s23] =	dma.local [hbm:s5], s21  }
0x16: {  	_ =	swait.ge [sflag:s23], s21  }
0x17: {  	s4 =	ssub.s32 $0x0, s21;
	[sflag:s23] =	ssyncset.done $0x0  }
0x18: {  	[sflag:s23] =	ssyncadd.s32 s4;
	_ =	sdelay $0x1  }
0x19: {  	s24 =	simm.s32 $0x1B8B  }
0x1a: {  	_ =	swait.ge [sflag:s24], $0x1  }
0x1b: {  	[sflag:s24] =	ssyncset.done $0x0  }
0x1c: {  	s26 =	simm.s32 $0x1B8E;
	s25 =	sld [smem:$0x3FFE];
	[sflag:s24] =	ssyncadd.s32 $0xFFFFFFFF  }
0x1d: {  	s27 =	simm.s32 $execute0_lowered;
	[smem:$0x3FD2] =	sst s26  }
0x1e: {  	s5 =	sshll.u32 s27, $0x1;
	_ =	strace $0x80000049;
	[dreg:$0x1] =	wrdreg $0xFFFFFFFF  }
0x1f: {  	s28 =	simm.s32 $_size_execute0_lowered;
	s3 =	sadd.s32 s3, s5;
	[dreg:$0x0] =	wrdreg $0x0  }
0x20: {  	s5 =	sshll.u32 s28, $0x1;
	[dreg:$0x2] =	wrdreg s3  }
0x21: {  	[dreg:$0x3] =	wrdreg s5  }
0x22: {  	[dreg:$0x4] =	wrdreg $0xC0  }
0x23: {  	_ =	task [dreg:s7], $0x5FFFF  }
0x24: {  	[dreg:$0x1] =	wrdreg $0xFFFFFFFF  }
0x25: {  	[dreg:$0x0] =	wrdreg $0x60  }
0x26: {  	[dreg:$0x2] =	wrdreg s25  }
0x27: {  	[dreg:$0x3] =	wrdreg s2  }
0x28: {  	[dreg:$0x4] =	wrdreg $0x9  }
0x29: {  	_ =	task.clear_ibuf [dreg:s7], $0x5FFFF;
	_ =	strace $0x90000049  }
0x2a: {  	s29 =	simm.s32 $0x9;
	_ =	strace $0x8000004B  }
0x2b: {  	_ =	swait.ge [sflag:s29], $0x1  }
0x2c: {  	[sflag:s29] =	ssyncadd.s32 $0xFFFFFFFF  }
0x2d: {  	_ =	strace $0x9000004B  }
0x2e: {  	_ =	sfence  }
0x2f: {  	s30 =	sld [smem:$0x0];
	_ =	sdelay $0x2  }
0x30: {  	s31 =	sshll.u32 s1, $0xD;
	s1 =	sshrl.u32 s1, $0x2  }
0x31: {  	s3 =	sand.u32 $0x4000, s31;
	s1 =	sadd.s32 s1, s30  }
0x32: {  	s0 =	sor.u32 s3, s0;
	s1 =	sshll.u32 s1, $0x11  }
0x33: {  	s0 =	sor.u32 s1, s0  }
0x34: {  	s0 =	sadd.s32 $0x8F2B, s0  }
0x35: {  	[sflag:s0] =	ssyncadd.remote.s32 $0x1  }
0x36: {  	_ =	sfence.sel $0xFFFF  }
0x37: {  	[dreg:$0x0] =	wrdreg $0xFFFFFFFF;
	(pc) =	sbr.abs _section_cstart, $3  }
0x38: {  	[dreg:$0x1] =	wrdreg $0xFFFFFFFF  }
0x39: {  	_ =	task.clear_ibuf [dreg:s7], $0x2FFFF;
	_ =	strace $0x9FFFFFFF  }
0x3a: {  	(tm) =	ssettm $0x7FFFFFFF  }
0x3b: {  	_ =	shalt  }
tec
execute0_lowered:
.L_overlay_start_1:
0x0: {  	(tag) =	ssettag $0x1  }
0x1: {  	s0 =	srdreg.scid  }
0x2: {  	s1 =	sshll.u32 s0, $0x4  }
0x3: {  	s0 =	stileid.u32;
	s1 =	sand.u32 $0x10, s1  }
0x4: {  	s1 =	sor.u32 s0, s1  }
0x5: {  	s6 =	rddreg [dreg:$0x0];
	s4 =	simm.s32 $0x1;
	s2 =	sshll.u32 s1, $0x7  }
0x6: {  	s7 =	simm.s32 $0x2;
	s12 =	simm.s32 $0x0;
	s1 =	ssub.s32 $0x1000, s2  }
0x7: {  	s8 =	simm.s32 $0x8000;
	s13 =	simm.s32 $0x0;
	s3 =	sand.u32 $0xF80, s1  }
0x8: {  	s9 =	simm.s32 $0x0;
	s5 =	sshrl.u32 s1, $0xC;
	p0 =	sne.s32 s3, $0x0  }
.Ltmp0:
0x9: {  	s1 =	rddreg [dreg:$0x2];
	s4 =	simm.s32 @!p0 $0x0;
	(pc) =	sbr.rel .LBB1_1-.Ltmp0, $4  }
0xa: {  	s11 =	simm.s32 $0x0;
	s3 =	rddreg [dreg:$0x1];
	s5 =	sadd.s32 s4, s5  }
0xb: {  	_ =	strace $0x8000004A;
	s4 =	simm.s32 $0x1;
	s5 =	smul.u32 $0xC8, s5  }
0xc: {  	s6 =	sadd.s32 $0x1DC00, s6;
	s10 =	smov.u32 s2;
	[sflag:s4] =	ssyncpa.u1 $0x0  }
0xd: {  	p0 =	por $0x0, $0x0;
	[sflag:s7] =	ssyncpa.u1 $0x0;
	s7 =	sor.u32 $0x1, s5  }
.LBB1_4:
0xe: {  	s16 =	sshll.u32 s13, $0x3;
	s17 =	sand.u32 $0x78, s13  }
0xf: {  	s30 =	sand.u32 $0x7E00, s13;
	s12 =	sshll.u32 s12, $0xF;
	s16 =	sand.u32 $0xC00, s16  }
0x10: {  	[tilespmem:s15+$0x810 ss:$0x81] =	vst.msk $0xffff, v2;
	s31 =	sand.u32 $0x7, s13;
	s16 =	sor.u32 s17, s16;
	s17 =	sadd.s32 s3, s30  }
0x11: {  	[tilespmem:s15+$0x1020 ss:$0x81] =	vst.msk $0xffff, v0;
	s13 =	sshll.u32 s31, $0x12;
	s12 =	sadd.s32 s12, s17;
	s16 =	sshrl.u32 s16, $0x3  }
0x12: {  	[tilespmem:s15+$0x0 ss:$0x81] =	vst.msk $0xffff, v1;
	s13 =	sor.u32 $0x400, s13;
	s12 =	sadd.s32 s16, s12  }
0x13: {  	[hbm4b:s12+s13] =	stream.strided.scatter [tilespmem:s14], [sflag:$0x2], $0x2000, s8, s13, $0x20;
	[tilespmem:$0x8080] =	vst v63  }
.LBB1_5:
0x14: {  	s14 =	sadd.s32 $0x1, s9  }
0x15: {  	s12 =	sadd.s32 $0x1000, s10;
	s16 =	smov.u32 s10;
	p2 =	sgt.s32 s14, $0xC7  }
0x16: {  	s16 =	smov.u32 @p2 s12  }
0x17: {  	s14 =	simm.s32 @p2 $0x0;
	p2 =	sgt.s32 s16, $0xFFF  }
0x18: {  	s16 =	smov.u32 @p2 s2;
	p2 =	sne.s32 s11, s7  }
.Ltmp1:
0x19: {  	p1 =	slt.u32 s11, $0x2;
	(pc) =	sbr.rel @!p2 .LBB1_6-.Ltmp1, $4  }
0x1a: {  	s15 =	simm.s32 @!p1 $0x2  }
0x1b: {  	s13 =	smov.u32 s10;
	p0 =	por !p0, !p0;
	_ =	swait.ge @!p1 [sflag:s15], $0x2000  }
0x1c: {  	s12 =	smov.u32 s9;
	[sflag:s15] =	ssyncset.done @!p1 $0x0;
	s9 =	smov.u32 s14  }
0x1d: {  	s11 =	sadd.s32 $0x1, s11;
	[sflag:s15] =	ssyncadd.s32 @!p1 $0xFFFFE000;
	s10 =	smov.u32 s16  }
.LBB1_1:
0x1e: {  	p1 =	sge.u32 s11, s5  }
0x1f: {  	s14 =	sand.u32 @!p1 $0x1FFFFFF, s9  }
0x20: {  	s15 =	smulhi.u32 @!p1 $0x147AE15, s14;
	_ =	sdelay $0x1  }
0x21: {  	s15 =	smul.u32 @!p1 $0xC8, s15  }
0x22: {  	s16 =	sxor.u32 @!p1 $0xFFFFFFFF, s11;
	s17 =	smul.u32 @!p1 $0xC80, s10  }
0x23: {  	s31 =	sadd.s32 $0xFFFFFFFF, s11;
	s16 =	sshll.u32 @!p1 s16, $0xD;
	s14 =	ssub.s32 @!p1 s14, s15  }
0x24: {  	s15 =	sand.u32 @!p1 $0x2000, s16;
	s16 =	sadd.s32 @!p1 s6, s17;
	s14 =	sshll.u32 @!p1 s14, $0x4  }
0x25: {  	s17 =	simm.s32 @!p1 $0x6400;
	s14 =	sadd.s32 @!p1 s14, s16;
	s16 =	simm.s32 @!p1 $0x40  }
0x26: {  	[tilespmem:s15], [sflag:$0x1] =	stream.strided.gather @!p1 [hbm4b:s14+s16], $0x2000, s17, s16, $0x38;
	[tilespmem:$0x8080] =	vst v63  }
0x27: {  	p1 =	sge.u32 s31, s5  }
.Ltmp2:
0x28: {  	_ = 	snop;
	(pc) =	sbr.rel @p1 .LBB1_5-.Ltmp2, $1  }
0x29: {  	_ =	sdelay $0x3  }
0x2a: {  	s14 =	simm.s32 $0x1  }
0x2b: {  	_ =	swait.ge [sflag:s4], $0x2000;
	s14 =	simm.s32 @!p0 $0x0  }
0x2c: {  	[sflag:s4] =	ssyncset.done $0x0;
	s15 =	sshll.u32 s14, $0xD  }
0x2d: {  	[sflag:s4] =	ssyncadd.s32 $0xFFFFE000;
	s18 =	sor.u32 $0x20, s15  }
0x2e: {  	s14 =	smul.u32 $0x8100, s14;
	v3 =	vld [tilespmem:s18+$0x10]  }
0x2f: {  	s30 =	sand.u32 $0x1, s11;
	v2 =	vld [tilespmem:s18+$0xFFFFFFF0]  }
0x30: {  	s15 =	smul.u32 $0x8100, s30;
	s14 =	sshrl.u32 s14, $0x2;
	v0 =	vld [tilespmem:s18+$0x0]  }
0x31: {  	v1 =	vld [tilespmem:s18+$0xFFFFFFE0];
	s16 =	sor.u32 $0x4000, s14  }
0x32: {  	s31 =	sshrl.u32 s15, $0x2;
	s15 =	sadd.s32 $0x0, s16  }
0x33: {  	s17 =	simm.s32 $0x4;
	s18 =	sadd.s32 $0x40, s18;
	s14 =	sor.u32 $0x4000, s31;
	[tilespmem:s15+$0x1830 ss:$0x81] =	vst.msk $0xffff, v3  }
.LBB1_3:
0x34: {  	v3 =	vld [tilespmem:s18+$0x10];
	p1 =	sne.s32 s17, $0x1FC;
	[tilespmem:s15+$0x810 ss:$0x81] =	vst.msk $0xffff, v2;
	s19 =	smov.u32 s17;
	s17 =	sadd.s32 $0x4, s17  }
.Ltmp3:
0x35: {  	v2 =	vld [tilespmem:s18+$0xFFFFFFF0];
	[tilespmem:s15+$0x1020 ss:$0x81] =	vst.msk $0xffff, v0;
	(pc) =	sbr.rel @p1 .LBB1_3-.Ltmp3, $4  }
0x36: {  	v0 =	vld [tilespmem:s18+$0x0];
	[tilespmem:s15+$0x0 ss:$0x81] =	vst.msk $0xffff, v1  }
0x37: {  	s15 =	sshra.s32 s19, $0x2;
	v1 =	vld [tilespmem:s18+$0xFFFFFFE0]  }
0x38: {  	s15 =	sadd.s32 s15, s16  }
0x39: {  	s18 =	sadd.s32 $0x40, s18;
	[tilespmem:s15+$0x1830 ss:$0x81] =	vst.msk $0xffff, v3  }
.Ltmp4:
0x3a: {  	_ = 	snop;
	(pc) =	sbr.rel .LBB1_4-.Ltmp4, $1  }
0x3b: {  	_ =	sdelay $0x3  }
.LBB1_6:
0x3c: {  	_ =	sfence.sel $0x180000  }
0x3d: {  	s2 =	simm.s32 $0x1;
	[bflag:$0x0] =	sbarrier.arrive $0xFFFF  }
0x3e: {  	s31 =	simm.s32 $0x2;
	[sflag:s2] =	ssyncpa.u1 $0x1  }
0x3f: {  	[sflag:s31] =	ssyncpa.u1 $0x1  }
0x40: {  	p0 =	sne.s32 s0, $0x0;
	_ =	strace $0x9000004A  }
0x41: {  	s0 =	sadd.s32 @!p0 $0x100000, s1;
	[bflag:$0x2] =	sbarrier.arrive $0xFFFF  }
0x42: {  	[sflag:s0] =	ssyncadd.tile.s32 @!p0 $0x1;
	_ =	shalt  }
.Lfunc_end1:
_tile_overlayer_lowered:
.L_overlay_start_2:
0x43: {  	(tag) =	ssettag $0x2  }
0x44: {  	s0 =	rddreg [dreg:$0x0];
	s2 =	stileid.u32  }
0x45: {  	s1 =	rddreg [dreg:$0x1];
	p0 =	sne.s32 s2, $0x0  }
0x46: {  	s3 =	rddreg [dreg:$0x2];
	[bflag:$0x3] =	sbarrier.arrive $0xFFFF;
	s2 =	simm.s32 @!p0 $0x1C01  }
0x47: {  	[timem:s3], [sflag:s2] =	dma.local @!p0 [hbm:s0], s1  }
0x48: {  	s0 =	simm.s32 @!p0 $0x1  }
0x49: {  	_ =	swait.ge @!p0 [sflag:s0], s1  }
0x4a: {  	s1 =	ssub.s32 @!p0 $0x0, s1;
	[sflag:s0] =	ssyncset.done @!p0 $0x0  }
0x4b: {  	[sflag:s0] =	ssyncadd.s32 @!p0 s1  }
0x4c: {  	[bflag:$0x3] =	sbarrier.arrive $0xFFFF  }
0x4d: {  	_ =	shalt  }

</sc_bundles>
